<compile_context>
chip_gen: v7x
topology: tpu7x:2x2x1
jax: 0.10.2.dev20260603
libtpu: 0.0.44.dev20260713+nightly
codegen_flags: <defaults>
</compile_context>

<pallas_src>
import functools

import jax
import jax.numpy as jnp
from jax import lax
from jax.experimental import pallas as pl
from jax.experimental.pallas import tpu as pltpu
from jax.experimental.pallas import tpu_sc as plsc

N_NODES = 100000
N_PIX = 262144
L = 16
NC, NS = 2, 16
NW = NC * NS
T = 3328
NPAD = NW * T
GROUPS = T // L
SBLK = 4 * T
NSS = NPAD // SBLK
CHUNK = SBLK // 13
NS_ACT = 13
PPT = N_PIX // NW
PIX_CHUNK = 2048

_mesh = plsc.VectorSubcoreMesh(core_axis_name="c", subcore_axis_name="s")


@functools.partial(
    pl.kernel,
    out_type=(
        jax.ShapeDtypeStruct((NPAD,), jnp.int32),
        jax.ShapeDtypeStruct((NPAD,), jnp.float32),
    ),
    mesh=_mesh,
    compiler_params=pltpu.CompilerParams(needs_layout_passes=False),
    scratch_types=[
        pltpu.VMEM((T,), jnp.float32),
        pltpu.VMEM((T,), jnp.float32),
        pltpu.VMEM((T,), jnp.float32),
        pltpu.VMEM((T,), jnp.int32),
        pltpu.VMEM((T,), jnp.float32),
        pltpu.VMEM((L,), jnp.float32),
        pltpu.VMEM((T,), jnp.int32),
        pltpu.VMEM((T,), jnp.float32),
        pltpu.VMEM((2 * T,), jnp.int32),
        pltpu.VMEM((2 * T,), jnp.float32),
        pltpu.VMEM_SHARED((NPAD,), jnp.float32),
        pltpu.VMEM_SHARED((NS * T,), jnp.int32),
        pltpu.VMEM_SHARED((NS * T,), jnp.float32),
        pltpu.SemaphoreType.DMA,
    ],
)
def _compress(attr_hbm, thr_hbm, par_hbm, lev_hbm, e_hbm, s_hbm,
              lev_v, lvlp_v, attr_v, p_v, s_v, thr_v,
              pe_v, ps_v, pe2_v, ps2_v, lev_sp, e_pub, s_pub, sem):
    cid = lax.axis_index("c")
    sid = lax.axis_index("s")
    wid = cid * NS + sid
    base = wid * T
    lb = jnp.maximum(base, 1)

    @pl.when(sid == 0)
    def _stage():
        pltpu.sync_copy(lev_hbm, lev_sp)

    pltpu.sync_copy(par_hbm.at[pl.ds(base, T)], p_v)
    pltpu.sync_copy(lev_hbm.at[pl.ds(base, T)], lev_v)
    pltpu.sync_copy(attr_hbm.at[pl.ds(base, T)], attr_v)
    pltpu.sync_copy(thr_hbm, thr_v)
    plsc.subcore_barrier()
    pltpu.async_copy(lev_sp.at[p_v], lvlp_v, sem).wait()

    thr = thr_v[...]

    @plsc.parallel_loop(0, T, L, unroll=4)
    def _cbody(o):
        a = attr_v[pl.ds(o, L)]
        x = jnp.clip(1000.0 * (a - thr), -12.0, 12.0)
        sg = 1.0 / (1.0 + jnp.exp(-x))
        s_v[pl.ds(o, L)] = sg * (lev_v[pl.ds(o, L)] - lvlp_v[pl.ds(o, L)])

    def group(j, _):
        o = j * L
        vp0 = p_v[pl.ds(o, L)]
        c = s_v[pl.ds(o, L)]

        def cond(carry):
            vp, _ = carry
            cnt = plsc.all_reduce_population_count(vp >= lb)
            return cnt[0] > 0

        def body(carry):
            vp, vs = carry
            m = vp >= lb
            idx = jnp.where(m, vp - base, 0)
            gs = plsc.load_gather(s_v, [idx])
            gp = plsc.load_gather(p_v, [idx])
            vs = vs + jnp.where(m, gs, 0.0)
            vp = jnp.where(m, gp, vp)
            return vp, vs

        vp, vs = lax.while_loop(cond, body, body(body((vp0, c))))
        p_v[pl.ds(o, L)] = vp
        s_v[pl.ds(o, L)] = vs
        return _

    lax.fori_loop(0, GROUPS, group, None)

    loc = sid * T
    pltpu.sync_copy(p_v, e_pub.at[pl.ds(loc, T)])
    pltpu.sync_copy(s_v, s_pub.at[pl.ds(loc, T)])
    plsc.subcore_barrier()

    def merge(lo_base_loc, pe, ps):
        glob_lo = cid * NS * T + lo_base_loc

        def mgroup(j, _):
            o = j * L
            vp = p_v[pl.ds(o, L)]
            vs = s_v[pl.ds(o, L)]
            m = vp >= glob_lo
            idx = jnp.where(m, vp - glob_lo, 0)
            gs = plsc.load_gather(ps, [idx])
            gp = plsc.load_gather(pe, [idx])
            vs = vs + jnp.where(m, gs, 0.0)
            vp = jnp.where(m, gp, vp)
            p_v[pl.ds(o, L)] = vp
            s_v[pl.ds(o, L)] = vs
            return _

        lax.fori_loop(0, GROUPS, mgroup, None)

    @pl.when(sid % 2 == 1)
    def _pair_merge():
        pltpu.sync_copy(e_pub.at[pl.ds(loc - T, T)], pe_v)
        pltpu.sync_copy(s_pub.at[pl.ds(loc - T, T)], ps_v)
        merge(loc - T, pe_v, ps_v)
        pltpu.sync_copy(p_v, e_pub.at[pl.ds(loc, T)])
        pltpu.sync_copy(s_v, s_pub.at[pl.ds(loc, T)])

    plsc.subcore_barrier()

    @pl.when(sid % 4 >= 2)
    def _quad_merge():
        qloc = (sid // 4) * (4 * T)
        pltpu.sync_copy(e_pub.at[pl.ds(qloc, 2 * T)], pe2_v)
        pltpu.sync_copy(s_pub.at[pl.ds(qloc, 2 * T)], ps2_v)
        merge(qloc, pe2_v, ps2_v)

    pltpu.sync_copy(p_v, e_hbm.at[pl.ds(base, T)])
    pltpu.sync_copy(s_v, s_hbm.at[pl.ds(base, T)])


@functools.partial(
    pl.kernel,
    out_type=jax.ShapeDtypeStruct((N_PIX,), jnp.float32),
    mesh=_mesh,
    compiler_params=pltpu.CompilerParams(needs_layout_passes=False),
    scratch_types=[
        pltpu.VMEM((NSS * CHUNK,), jnp.int32),
        pltpu.VMEM((NSS * CHUNK,), jnp.float32),
        pltpu.VMEM((CHUNK,), jnp.float32),
        pltpu.VMEM((CHUNK,), jnp.float32),
        pltpu.VMEM((PPT,), jnp.int32),
        pltpu.VMEM((PPT,), jnp.float32),
        pltpu.VMEM((128,), jnp.float32),
        pltpu.VMEM_SHARED((NPAD,), jnp.float32),
        pltpu.SemaphoreType.DMA,
        pltpu.SemaphoreType.DMA,
        pltpu.SemaphoreType.DMA,
    ],
)
def _hookup(e_hbm, s_hbm, lev_hbm, p2n_hbm, y_hbm,
            e_c, s_c, g_c, r_c, pix_v, y_v, lev128_v, rec_sp,
            sem_p, sem_c, sem_y):
    cid = lax.axis_index("c")
    sid = lax.axis_index("s")
    wid = sid * NC + cid
    active = sid < NS_ACT

    chunk_loads = []
    for b in range(NSS):
        src = b * SBLK + sid * CHUNK
        dst = b * CHUNK
        chunk_loads.append(pltpu.async_copy(
            e_hbm.at[pl.ds(src, CHUNK)], e_c.at[pl.ds(dst, CHUNK)], sem_c))
        chunk_loads.append(pltpu.async_copy(
            s_hbm.at[pl.ds(src, CHUNK)], s_c.at[pl.ds(dst, CHUNK)], sem_c))

    pbase = wid * PPT
    pix_loads = [
        pltpu.async_copy(
            p2n_hbm.at[pl.ds(pbase + ch * PIX_CHUNK, PIX_CHUNK)],
            pix_v.at[pl.ds(ch * PIX_CHUNK, PIX_CHUNK)], sem_p)
        for ch in range(PPT // PIX_CHUNK)
    ]
    pltpu.sync_copy(lev_hbm.at[pl.ds(0, 128)], lev128_v)

    @pl.when(sid == 2)
    def _init_rec():
        pltpu.sync_copy(lev128_v, rec_sp.at[pl.ds(0, 128)])

    for cp in chunk_loads:
        cp.wait()
    plsc.subcore_barrier()

    def superstep(b, _):
        @pl.when(active)
        def _compute():
            nbase = b * SBLK + sid * CHUNK
            cbase = b * CHUNK
            pltpu.async_copy(
                rec_sp.at[e_c.at[pl.ds(cbase, CHUNK)]], g_c, sem_c).wait()
            for j in range(CHUNK // L):
                r_c[pl.ds(j * L, L)] = (s_c[pl.ds(cbase + j * L, L)]
                                        + g_c[pl.ds(j * L, L)])
            pltpu.sync_copy(r_c, rec_sp.at[pl.ds(nbase, CHUNK)])

        plsc.subcore_barrier()
        return _

    lax.fori_loop(0, NSS, superstep, None)

    gathers = []
    for ch in range(PPT // PIX_CHUNK):
        pix_loads[ch].wait()
        gathers.append(pltpu.async_copy(
            rec_sp.at[pix_v.at[pl.ds(ch * PIX_CHUNK, PIX_CHUNK)]],
            y_v.at[pl.ds(ch * PIX_CHUNK, PIX_CHUNK)], sem_c))
    stores = []
    for ch in range(PPT // PIX_CHUNK):
        gathers[ch].wait()
        stores.append(pltpu.async_copy(
            y_v.at[pl.ds(ch * PIX_CHUNK, PIX_CHUNK)],
            y_hbm.at[pl.ds(pbase + ch * PIX_CHUNK, PIX_CHUNK)], sem_y))
    for st in stores:
        st.wait()


def kernel(attr_scaled_1d, threshold_norm, parent, level, pixel_to_node):
    pad = NPAD - N_NODES
    attr_p = jnp.concatenate(
        [attr_scaled_1d, jnp.zeros((pad,), jnp.float32)])
    lev_p = jnp.concatenate([level, jnp.zeros((pad,), jnp.float32)])
    par_p = jnp.concatenate(
        [parent.astype(jnp.int32), jnp.zeros((pad,), jnp.int32)])
    thr16 = jnp.broadcast_to(threshold_norm.astype(jnp.float32), (L,))
    p2n = pixel_to_node.astype(jnp.int32)

    e, s = _compress(attr_p, thr16, par_p, lev_p)
    return _hookup(e, s, lev_p, p2n)

# --- scband reference (transcript-rebuilt; emitter-appended) ---
"""Pipeline reference for scband-connected-filter-layer-by-single-threshold-62079457296803 (READ-ONLY COPY).

The authoritative reference and input builder live on the scoring server;
editing this copy changes nothing except your own understanding.
"""

import jax, jax.numpy as jnp
import numpy as np

N_NODES = 100000
N_PIX = 262144  # 512x512 image
BETA_F = 1000.0
BETA_B = 1.0
CLAMP = True


def setup_inputs(seed: int = 0) -> dict:
    # Build a valid morphological-tree parent array: parent[i] < i, root=0 self-loop.
    rng = np.random.default_rng(0)
    parent = np.zeros(N_NODES, dtype=np.int64)
    parent[1:] = (rng.random(N_NODES - 1) * np.arange(1, N_NODES)).astype(np.int64)

    key = jax.random.key(seed)
    k1, k2, k3, k4 = jax.random.split(key, 4)
    attr_scaled_1d = jax.random.uniform(k1, (N_NODES,), dtype=jnp.float32)
    threshold_norm = jax.random.uniform(k2, (1,), dtype=jnp.float32)
    level = jax.random.uniform(k3, (N_NODES,), dtype=jnp.float32)
    pixel_to_node = jax.random.randint(k4, (N_PIX,), 0, N_NODES).astype(jnp.int64)
    return {
        "attr_scaled_1d": attr_scaled_1d,
        "threshold_norm": threshold_norm,
        "parent": jnp.asarray(parent),
        "level": level,
        "pixel_to_node": pixel_to_node,
    }


def _connected_filtering(sig, parent, level):
    """Differentiable connected filtering on a max-tree.

    Reconstruction: rec[v] = level[root] + sum_{u on root->v path, u != root}
                              sig[u] * (level[u] - level[parent(u)])
    Implemented with parallel pointer-jumping (log-depth), which is a chain of
    gathers + adds -> SparseCore-friendly, memory bound.
    """
    n = sig.shape[0]
    parent_level = level[parent]
    delta = level - parent_level  # root (parent=self) contributes 0
    c = sig * delta
    # sentinel node n: zero contribution, self-loop; root points to sentinel
    c_ext = jnp.concatenate([c, jnp.zeros((1,), dtype=c.dtype)])
    ptr = jnp.concatenate([parent.at[0].set(n), jnp.array([n], dtype=parent.dtype)])
    acc = c_ext
    n_iter = int(np.ceil(np.log2(n + 1)))
    for _ in range(n_iter):
        acc = acc + acc[ptr]
        ptr = ptr[ptr]
    return level[0] + acc[:n]


def reference(attr_scaled_1d, threshold_norm, parent, level, pixel_to_node):
    # logits = attr - threshold (forward of ConnectedFilterFunctionBySingleThreshold)
    logits = attr_scaled_1d - threshold_norm.reshape(())
    s = BETA_F * logits
    if CLAMP:
        s = jnp.clip(s, -12.0, 12.0)
    sig_fwd = jax.nn.sigmoid(s)  # nearly-hard forward sigmoid (beta_f=1000)
    sig_bwd = jax.nn.sigmoid(BETA_B * logits)  # soft sigmoid used in backward (STE)
    # forward-hard / backward-soft straight-through estimator
    sig = sig_bwd + jax.lax.stop_gradient(sig_fwd - sig_bwd)
    rec_nodes = _connected_filtering(sig, parent, level)
    # map node reconstruction back to pixels (filtered image, flattened)
    y_pred = rec_nodes[pixel_to_node]
    return y_pred

if __name__ == "__main__":
    import jax
    _d = setup_inputs()
    print(jax.jit(kernel)(*tuple(_d.values())))

</pallas_src>

<mosaic_0001>
#map = affine_map<(d0, d1) -> (0)>
module attributes {stable_mosaic.version = 14 : i64} {
  func.func @_compress(%arg0: i32, %arg1: i32, %arg2: memref<106496xf32, #tpu.memory_space<hbm>>, %arg3: memref<16xf32, #tpu.memory_space<hbm>>, %arg4: memref<106496xi32, #tpu.memory_space<hbm>>, %arg5: memref<106496xf32, #tpu.memory_space<hbm>>, %arg6: memref<106496xi32, #tpu.memory_space<hbm>>, %arg7: memref<106496xf32, #tpu.memory_space<hbm>>, %arg8: memref<3328xf32, #tpu.memory_space<vmem>>, %arg9: memref<3328xf32, #tpu.memory_space<vmem>>, %arg10: memref<3328xf32, #tpu.memory_space<vmem>>, %arg11: memref<3328xi32, #tpu.memory_space<vmem>>, %arg12: memref<3328xf32, #tpu.memory_space<vmem>>, %arg13: memref<16xf32, #tpu.memory_space<vmem>>, %arg14: memref<3328xi32, #tpu.memory_space<vmem>>, %arg15: memref<3328xf32, #tpu.memory_space<vmem>>, %arg16: memref<6656xi32, #tpu.memory_space<vmem>>, %arg17: memref<6656xf32, #tpu.memory_space<vmem>>, %arg18: memref<106496xf32, #tpu.memory_space<vmem_shared>>, %arg19: memref<53248xi32, #tpu.memory_space<vmem_shared>>, %arg20: memref<53248xf32, #tpu.memory_space<vmem_shared>>, %arg21: memref<!tpu.dma_semaphore, #tpu.memory_space<semaphore_mem>>) attributes {dimension_semantics = [#tpu.dimension_semantics<core_parallel>, #tpu.dimension_semantics<subcore_parallel>], iteration_bounds = array<i64: 2, 16>, scalar_prefetch = 0 : i64, scratch_operands = 14 : i64, tpu.core_type = #tpu.core_type<sc_vector_subcore>, window_params = [{transform_indices = #map}, {transform_indices = #map}, {transform_indices = #map}, {transform_indices = #map}, {transform_indices = #map}, {transform_indices = #map}]} {
    %mul3A = arith.constant 16 : i32
    %mul3A_0 = arith.muli %arg0, %mul3A : i32
    %add3A = arith.addi %mul3A_0, %arg1 : i32
    %mul3A_1 = arith.constant 3328 : i32
    %mul3A_2 = arith.muli %add3A, %mul3A_1 : i32
    %max3A = arith.constant 1 : i32
    %max3A_3 = arith.maxsi %mul3A_2, %max3A : i32
    %eq3A = arith.constant 0 : i32
    %eq3A_4 = arith.cmpi eq, %arg1, %eq3A : i32
    %convert_element_type3A = arith.extui %eq3A_4 : i1 to i32
    %cond3A = arith.constant 0 : i32
    %cond3A_5 = arith.cmpi ne, %convert_element_type3A, %cond3A : i32
    scf.if %cond3A_5 {
      "tpu.region"() ({
        %run_scoped3A = tpu.sem_alloc : memref<!tpu.dma_semaphore, #tpu.memory_space<semaphore_mem>>
        tpu.enqueue_dma source(%arg5 : memref<106496xf32, #tpu.memory_space<hbm>>) target(%arg18 : memref<106496xf32, #tpu.memory_space<vmem_shared>>) target_semaphore(%run_scoped3A : memref<!tpu.dma_semaphore, #tpu.memory_space<semaphore_mem>>)
        tpu.wait_dma2 semaphore(%run_scoped3A : memref<!tpu.dma_semaphore, #tpu.memory_space<semaphore_mem>>) src(%arg5 : memref<106496xf32, #tpu.memory_space<hbm>>) dst(%arg18 : memref<106496xf32, #tpu.memory_space<vmem_shared>>)
        tpu.yield
      }) : () -> ()
    } else {
    }
    "tpu.region"() ({
      %run_scoped3A = tpu.sem_alloc : memref<!tpu.dma_semaphore, #tpu.memory_space<semaphore_mem>>
      %dma_start3A_54 = tpu.memref_slice %arg4[%mul3A_2] : memref<106496xi32, #tpu.memory_space<hbm>> -> memref<3328xi32, #tpu.memory_space<hbm>>
      %dma_start3A_55 = tpu.memref_slice %arg4[%mul3A_2] : memref<106496xi32, #tpu.memory_space<hbm>> -> memref<3328xi32, #tpu.memory_space<hbm>>
      tpu.enqueue_dma source(%dma_start3A_55 : memref<3328xi32, #tpu.memory_space<hbm>>) target(%arg11 : memref<3328xi32, #tpu.memory_space<vmem>>) target_semaphore(%run_scoped3A : memref<!tpu.dma_semaphore, #tpu.memory_space<semaphore_mem>>)
      %dma_wait3A_56 = tpu.memref_slice %arg4[%mul3A_2] : memref<106496xi32, #tpu.memory_space<hbm>> -> memref<3328xi32, #tpu.memory_space<hbm>>
      %dma_wait3A_57 = tpu.memref_slice %arg4[%mul3A_2] : memref<106496xi32, #tpu.memory_space<hbm>> -> memref<3328xi32, #tpu.memory_space<hbm>>
      tpu.wait_dma2 semaphore(%run_scoped3A : memref<!tpu.dma_semaphore, #tpu.memory_space<semaphore_mem>>) src(%dma_wait3A_57 : memref<3328xi32, #tpu.memory_space<hbm>>) dst(%arg11 : memref<3328xi32, #tpu.memory_space<vmem>>)
      tpu.yield
    }) : () -> ()
    "tpu.region"() ({
      %run_scoped3A = tpu.sem_alloc : memref<!tpu.dma_semaphore, #tpu.memory_space<semaphore_mem>>
      %dma_start3A_54 = tpu.memref_slice %arg5[%mul3A_2] : memref<106496xf32, #tpu.memory_space<hbm>> -> memref<3328xf32, #tpu.memory_space<hbm>>
      %dma_start3A_55 = tpu.memref_slice %arg5[%mul3A_2] : memref<106496xf32, #tpu.memory_space<hbm>> -> memref<3328xf32, #tpu.memory_space<hbm>>
      tpu.enqueue_dma source(%dma_start3A_55 : memref<3328xf32, #tpu.memory_space<hbm>>) target(%arg8 : memref<3328xf32, #tpu.memory_space<vmem>>) target_semaphore(%run_scoped3A : memref<!tpu.dma_semaphore, #tpu.memory_space<semaphore_mem>>)
      %dma_wait3A_56 = tpu.memref_slice %arg5[%mul3A_2] : memref<106496xf32, #tpu.memory_space<hbm>> -> memref<3328xf32, #tpu.memory_space<hbm>>
      %dma_wait3A_57 = tpu.memref_slice %arg5[%mul3A_2] : memref<106496xf32, #tpu.memory_space<hbm>> -> memref<3328xf32, #tpu.memory_space<hbm>>
      tpu.wait_dma2 semaphore(%run_scoped3A : memref<!tpu.dma_semaphore, #tpu.memory_space<semaphore_mem>>) src(%dma_wait3A_57 : memref<3328xf32, #tpu.memory_space<hbm>>) dst(%arg8 : memref<3328xf32, #tpu.memory_space<vmem>>)
      tpu.yield
    }) : () -> ()
    "tpu.region"() ({
      %run_scoped3A = tpu.sem_alloc : memref<!tpu.dma_semaphore, #tpu.memory_space<semaphore_mem>>
      %dma_start3A_54 = tpu.memref_slice %arg2[%mul3A_2] : memref<106496xf32, #tpu.memory_space<hbm>> -> memref<3328xf32, #tpu.memory_space<hbm>>
      %dma_start3A_55 = tpu.memref_slice %arg2[%mul3A_2] : memref<106496xf32, #tpu.memory_space<hbm>> -> memref<3328xf32, #tpu.memory_space<hbm>>
      tpu.enqueue_dma source(%dma_start3A_55 : memref<3328xf32, #tpu.memory_space<hbm>>) target(%arg10 : memref<3328xf32, #tpu.memory_space<vmem>>) target_semaphore(%run_scoped3A : memref<!tpu.dma_semaphore, #tpu.memory_space<semaphore_mem>>)
      %dma_wait3A_56 = tpu.memref_slice %arg2[%mul3A_2] : memref<106496xf32, #tpu.memory_space<hbm>> -> memref<3328xf32, #tpu.memory_space<hbm>>
      %dma_wait3A_57 = tpu.memref_slice %arg2[%mul3A_2] : memref<106496xf32, #tpu.memory_space<hbm>> -> memref<3328xf32, #tpu.memory_space<hbm>>
      tpu.wait_dma2 semaphore(%run_scoped3A : memref<!tpu.dma_semaphore, #tpu.memory_space<semaphore_mem>>) src(%dma_wait3A_57 : memref<3328xf32, #tpu.memory_space<hbm>>) dst(%arg10 : memref<3328xf32, #tpu.memory_space<vmem>>)
      tpu.yield
    }) : () -> ()
    "tpu.region"() ({
      %run_scoped3A = tpu.sem_alloc : memref<!tpu.dma_semaphore, #tpu.memory_space<semaphore_mem>>
      tpu.enqueue_dma source(%arg3 : memref<16xf32, #tpu.memory_space<hbm>>) target(%arg13 : memref<16xf32, #tpu.memory_space<vmem>>) target_semaphore(%run_scoped3A : memref<!tpu.dma_semaphore, #tpu.memory_space<semaphore_mem>>)
      tpu.wait_dma2 semaphore(%run_scoped3A : memref<!tpu.dma_semaphore, #tpu.memory_space<semaphore_mem>>) src(%arg3 : memref<16xf32, #tpu.memory_space<hbm>>) dst(%arg13 : memref<16xf32, #tpu.memory_space<vmem>>)
      tpu.yield
    }) : () -> ()
    %barrier3A = arith.constant 0 : index
    tpu.barrier barrier_id(%barrier3A)
    %dma_start3A = arith.constant 0 : i32
    %dma_start3A_6 = tpu.memref_slice %arg18[%dma_start3A] : memref<106496xf32, #tpu.memory_space<vmem_shared>> -> memref<106496xf32, #tpu.memory_space<vmem_shared>>
    tpu.enqueue_indirect_dma source(%dma_start3A_6 : memref<106496xf32, #tpu.memory_space<vmem_shared>>) target(%arg9 : memref<3328xf32, #tpu.memory_space<vmem>>) offsets(%arg11 : memref<3328xi32, #tpu.memory_space<vmem>>) semaphore(%arg21 : memref<!tpu.dma_semaphore, #tpu.memory_space<semaphore_mem>>)
    %dma_wait3A = arith.constant 0 : i32
    %dma_wait3A_7 = tpu.memref_slice %arg18[%dma_wait3A] : memref<106496xf32, #tpu.memory_space<vmem_shared>> -> memref<106496xf32, #tpu.memory_space<vmem_shared>>
    tpu.wait_indirect_dma semaphore(%arg21 : memref<!tpu.dma_semaphore, #tpu.memory_space<semaphore_mem>>) src(%dma_wait3A_7 : memref<106496xf32, #tpu.memory_space<vmem_shared>>) dst(%arg9 : memref<3328xf32, #tpu.memory_space<vmem>>)
    %get3A = arith.constant 0 : index
    %get3A_8 = tpu.vector_load %arg13[%get3A] {strides = array<i32>} : memref<16xf32, #tpu.memory_space<vmem>>, vector<16xf32>,
    %parallel_loop3A = arith.constant 0 : i32
    %parallel_loop3A_9 = arith.constant 3328 : i32
    %parallel_loop3A_10 = arith.constant 16 : i32
    scf.for %parallel_loop3A_54 = %parallel_loop3A to %parallel_loop3A_9 step %parallel_loop3A_10  : i32 {
      %parallel_loop3A_55 = arith.index_cast %parallel_loop3A_54 : i32 to index
      %parallel_loop3A_56 = tpu.vector_load %arg10[%parallel_loop3A_55] {strides = array<i32>} : memref<3328xf32, #tpu.memory_space<vmem>>, vector<16xf32>,
      %parallel_loop3A_57 = arith.subf %parallel_loop3A_56, %get3A_8 : vector<16xf32>
      %parallel_loop3A_58 = arith.constant 1.000000e+03 : f32
      %parallel_loop3A_59 = vector.broadcast %parallel_loop3A_58 : f32 to vector<16xf32>
      %parallel_loop3A_60 = arith.mulf %parallel_loop3A_59, %parallel_loop3A_57 : vector<16xf32>
      %parallel_loop3A_61 = arith.constant -1.200000e+01 : f32
      %parallel_loop3A_62 = arith.constant 1.200000e+01 : f32
      %parallel_loop3A_63 = vector.broadcast %parallel_loop3A_61 : f32 to vector<16xf32>
      %parallel_loop3A_64 = arith.maximumf %parallel_loop3A_63, %parallel_loop3A_60 : vector<16xf32>
      %parallel_loop3A_65 = vector.broadcast %parallel_loop3A_62 : f32 to vector<16xf32>
      %parallel_loop3A_66 = arith.minimumf %parallel_loop3A_65, %parallel_loop3A_64 : vector<16xf32>
      %parallel_loop3A_67 = arith.constant 0.000000e+00 : f32
      %parallel_loop3A_68 = vector.broadcast %parallel_loop3A_67 : f32 to vector<16xf32>
      %parallel_loop3A_69 = arith.subf %parallel_loop3A_68, %parallel_loop3A_66 : vector<16xf32>
      %parallel_loop3A_70 = math.exp %parallel_loop3A_69 : vector<16xf32>
      %parallel_loop3A_71 = arith.constant 1.000000e+00 : f32
      %parallel_loop3A_72 = vector.broadcast %parallel_loop3A_71 : f32 to vector<16xf32>
      %parallel_loop3A_73 = arith.addf %parallel_loop3A_72, %parallel_loop3A_70 : vector<16xf32>
      %parallel_loop3A_74 = arith.constant 1.000000e+00 : f32
      %parallel_loop3A_75 = vector.broadcast %parallel_loop3A_74 : f32 to vector<16xf32>
      %parallel_loop3A_76 = arith.divf %parallel_loop3A_75, %parallel_loop3A_73 : vector<16xf32>
      %parallel_loop3A_77 = arith.index_cast %parallel_loop3A_54 : i32 to index
      %parallel_loop3A_78 = tpu.vector_load %arg8[%parallel_loop3A_77] {strides = array<i32>} : memref<3328xf32, #tpu.memory_space<vmem>>, vector<16xf32>,
      %parallel_loop3A_79 = arith.index_cast %parallel_loop3A_54 : i32 to index
      %parallel_loop3A_80 = tpu.vector_load %arg9[%parallel_loop3A_79] {strides = array<i32>} : memref<3328xf32, #tpu.memory_space<vmem>>, vector<16xf32>,
      %parallel_loop3A_81 = arith.subf %parallel_loop3A_78, %parallel_loop3A_80 : vector<16xf32>
      %parallel_loop3A_82 = arith.mulf %parallel_loop3A_76, %parallel_loop3A_81 : vector<16xf32>
      %parallel_loop3A_83 = arith.index_cast %parallel_loop3A_54 : i32 to index
      %parallel_loop3A_84 = tpu.vector_load %arg12[%parallel_loop3A_83] {strides = array<i32>} : memref<3328xf32, #tpu.memory_space<vmem>>, vector<16xf32>,
      tpu.vector_store %arg12[%parallel_loop3A_83], %parallel_loop3A_82 {strides = array<i32>} : memref<3328xf32, #tpu.memory_space<vmem>>, vector<16xf32>,
    } {sc.loop_unroll_factor = 4 : i64, sc.parallel_access}
    %scan3A = arith.constant 0 : i32
    %scan3A_11 = arith.constant 208 : i32
    %scan3A_12 = arith.addi %scan3A, %scan3A_11 : i32
    %scan3A_13 = arith.constant 1 : i32
    scf.for %scan3A_54 = %scan3A to %scan3A_12 step %scan3A_13  : i32 {
      %mul3A_55 = arith.constant 16 : i32
      %mul3A_56 = arith.muli %scan3A_54, %mul3A_55 : i32
      %get3A_57 = arith.index_cast %mul3A_56 : i32 to index
      %get3A_58 = tpu.vector_load %arg11[%get3A_57] {strides = array<i32>} : memref<3328xi32, #tpu.memory_space<vmem>>, vector<16xi32>,
      %get3A_59 = arith.index_cast %mul3A_56 : i32 to index
      %get3A_60 = tpu.vector_load %arg12[%get3A_59] {strides = array<i32>} : memref<3328xf32, #tpu.memory_space<vmem>>, vector<16xf32>,
      %ge3A_61 = vector.broadcast %max3A_3 : i32 to vector<16xi32>
      %ge3A_62 = arith.cmpi sge, %get3A_58, %ge3A_61 : vector<16xi32>
      %sub3A = vector.broadcast %mul3A_2 : i32 to vector<16xi32>
      %sub3A_63 = arith.subi %get3A_58, %sub3A : vector<16xi32>
      %jit3A_64 = arith.constant 0 : i32
      %broadcast_in_dim3A = vector.broadcast %jit3A_64 : i32 to vector<16xi32>
      %select_n3A_65 = arith.select %ge3A_62, %sub3A_63, %broadcast_in_dim3A : vector<16xi1>, vector<16xi32>
      %gather3A = tpu.vector_load_idx %arg12[%select_n3A_65] : memref<3328xf32, #tpu.memory_space<vmem>>[vector<16xi32>], vector<16xf32>,
      %gather3A_66 = tpu.vector_load_idx %arg11[%select_n3A_65] : memref<3328xi32, #tpu.memory_space<vmem>>[vector<16xi32>], vector<16xi32>,
      %jit3A_67 = arith.constant 0.000000e+00 : f32
      %broadcast_in_dim3A_68 = vector.broadcast %jit3A_67 : f32 to vector<16xf32>
      %select_n3A_69 = arith.select %ge3A_62, %gather3A, %broadcast_in_dim3A_68 : vector<16xi1>, vector<16xf32>
      %add3A_70 = arith.addf %get3A_60, %select_n3A_69 : vector<16xf32>
      %select_n3A_71 = arith.select %ge3A_62, %gather3A_66, %get3A_58 : vector<16xi1>, vector<16xi32>
      %ge3A_72 = vector.broadcast %max3A_3 : i32 to vector<16xi32>
      %ge3A_73 = arith.cmpi sge, %select_n3A_71, %ge3A_72 : vector<16xi32>
      %sub3A_74 = vector.broadcast %mul3A_2 : i32 to vector<16xi32>
      %sub3A_75 = arith.subi %select_n3A_71, %sub3A_74 : vector<16xi32>
      %jit3A_76 = arith.constant 0 : i32
      %broadcast_in_dim3A_77 = vector.broadcast %jit3A_76 : i32 to vector<16xi32>
      %select_n3A_78 = arith.select %ge3A_73, %sub3A_75, %broadcast_in_dim3A_77 : vector<16xi1>, vector<16xi32>
      %gather3A_79 = tpu.vector_load_idx %arg12[%select_n3A_78] : memref<3328xf32, #tpu.memory_space<vmem>>[vector<16xi32>], vector<16xf32>,
      %gather3A_80 = tpu.vector_load_idx %arg11[%select_n3A_78] : memref<3328xi32, #tpu.memory_space<vmem>>[vector<16xi32>], vector<16xi32>,
      %jit3A_81 = arith.constant 0.000000e+00 : f32
      %broadcast_in_dim3A_82 = vector.broadcast %jit3A_81 : f32 to vector<16xf32>
      %select_n3A_83 = arith.select %ge3A_73, %gather3A_79, %broadcast_in_dim3A_82 : vector<16xi1>, vector<16xf32>
      %add3A_84 = arith.addf %add3A_70, %select_n3A_83 : vector<16xf32>
      %select_n3A_85 = arith.select %ge3A_73, %gather3A_80, %select_n3A_71 : vector<16xi1>, vector<16xi32>
      %while3A:2 = scf.while (%while3A_89 = %select_n3A_85, %while3A_90 = %add3A_84) : (vector<16xi32>, vector<16xf32>) -> (vector<16xi32>, vector<16xf32>) {
        %ge3A_91 = vector.broadcast %max3A_3 : i32 to vector<16xi32>
        %ge3A_92 = arith.cmpi sge, %while3A_89, %ge3A_91 : vector<16xi32>
        %all_reduce_population_count3A = tpu.all_reduce %ge3A_92 {dim = 0 : i64, kind = #tpu.reduction_kind<sum>} : vector<16xi1> -> vector<16xi32>
        %slice3A = vector.extract_strided_slice %all_reduce_population_count3A {offsets = [0], sizes = [1], strides = [1]} : vector<16xi32> to vector<1xi32>
        %squeeze3A = vector.extract %slice3A[0] : i32 from vector<1xi32>
        %gt3A = arith.constant 0 : i32
        %gt3A_93 = arith.cmpi sgt, %squeeze3A, %gt3A : i32
        scf.condition(%gt3A_93) %while3A_89, %while3A_90 : vector<16xi32>, vector<16xf32>
      } do {
      ^bb0(%while3A_89: vector<16xi32>, %while3A_90: vector<16xf32>):
        %ge3A_91 = vector.broadcast %max3A_3 : i32 to vector<16xi32>
        %ge3A_92 = arith.cmpi sge, %while3A_89, %ge3A_91 : vector<16xi32>
        %sub3A_93 = vector.broadcast %mul3A_2 : i32 to vector<16xi32>
        %sub3A_94 = arith.subi %while3A_89, %sub3A_93 : vector<16xi32>
        %jit3A_95 = arith.constant 0 : i32
        %broadcast_in_dim3A_96 = vector.broadcast %jit3A_95 : i32 to vector<16xi32>
        %select_n3A_97 = arith.select %ge3A_92, %sub3A_94, %broadcast_in_dim3A_96 : vector<16xi1>, vector<16xi32>
        %gather3A_98 = tpu.vector_load_idx %arg12[%select_n3A_97] : memref<3328xf32, #tpu.memory_space<vmem>>[vector<16xi32>], vector<16xf32>,
        %gather3A_99 = tpu.vector_load_idx %arg11[%select_n3A_97] : memref<3328xi32, #tpu.memory_space<vmem>>[vector<16xi32>], vector<16xi32>,
        %jit3A_100 = arith.constant 0.000000e+00 : f32
        %broadcast_in_dim3A_101 = vector.broadcast %jit3A_100 : f32 to vector<16xf32>
        %select_n3A_102 = arith.select %ge3A_92, %gather3A_98, %broadcast_in_dim3A_101 : vector<16xi1>, vector<16xf32>
        %add3A_103 = arith.addf %while3A_90, %select_n3A_102 : vector<16xf32>
        %select_n3A_104 = arith.select %ge3A_92, %gather3A_99, %while3A_89 : vector<16xi1>, vector<16xi32>
        scf.yield %select_n3A_104, %add3A_103 : vector<16xi32>, vector<16xf32>
      }
      %swap3A = arith.index_cast %mul3A_56 : i32 to index
      %swap3A_86 = tpu.vector_load %arg11[%swap3A] {strides = array<i32>} : memref<3328xi32, #tpu.memory_space<vmem>>, vector<16xi32>,
      tpu.vector_store %arg11[%swap3A], %while3A#0 {strides = array<i32>} : memref<3328xi32, #tpu.memory_space<vmem>>, vector<16xi32>,
      %swap3A_87 = arith.index_cast %mul3A_56 : i32 to index
      %swap3A_88 = tpu.vector_load %arg12[%swap3A_87] {strides = array<i32>} : memref<3328xf32, #tpu.memory_space<vmem>>, vector<16xf32>,
      tpu.vector_store %arg12[%swap3A_87], %while3A#1 {strides = array<i32>} : memref<3328xf32, #tpu.memory_space<vmem>>, vector<16xf32>,
    }
    %scan3A_14 = arith.constant 208 : i32
    %mul3A_15 = arith.constant 3328 : i32
    %mul3A_16 = arith.muli %arg1, %mul3A_15 : i32
    "tpu.region"() ({
      %run_scoped3A = tpu.sem_alloc : memref<!tpu.dma_semaphore, #tpu.memory_space<semaphore_mem>>
      %dma_start3A_54 = tpu.memref_slice %arg19[%mul3A_16] : memref<53248xi32, #tpu.memory_space<vmem_shared>> -> memref<3328xi32, #tpu.memory_space<vmem_shared>>
      %dma_start3A_55 = tpu.memref_slice %arg19[%mul3A_16] : memref<53248xi32, #tpu.memory_space<vmem_shared>> -> memref<3328xi32, #tpu.memory_space<vmem_shared>>
      tpu.enqueue_dma source(%arg11 : memref<3328xi32, #tpu.memory_space<vmem>>) target(%dma_start3A_55 : memref<3328xi32, #tpu.memory_space<vmem_shared>>) target_semaphore(%run_scoped3A : memref<!tpu.dma_semaphore, #tpu.memory_space<semaphore_mem>>)
      %dma_wait3A_56 = tpu.memref_slice %arg19[%mul3A_16] : memref<53248xi32, #tpu.memory_space<vmem_shared>> -> memref<3328xi32, #tpu.memory_space<vmem_shared>>
      %dma_wait3A_57 = tpu.memref_slice %arg19[%mul3A_16] : memref<53248xi32, #tpu.memory_space<vmem_shared>> -> memref<3328xi32, #tpu.memory_space<vmem_shared>>
      tpu.wait_dma2 semaphore(%run_scoped3A : memref<!tpu.dma_semaphore, #tpu.memory_space<semaphore_mem>>) src(%arg11 : memref<3328xi32, #tpu.memory_space<vmem>>) dst(%dma_wait3A_57 : memref<3328xi32, #tpu.memory_space<vmem_shared>>)
      tpu.yield
    }) : () -> ()
    "tpu.region"() ({
      %run_scoped3A = tpu.sem_alloc : memref<!tpu.dma_semaphore, #tpu.memory_space<semaphore_mem>>
      %dma_start3A_54 = tpu.memref_slice %arg20[%mul3A_16] : memref<53248xf32, #tpu.memory_space<vmem_shared>> -> memref<3328xf32, #tpu.memory_space<vmem_shared>>
      %dma_start3A_55 = tpu.memref_slice %arg20[%mul3A_16] : memref<53248xf32, #tpu.memory_space<vmem_shared>> -> memref<3328xf32, #tpu.memory_space<vmem_shared>>
      tpu.enqueue_dma source(%arg12 : memref<3328xf32, #tpu.memory_space<vmem>>) target(%dma_start3A_55 : memref<3328xf32, #tpu.memory_space<vmem_shared>>) target_semaphore(%run_scoped3A : memref<!tpu.dma_semaphore, #tpu.memory_space<semaphore_mem>>)
      %dma_wait3A_56 = tpu.memref_slice %arg20[%mul3A_16] : memref<53248xf32, #tpu.memory_space<vmem_shared>> -> memref<3328xf32, #tpu.memory_space<vmem_shared>>
      %dma_wait3A_57 = tpu.memref_slice %arg20[%mul3A_16] : memref<53248xf32, #tpu.memory_space<vmem_shared>> -> memref<3328xf32, #tpu.memory_space<vmem_shared>>
      tpu.wait_dma2 semaphore(%run_scoped3A : memref<!tpu.dma_semaphore, #tpu.memory_space<semaphore_mem>>) src(%arg12 : memref<3328xf32, #tpu.memory_space<vmem>>) dst(%dma_wait3A_57 : memref<3328xf32, #tpu.memory_space<vmem_shared>>)
      tpu.yield
    }) : () -> ()
    %barrier3A_17 = arith.constant 0 : index
    tpu.barrier barrier_id(%barrier3A_17)
    %jit3A = arith.constant 2 : i32
    %eq3A_18 = arith.constant 0 : i32
    %eq3A_19 = arith.cmpi eq, %jit3A, %eq3A_18 : i32
    %jit3A_20 = arith.constant 1 : i32
    %select_n3A = arith.select %eq3A_19, %jit3A_20, %jit3A : i32
    %rem3A = arith.remsi %arg1, %select_n3A : i32
    %ne3A = arith.constant 0 : i32
    %ne3A_21 = arith.cmpi ne, %rem3A, %ne3A : i32
    %lt3A = arith.constant 0 : i32
    %lt3A_22 = arith.cmpi slt, %rem3A, %lt3A : i32
    %lt3A_23 = arith.constant 0 : i32
    %lt3A_24 = arith.cmpi slt, %select_n3A, %lt3A_23 : i32
    %ne3A_25 = arith.xori %lt3A_22, %lt3A_24 : i1
    %and3A = arith.andi %ne3A_25, %ne3A_21 : i1
    %add3A_26 = arith.addi %rem3A, %select_n3A : i32
    %select_n3A_27 = arith.select %and3A, %add3A_26, %rem3A : i32
    %eq3A_28 = arith.constant 1 : i32
    %eq3A_29 = arith.cmpi eq, %select_n3A_27, %eq3A_28 : i32
    %convert_element_type3A_30 = arith.extui %eq3A_29 : i1 to i32
    %cond3A_31 = arith.constant 0 : i32
    %cond3A_32 = arith.cmpi ne, %convert_element_type3A_30, %cond3A_31 : i32
    scf.if %cond3A_32 {
      %sub3A = arith.constant 3328 : i32
      %sub3A_54 = arith.subi %mul3A_16, %sub3A : i32
      "tpu.region"() ({
        %run_scoped3A = tpu.sem_alloc : memref<!tpu.dma_semaphore, #tpu.memory_space<semaphore_mem>>
        %dma_start3A_69 = tpu.memref_slice %arg19[%sub3A_54] : memref<53248xi32, #tpu.memory_space<vmem_shared>> -> memref<3328xi32, #tpu.memory_space<vmem_shared>>
        %dma_start3A_70 = tpu.memref_slice %arg19[%sub3A_54] : memref<53248xi32, #tpu.memory_space<vmem_shared>> -> memref<3328xi32, #tpu.memory_space<vmem_shared>>
        tpu.enqueue_dma source(%dma_start3A_70 : memref<3328xi32, #tpu.memory_space<vmem_shared>>) target(%arg14 : memref<3328xi32, #tpu.memory_space<vmem>>) target_semaphore(%run_scoped3A : memref<!tpu.dma_semaphore, #tpu.memory_space<semaphore_mem>>)
        %dma_wait3A_71 = tpu.memref_slice %arg19[%sub3A_54] : memref<53248xi32, #tpu.memory_space<vmem_shared>> -> memref<3328xi32, #tpu.memory_space<vmem_shared>>
        %dma_wait3A_72 = tpu.memref_slice %arg19[%sub3A_54] : memref<53248xi32, #tpu.memory_space<vmem_shared>> -> memref<3328xi32, #tpu.memory_space<vmem_shared>>
        tpu.wait_dma2 semaphore(%run_scoped3A : memref<!tpu.dma_semaphore, #tpu.memory_space<semaphore_mem>>) src(%dma_wait3A_72 : memref<3328xi32, #tpu.memory_space<vmem_shared>>) dst(%arg14 : memref<3328xi32, #tpu.memory_space<vmem>>)
        tpu.yield
      }) : () -> ()
      %sub3A_55 = arith.constant 3328 : i32
      %sub3A_56 = arith.subi %mul3A_16, %sub3A_55 : i32
      "tpu.region"() ({
        %run_scoped3A = tpu.sem_alloc : memref<!tpu.dma_semaphore, #tpu.memory_space<semaphore_mem>>
        %dma_start3A_69 = tpu.memref_slice %arg20[%sub3A_56] : memref<53248xf32, #tpu.memory_space<vmem_shared>> -> memref<3328xf32, #tpu.memory_space<vmem_shared>>
        %dma_start3A_70 = tpu.memref_slice %arg20[%sub3A_56] : memref<53248xf32, #tpu.memory_space<vmem_shared>> -> memref<3328xf32, #tpu.memory_space<vmem_shared>>
        tpu.enqueue_dma source(%dma_start3A_70 : memref<3328xf32, #tpu.memory_space<vmem_shared>>) target(%arg15 : memref<3328xf32, #tpu.memory_space<vmem>>) target_semaphore(%run_scoped3A : memref<!tpu.dma_semaphore, #tpu.memory_space<semaphore_mem>>)
        %dma_wait3A_71 = tpu.memref_slice %arg20[%sub3A_56] : memref<53248xf32, #tpu.memory_space<vmem_shared>> -> memref<3328xf32, #tpu.memory_space<vmem_shared>>
        %dma_wait3A_72 = tpu.memref_slice %arg20[%sub3A_56] : memref<53248xf32, #tpu.memory_space<vmem_shared>> -> memref<3328xf32, #tpu.memory_space<vmem_shared>>
        tpu.wait_dma2 semaphore(%run_scoped3A : memref<!tpu.dma_semaphore, #tpu.memory_space<semaphore_mem>>) src(%dma_wait3A_72 : memref<3328xf32, #tpu.memory_space<vmem_shared>>) dst(%arg15 : memref<3328xf32, #tpu.memory_space<vmem>>)
        tpu.yield
      }) : () -> ()
      %sub3A_57 = arith.constant 3328 : i32
      %sub3A_58 = arith.subi %mul3A_16, %sub3A_57 : i32
      %mul3A_59 = arith.constant 16 : i32
      %mul3A_60 = arith.muli %arg0, %mul3A_59 : i32
      %mul3A_61 = arith.constant 3328 : i32
      %mul3A_62 = arith.muli %mul3A_60, %mul3A_61 : i32
      %add3A_63 = arith.addi %mul3A_62, %sub3A_58 : i32
      %scan3A_64 = arith.constant 0 : i32
      %scan3A_65 = arith.constant 208 : i32
      %scan3A_66 = arith.addi %scan3A_64, %scan3A_65 : i32
      %scan3A_67 = arith.constant 1 : i32
      scf.for %scan3A_69 = %scan3A_64 to %scan3A_66 step %scan3A_67  : i32 {
        %mul3A_70 = arith.constant 16 : i32
        %mul3A_71 = arith.muli %scan3A_69, %mul3A_70 : i32
        %get3A_72 = arith.index_cast %mul3A_71 : i32 to index
        %get3A_73 = tpu.vector_load %arg11[%get3A_72] {strides = array<i32>} : memref<3328xi32, #tpu.memory_space<vmem>>, vector<16xi32>,
        %get3A_74 = arith.index_cast %mul3A_71 : i32 to index
        %get3A_75 = tpu.vector_load %arg12[%get3A_74] {strides = array<i32>} : memref<3328xf32, #tpu.memory_space<vmem>>, vector<16xf32>,
        %ge3A_76 = vector.broadcast %add3A_63 : i32 to vector<16xi32>
        %ge3A_77 = arith.cmpi sge, %get3A_73, %ge3A_76 : vector<16xi32>
        %sub3A_78 = vector.broadcast %add3A_63 : i32 to vector<16xi32>
        %sub3A_79 = arith.subi %get3A_73, %sub3A_78 : vector<16xi32>
        %jit3A_80 = arith.constant 0 : i32
        %broadcast_in_dim3A = vector.broadcast %jit3A_80 : i32 to vector<16xi32>
        %select_n3A_81 = arith.select %ge3A_77, %sub3A_79, %broadcast_in_dim3A : vector<16xi1>, vector<16xi32>
        %gather3A = tpu.vector_load_idx %arg15[%select_n3A_81] : memref<3328xf32, #tpu.memory_space<vmem>>[vector<16xi32>], vector<16xf32>,
        %gather3A_82 = tpu.vector_load_idx %arg14[%select_n3A_81] : memref<3328xi32, #tpu.memory_space<vmem>>[vector<16xi32>], vector<16xi32>,
        %jit3A_83 = arith.constant 0.000000e+00 : f32
        %broadcast_in_dim3A_84 = vector.broadcast %jit3A_83 : f32 to vector<16xf32>
        %select_n3A_85 = arith.select %ge3A_77, %gather3A, %broadcast_in_dim3A_84 : vector<16xi1>, vector<16xf32>
        %add3A_86 = arith.addf %get3A_75, %select_n3A_85 : vector<16xf32>
        %select_n3A_87 = arith.select %ge3A_77, %gather3A_82, %get3A_73 : vector<16xi1>, vector<16xi32>
        %swap3A = arith.index_cast %mul3A_71 : i32 to index
        %swap3A_88 = tpu.vector_load %arg11[%swap3A] {strides = array<i32>} : memref<3328xi32, #tpu.memory_space<vmem>>, vector<16xi32>,
        tpu.vector_store %arg11[%swap3A], %select_n3A_87 {strides = array<i32>} : memref<3328xi32, #tpu.memory_space<vmem>>, vector<16xi32>,
        %swap3A_89 = arith.index_cast %mul3A_71 : i32 to index
        %swap3A_90 = tpu.vector_load %arg12[%swap3A_89] {strides = array<i32>} : memref<3328xf32, #tpu.memory_space<vmem>>, vector<16xf32>,
        tpu.vector_store %arg12[%swap3A_89], %add3A_86 {strides = array<i32>} : memref<3328xf32, #tpu.memory_space<vmem>>, vector<16xf32>,
      }
      %scan3A_68 = arith.constant 208 : i32
      "tpu.region"() ({
        %run_scoped3A = tpu.sem_alloc : memref<!tpu.dma_semaphore, #tpu.memory_space<semaphore_mem>>
        %dma_start3A_69 = tpu.memref_slice %arg19[%mul3A_16] : memref<53248xi32, #tpu.memory_space<vmem_shared>> -> memref<3328xi32, #tpu.memory_space<vmem_shared>>
        %dma_start3A_70 = tpu.memref_slice %arg19[%mul3A_16] : memref<53248xi32, #tpu.memory_space<vmem_shared>> -> memref<3328xi32, #tpu.memory_space<vmem_shared>>
        tpu.enqueue_dma source(%arg11 : memref<3328xi32, #tpu.memory_space<vmem>>) target(%dma_start3A_70 : memref<3328xi32, #tpu.memory_space<vmem_shared>>) target_semaphore(%run_scoped3A : memref<!tpu.dma_semaphore, #tpu.memory_space<semaphore_mem>>)
        %dma_wait3A_71 = tpu.memref_slice %arg19[%mul3A_16] : memref<53248xi32, #tpu.memory_space<vmem_shared>> -> memref<3328xi32, #tpu.memory_space<vmem_shared>>
        %dma_wait3A_72 = tpu.memref_slice %arg19[%mul3A_16] : memref<53248xi32, #tpu.memory_space<vmem_shared>> -> memref<3328xi32, #tpu.memory_space<vmem_shared>>
        tpu.wait_dma2 semaphore(%run_scoped3A : memref<!tpu.dma_semaphore, #tpu.memory_space<semaphore_mem>>) src(%arg11 : memref<3328xi32, #tpu.memory_space<vmem>>) dst(%dma_wait3A_72 : memref<3328xi32, #tpu.memory_space<vmem_shared>>)
        tpu.yield
      }) : () -> ()
      "tpu.region"() ({
        %run_scoped3A = tpu.sem_alloc : memref<!tpu.dma_semaphore, #tpu.memory_space<semaphore_mem>>
        %dma_start3A_69 = tpu.memref_slice %arg20[%mul3A_16] : memref<53248xf32, #tpu.memory_space<vmem_shared>> -> memref<3328xf32, #tpu.memory_space<vmem_shared>>
        %dma_start3A_70 = tpu.memref_slice %arg20[%mul3A_16] : memref<53248xf32, #tpu.memory_space<vmem_shared>> -> memref<3328xf32, #tpu.memory_space<vmem_shared>>
        tpu.enqueue_dma source(%arg12 : memref<3328xf32, #tpu.memory_space<vmem>>) target(%dma_start3A_70 : memref<3328xf32, #tpu.memory_space<vmem_shared>>) target_semaphore(%run_scoped3A : memref<!tpu.dma_semaphore, #tpu.memory_space<semaphore_mem>>)
        %dma_wait3A_71 = tpu.memref_slice %arg20[%mul3A_16] : memref<53248xf32, #tpu.memory_space<vmem_shared>> -> memref<3328xf32, #tpu.memory_space<vmem_shared>>
        %dma_wait3A_72 = tpu.memref_slice %arg20[%mul3A_16] : memref<53248xf32, #tpu.memory_space<vmem_shared>> -> memref<3328xf32, #tpu.memory_space<vmem_shared>>
        tpu.wait_dma2 semaphore(%run_scoped3A : memref<!tpu.dma_semaphore, #tpu.memory_space<semaphore_mem>>) src(%arg12 : memref<3328xf32, #tpu.memory_space<vmem>>) dst(%dma_wait3A_72 : memref<3328xf32, #tpu.memory_space<vmem_shared>>)
        tpu.yield
      }) : () -> ()
    } else {
    }
    %barrier3A_33 = arith.constant 0 : index
    tpu.barrier barrier_id(%barrier3A_33)
    %jit3A_34 = arith.constant 4 : i32
    %eq3A_35 = arith.constant 0 : i32
    %eq3A_36 = arith.cmpi eq, %jit3A_34, %eq3A_35 : i32
    %jit3A_37 = arith.constant 1 : i32
    %select_n3A_38 = arith.select %eq3A_36, %jit3A_37, %jit3A_34 : i32
    %rem3A_39 = arith.remsi %arg1, %select_n3A_38 : i32
    %ne3A_40 = arith.constant 0 : i32
    %ne3A_41 = arith.cmpi ne, %rem3A_39, %ne3A_40 : i32
    %lt3A_42 = arith.constant 0 : i32
    %lt3A_43 = arith.cmpi slt, %rem3A_39, %lt3A_42 : i32
    %lt3A_44 = arith.constant 0 : i32
    %lt3A_45 = arith.cmpi slt, %select_n3A_38, %lt3A_44 : i32
    %ne3A_46 = arith.xori %lt3A_43, %lt3A_45 : i1
    %and3A_47 = arith.andi %ne3A_46, %ne3A_41 : i1
    %add3A_48 = arith.addi %rem3A_39, %select_n3A_38 : i32
    %select_n3A_49 = arith.select %and3A_47, %add3A_48, %rem3A_39 : i32
    %ge3A = arith.constant 2 : i32
    %ge3A_50 = arith.cmpi sge, %select_n3A_49, %ge3A : i32
    %convert_element_type3A_51 = arith.extui %ge3A_50 : i1 to i32
    %cond3A_52 = arith.constant 0 : i32
    %cond3A_53 = arith.cmpi ne, %convert_element_type3A_51, %cond3A_52 : i32
    scf.if %cond3A_53 {
      %jit3A_54 = arith.constant 4 : i32
      %div3A = arith.divsi %arg1, %jit3A_54 : i32
      %sign3A = arith.constant 0 : i32
      %sign3A_55 = arith.cmpi sgt, %arg1, %sign3A : i32
      %sign3A_56 = arith.extui %sign3A_55 : i1 to i32
      %sign3A_57 = arith.constant 0 : i32
      %sign3A_58 = arith.cmpi slt, %arg1, %sign3A_57 : i32
      %sign3A_59 = arith.extui %sign3A_58 : i1 to i32
      %sign3A_60 = arith.subi %sign3A_56, %sign3A_59 : i32
      %sign3A_61 = arith.constant 0 : i32
      %sign3A_62 = arith.cmpi sgt, %jit3A_54, %sign3A_61 : i32
      %sign3A_63 = arith.extui %sign3A_62 : i1 to i32
      %sign3A_64 = arith.constant 0 : i32
      %sign3A_65 = arith.cmpi slt, %jit3A_54, %sign3A_64 : i32
      %sign3A_66 = arith.extui %sign3A_65 : i1 to i32
      %sign3A_67 = arith.subi %sign3A_63, %sign3A_66 : i32
      %ne3A_68 = arith.cmpi ne, %sign3A_60, %sign3A_67 : i32
      %rem3A_69 = arith.remsi %arg1, %jit3A_54 : i32
      %ne3A_70 = arith.constant 0 : i32
      %ne3A_71 = arith.cmpi ne, %rem3A_69, %ne3A_70 : i32
      %and3A_72 = arith.andi %ne3A_68, %ne3A_71 : i1
      %sub3A = arith.constant 1 : i32
      %sub3A_73 = arith.subi %div3A, %sub3A : i32
      %select_n3A_74 = arith.select %and3A_72, %sub3A_73, %div3A : i32
      %mul3A_75 = arith.constant 13312 : i32
      %mul3A_76 = arith.muli %select_n3A_74, %mul3A_75 : i32
      "tpu.region"() ({
        %run_scoped3A = tpu.sem_alloc : memref<!tpu.dma_semaphore, #tpu.memory_space<semaphore_mem>>
        %dma_start3A_87 = tpu.memref_slice %arg19[%mul3A_76] : memref<53248xi32, #tpu.memory_space<vmem_shared>> -> memref<6656xi32, #tpu.memory_space<vmem_shared>>
        %dma_start3A_88 = tpu.memref_slice %arg19[%mul3A_76] : memref<53248xi32, #tpu.memory_space<vmem_shared>> -> memref<6656xi32, #tpu.memory_space<vmem_shared>>
        tpu.enqueue_dma source(%dma_start3A_88 : memref<6656xi32, #tpu.memory_space<vmem_shared>>) target(%arg16 : memref<6656xi32, #tpu.memory_space<vmem>>) target_semaphore(%run_scoped3A : memref<!tpu.dma_semaphore, #tpu.memory_space<semaphore_mem>>)
        %dma_wait3A_89 = tpu.memref_slice %arg19[%mul3A_76] : memref<53248xi32, #tpu.memory_space<vmem_shared>> -> memref<6656xi32, #tpu.memory_space<vmem_shared>>
        %dma_wait3A_90 = tpu.memref_slice %arg19[%mul3A_76] : memref<53248xi32, #tpu.memory_space<vmem_shared>> -> memref<6656xi32, #tpu.memory_space<vmem_shared>>
        tpu.wait_dma2 semaphore(%run_scoped3A : memref<!tpu.dma_semaphore, #tpu.memory_space<semaphore_mem>>) src(%dma_wait3A_90 : memref<6656xi32, #tpu.memory_space<vmem_shared>>) dst(%arg16 : memref<6656xi32, #tpu.memory_space<vmem>>)
        tpu.yield
      }) : () -> ()
      "tpu.region"() ({
        %run_scoped3A = tpu.sem_alloc : memref<!tpu.dma_semaphore, #tpu.memory_space<semaphore_mem>>
        %dma_start3A_87 = tpu.memref_slice %arg20[%mul3A_76] : memref<53248xf32, #tpu.memory_space<vmem_shared>> -> memref<6656xf32, #tpu.memory_space<vmem_shared>>
        %dma_start3A_88 = tpu.memref_slice %arg20[%mul3A_76] : memref<53248xf32, #tpu.memory_space<vmem_shared>> -> memref<6656xf32, #tpu.memory_space<vmem_shared>>
        tpu.enqueue_dma source(%dma_start3A_88 : memref<6656xf32, #tpu.memory_space<vmem_shared>>) target(%arg17 : memref<6656xf32, #tpu.memory_space<vmem>>) target_semaphore(%run_scoped3A : memref<!tpu.dma_semaphore, #tpu.memory_space<semaphore_mem>>)
        %dma_wait3A_89 = tpu.memref_slice %arg20[%mul3A_76] : memref<53248xf32, #tpu.memory_space<vmem_shared>> -> memref<6656xf32, #tpu.memory_space<vmem_shared>>
        %dma_wait3A_90 = tpu.memref_slice %arg20[%mul3A_76] : memref<53248xf32, #tpu.memory_space<vmem_shared>> -> memref<6656xf32, #tpu.memory_space<vmem_shared>>
        tpu.wait_dma2 semaphore(%run_scoped3A : memref<!tpu.dma_semaphore, #tpu.memory_space<semaphore_mem>>) src(%dma_wait3A_90 : memref<6656xf32, #tpu.memory_space<vmem_shared>>) dst(%arg17 : memref<6656xf32, #tpu.memory_space<vmem>>)
        tpu.yield
      }) : () -> ()
      %mul3A_77 = arith.constant 16 : i32
      %mul3A_78 = arith.muli %arg0, %mul3A_77 : i32
      %mul3A_79 = arith.constant 3328 : i32
      %mul3A_80 = arith.muli %mul3A_78, %mul3A_79 : i32
      %add3A_81 = arith.addi %mul3A_80, %mul3A_76 : i32
      %scan3A_82 = arith.constant 0 : i32
      %scan3A_83 = arith.constant 208 : i32
      %scan3A_84 = arith.addi %scan3A_82, %scan3A_83 : i32
      %scan3A_85 = arith.constant 1 : i32
      scf.for %scan3A_87 = %scan3A_82 to %scan3A_84 step %scan3A_85  : i32 {
        %mul3A_88 = arith.constant 16 : i32
        %mul3A_89 = arith.muli %scan3A_87, %mul3A_88 : i32
        %get3A_90 = arith.index_cast %mul3A_89 : i32 to index
        %get3A_91 = tpu.vector_load %arg11[%get3A_90] {strides = array<i32>} : memref<3328xi32, #tpu.memory_space<vmem>>, vector<16xi32>,
        %get3A_92 = arith.index_cast %mul3A_89 : i32 to index
        %get3A_93 = tpu.vector_load %arg12[%get3A_92] {strides = array<i32>} : memref<3328xf32, #tpu.memory_space<vmem>>, vector<16xf32>,
        %ge3A_94 = vector.broadcast %add3A_81 : i32 to vector<16xi32>
        %ge3A_95 = arith.cmpi sge, %get3A_91, %ge3A_94 : vector<16xi32>
        %sub3A_96 = vector.broadcast %add3A_81 : i32 to vector<16xi32>
        %sub3A_97 = arith.subi %get3A_91, %sub3A_96 : vector<16xi32>
        %jit3A_98 = arith.constant 0 : i32
        %broadcast_in_dim3A = vector.broadcast %jit3A_98 : i32 to vector<16xi32>
        %select_n3A_99 = arith.select %ge3A_95, %sub3A_97, %broadcast_in_dim3A : vector<16xi1>, vector<16xi32>
        %gather3A = tpu.vector_load_idx %arg17[%select_n3A_99] : memref<6656xf32, #tpu.memory_space<vmem>>[vector<16xi32>], vector<16xf32>,
        %gather3A_100 = tpu.vector_load_idx %arg16[%select_n3A_99] : memref<6656xi32, #tpu.memory_space<vmem>>[vector<16xi32>], vector<16xi32>,
        %jit3A_101 = arith.constant 0.000000e+00 : f32
        %broadcast_in_dim3A_102 = vector.broadcast %jit3A_101 : f32 to vector<16xf32>
        %select_n3A_103 = arith.select %ge3A_95, %gather3A, %broadcast_in_dim3A_102 : vector<16xi1>, vector<16xf32>
        %add3A_104 = arith.addf %get3A_93, %select_n3A_103 : vector<16xf32>
        %select_n3A_105 = arith.select %ge3A_95, %gather3A_100, %get3A_91 : vector<16xi1>, vector<16xi32>
        %swap3A = arith.index_cast %mul3A_89 : i32 to index
        %swap3A_106 = tpu.vector_load %arg11[%swap3A] {strides = array<i32>} : memref<3328xi32, #tpu.memory_space<vmem>>, vector<16xi32>,
        tpu.vector_store %arg11[%swap3A], %select_n3A_105 {strides = array<i32>} : memref<3328xi32, #tpu.memory_space<vmem>>, vector<16xi32>,
        %swap3A_107 = arith.index_cast %mul3A_89 : i32 to index
        %swap3A_108 = tpu.vector_load %arg12[%swap3A_107] {strides = array<i32>} : memref<3328xf32, #tpu.memory_space<vmem>>, vector<16xf32>,
        tpu.vector_store %arg12[%swap3A_107], %add3A_104 {strides = array<i32>} : memref<3328xf32, #tpu.memory_space<vmem>>, vector<16xf32>,
      }
      %scan3A_86 = arith.constant 208 : i32
    } else {
    }
    "tpu.region"() ({
      %run_scoped3A = tpu.sem_alloc : memref<!tpu.dma_semaphore, #tpu.memory_space<semaphore_mem>>
      %dma_start3A_54 = tpu.memref_slice %arg6[%mul3A_2] : memref<106496xi32, #tpu.memory_space<hbm>> -> memref<3328xi32, #tpu.memory_space<hbm>>
      %dma_start3A_55 = tpu.memref_slice %arg6[%mul3A_2] : memref<106496xi32, #tpu.memory_space<hbm>> -> memref<3328xi32, #tpu.memory_space<hbm>>
      tpu.enqueue_dma source(%arg11 : memref<3328xi32, #tpu.memory_space<vmem>>) target(%dma_start3A_55 : memref<3328xi32, #tpu.memory_space<hbm>>) target_semaphore(%run_scoped3A : memref<!tpu.dma_semaphore, #tpu.memory_space<semaphore_mem>>)
      %dma_wait3A_56 = tpu.memref_slice %arg6[%mul3A_2] : memref<106496xi32, #tpu.memory_space<hbm>> -> memref<3328xi32, #tpu.memory_space<hbm>>
      %dma_wait3A_57 = tpu.memref_slice %arg6[%mul3A_2] : memref<106496xi32, #tpu.memory_space<hbm>> -> memref<3328xi32, #tpu.memory_space<hbm>>
      tpu.wait_dma2 semaphore(%run_scoped3A : memref<!tpu.dma_semaphore, #tpu.memory_space<semaphore_mem>>) src(%arg11 : memref<3328xi32, #tpu.memory_space<vmem>>) dst(%dma_wait3A_57 : memref<3328xi32, #tpu.memory_space<hbm>>)
      tpu.yield
    }) : () -> ()
    "tpu.region"() ({
      %run_scoped3A = tpu.sem_alloc : memref<!tpu.dma_semaphore, #tpu.memory_space<semaphore_mem>>
      %dma_start3A_54 = tpu.memref_slice %arg7[%mul3A_2] : memref<106496xf32, #tpu.memory_space<hbm>> -> memref<3328xf32, #tpu.memory_space<hbm>>
      %dma_start3A_55 = tpu.memref_slice %arg7[%mul3A_2] : memref<106496xf32, #tpu.memory_space<hbm>> -> memref<3328xf32, #tpu.memory_space<hbm>>
      tpu.enqueue_dma source(%arg12 : memref<3328xf32, #tpu.memory_space<vmem>>) target(%dma_start3A_55 : memref<3328xf32, #tpu.memory_space<hbm>>) target_semaphore(%run_scoped3A : memref<!tpu.dma_semaphore, #tpu.memory_space<semaphore_mem>>)
      %dma_wait3A_56 = tpu.memref_slice %arg7[%mul3A_2] : memref<106496xf32, #tpu.memory_space<hbm>> -> memref<3328xf32, #tpu.memory_space<hbm>>
      %dma_wait3A_57 = tpu.memref_slice %arg7[%mul3A_2] : memref<106496xf32, #tpu.memory_space<hbm>> -> memref<3328xf32, #tpu.memory_space<hbm>>
      tpu.wait_dma2 semaphore(%run_scoped3A : memref<!tpu.dma_semaphore, #tpu.memory_space<semaphore_mem>>) src(%arg12 : memref<3328xf32, #tpu.memory_space<vmem>>) dst(%dma_wait3A_57 : memref<3328xf32, #tpu.memory_space<hbm>>)
      tpu.yield
    }) : () -> ()
    return
  }
}

#map = affine_map<(d0, d1) -> (0)>
module attributes {stable_mosaic.version = 14 : i64} {
  func.func @_hookup(%arg0: i32, %arg1: i32, %arg2: memref<106496xi32, #tpu.memory_space<hbm>>, %arg3: memref<106496xf32, #tpu.memory_space<hbm>>, %arg4: memref<106496xf32, #tpu.memory_space<hbm>>, %arg5: memref<262144xi32, #tpu.memory_space<hbm>>, %arg6: memref<262144xf32, #tpu.memory_space<hbm>>, %arg7: memref<8192xi32, #tpu.memory_space<vmem>>, %arg8: memref<8192xf32, #tpu.memory_space<vmem>>, %arg9: memref<1024xf32, #tpu.memory_space<vmem>>, %arg10: memref<1024xf32, #tpu.memory_space<vmem>>, %arg11: memref<8192xi32, #tpu.memory_space<vmem>>, %arg12: memref<8192xf32, #tpu.memory_space<vmem>>, %arg13: memref<128xf32, #tpu.memory_space<vmem>>, %arg14: memref<106496xf32, #tpu.memory_space<vmem_shared>>, %arg15: memref<!tpu.dma_semaphore, #tpu.memory_space<semaphore_mem>>, %arg16: memref<!tpu.dma_semaphore, #tpu.memory_space<semaphore_mem>>, %arg17: memref<!tpu.dma_semaphore, #tpu.memory_space<semaphore_mem>>) attributes {dimension_semantics = [#tpu.dimension_semantics<core_parallel>, #tpu.dimension_semantics<subcore_parallel>], iteration_bounds = array<i64: 2, 16>, scalar_prefetch = 0 : i64, scratch_operands = 11 : i64, tpu.core_type = #tpu.core_type<sc_vector_subcore>, window_params = [{transform_indices = #map}, {transform_indices = #map}, {transform_indices = #map}, {transform_indices = #map}, {transform_indices = #map}]} {
    %mul3A = arith.constant 2 : i32
    %mul3A_0 = arith.muli %arg1, %mul3A : i32
    %add3A = arith.addi %mul3A_0, %arg0 : i32
    %lt3A = arith.constant 13 : i32
    %lt3A_1 = arith.cmpi slt, %arg1, %lt3A : i32
    %mul3A_2 = arith.constant 1024 : i32
    %mul3A_3 = arith.muli %arg1, %mul3A_2 : i32
    %add3A_4 = arith.constant 0 : i32
    %add3A_5 = arith.addi %add3A_4, %mul3A_3 : i32
    %dma_start3A = arith.constant 0 : i32
    %dma_start3A_6 = tpu.memref_slice %arg7[%dma_start3A] : memref<8192xi32, #tpu.memory_space<vmem>> -> memref<1024xi32, #tpu.memory_space<vmem>>
    %dma_start3A_7 = tpu.memref_slice %arg2[%add3A_5] : memref<106496xi32, #tpu.memory_space<hbm>> -> memref<1024xi32, #tpu.memory_space<hbm>>
    %dma_start3A_8 = arith.constant 0 : i32
    %dma_start3A_9 = tpu.memref_slice %arg7[%dma_start3A_8] : memref<8192xi32, #tpu.memory_space<vmem>> -> memref<1024xi32, #tpu.memory_space<vmem>>
    %dma_start3A_10 = tpu.memref_slice %arg2[%add3A_5] : memref<106496xi32, #tpu.memory_space<hbm>> -> memref<1024xi32, #tpu.memory_space<hbm>>
    tpu.enqueue_dma source(%dma_start3A_10 : memref<1024xi32, #tpu.memory_space<hbm>>) target(%dma_start3A_9 : memref<1024xi32, #tpu.memory_space<vmem>>) target_semaphore(%arg16 : memref<!tpu.dma_semaphore, #tpu.memory_space<semaphore_mem>>)
    %dma_start3A_11 = arith.constant 0 : i32
    %dma_start3A_12 = tpu.memref_slice %arg8[%dma_start3A_11] : memref<8192xf32, #tpu.memory_space<vmem>> -> memref<1024xf32, #tpu.memory_space<vmem>>
    %dma_start3A_13 = tpu.memref_slice %arg3[%add3A_5] : memref<106496xf32, #tpu.memory_space<hbm>> -> memref<1024xf32, #tpu.memory_space<hbm>>
    %dma_start3A_14 = arith.constant 0 : i32
    %dma_start3A_15 = tpu.memref_slice %arg8[%dma_start3A_14] : memref<8192xf32, #tpu.memory_space<vmem>> -> memref<1024xf32, #tpu.memory_space<vmem>>
    %dma_start3A_16 = tpu.memref_slice %arg3[%add3A_5] : memref<106496xf32, #tpu.memory_space<hbm>> -> memref<1024xf32, #tpu.memory_space<hbm>>
    tpu.enqueue_dma source(%dma_start3A_16 : memref<1024xf32, #tpu.memory_space<hbm>>) target(%dma_start3A_15 : memref<1024xf32, #tpu.memory_space<vmem>>) target_semaphore(%arg16 : memref<!tpu.dma_semaphore, #tpu.memory_space<semaphore_mem>>)
    %mul3A_17 = arith.constant 1024 : i32
    %mul3A_18 = arith.muli %arg1, %mul3A_17 : i32
    %add3A_19 = arith.constant 13312 : i32
    %add3A_20 = arith.addi %add3A_19, %mul3A_18 : i32
    %dma_start3A_21 = arith.constant 1024 : i32
    %dma_start3A_22 = tpu.memref_slice %arg7[%dma_start3A_21] : memref<8192xi32, #tpu.memory_space<vmem>> -> memref<1024xi32, #tpu.memory_space<vmem>>
    %dma_start3A_23 = tpu.memref_slice %arg2[%add3A_20] : memref<106496xi32, #tpu.memory_space<hbm>> -> memref<1024xi32, #tpu.memory_space<hbm>>
    %dma_start3A_24 = arith.constant 1024 : i32
    %dma_start3A_25 = tpu.memref_slice %arg7[%dma_start3A_24] : memref<8192xi32, #tpu.memory_space<vmem>> -> memref<1024xi32, #tpu.memory_space<vmem>>
    %dma_start3A_26 = tpu.memref_slice %arg2[%add3A_20] : memref<106496xi32, #tpu.memory_space<hbm>> -> memref<1024xi32, #tpu.memory_space<hbm>>
    tpu.enqueue_dma source(%dma_start3A_26 : memref<1024xi32, #tpu.memory_space<hbm>>) target(%dma_start3A_25 : memref<1024xi32, #tpu.memory_space<vmem>>) target_semaphore(%arg16 : memref<!tpu.dma_semaphore, #tpu.memory_space<semaphore_mem>>)
    %dma_start3A_27 = arith.constant 1024 : i32
    %dma_start3A_28 = tpu.memref_slice %arg8[%dma_start3A_27] : memref<8192xf32, #tpu.memory_space<vmem>> -> memref<1024xf32, #tpu.memory_space<vmem>>
    %dma_start3A_29 = tpu.memref_slice %arg3[%add3A_20] : memref<106496xf32, #tpu.memory_space<hbm>> -> memref<1024xf32, #tpu.memory_space<hbm>>
    %dma_start3A_30 = arith.constant 1024 : i32
    %dma_start3A_31 = tpu.memref_slice %arg8[%dma_start3A_30] : memref<8192xf32, #tpu.memory_space<vmem>> -> memref<1024xf32, #tpu.memory_space<vmem>>
    %dma_start3A_32 = tpu.memref_slice %arg3[%add3A_20] : memref<106496xf32, #tpu.memory_space<hbm>> -> memref<1024xf32, #tpu.memory_space<hbm>>
    tpu.enqueue_dma source(%dma_start3A_32 : memref<1024xf32, #tpu.memory_space<hbm>>) target(%dma_start3A_31 : memref<1024xf32, #tpu.memory_space<vmem>>) target_semaphore(%arg16 : memref<!tpu.dma_semaphore, #tpu.memory_space<semaphore_mem>>)
    %mul3A_33 = arith.constant 1024 : i32
    %mul3A_34 = arith.muli %arg1, %mul3A_33 : i32
    %add3A_35 = arith.constant 26624 : i32
    %add3A_36 = arith.addi %add3A_35, %mul3A_34 : i32
    %dma_start3A_37 = arith.constant 2048 : i32
    %dma_start3A_38 = tpu.memref_slice %arg7[%dma_start3A_37] : memref<8192xi32, #tpu.memory_space<vmem>> -> memref<1024xi32, #tpu.memory_space<vmem>>
    %dma_start3A_39 = tpu.memref_slice %arg2[%add3A_36] : memref<106496xi32, #tpu.memory_space<hbm>> -> memref<1024xi32, #tpu.memory_space<hbm>>
    %dma_start3A_40 = arith.constant 2048 : i32
    %dma_start3A_41 = tpu.memref_slice %arg7[%dma_start3A_40] : memref<8192xi32, #tpu.memory_space<vmem>> -> memref<1024xi32, #tpu.memory_space<vmem>>
    %dma_start3A_42 = tpu.memref_slice %arg2[%add3A_36] : memref<106496xi32, #tpu.memory_space<hbm>> -> memref<1024xi32, #tpu.memory_space<hbm>>
    tpu.enqueue_dma source(%dma_start3A_42 : memref<1024xi32, #tpu.memory_space<hbm>>) target(%dma_start3A_41 : memref<1024xi32, #tpu.memory_space<vmem>>) target_semaphore(%arg16 : memref<!tpu.dma_semaphore, #tpu.memory_space<semaphore_mem>>)
    %dma_start3A_43 = arith.constant 2048 : i32
    %dma_start3A_44 = tpu.memref_slice %arg8[%dma_start3A_43] : memref<8192xf32, #tpu.memory_space<vmem>> -> memref<1024xf32, #tpu.memory_space<vmem>>
    %dma_start3A_45 = tpu.memref_slice %arg3[%add3A_36] : memref<106496xf32, #tpu.memory_space<hbm>> -> memref<1024xf32, #tpu.memory_space<hbm>>
    %dma_start3A_46 = arith.constant 2048 : i32
    %dma_start3A_47 = tpu.memref_slice %arg8[%dma_start3A_46] : memref<8192xf32, #tpu.memory_space<vmem>> -> memref<1024xf32, #tpu.memory_space<vmem>>
    %dma_start3A_48 = tpu.memref_slice %arg3[%add3A_36] : memref<106496xf32, #tpu.memory_space<hbm>> -> memref<1024xf32, #tpu.memory_space<hbm>>
    tpu.enqueue_dma source(%dma_start3A_48 : memref<1024xf32, #tpu.memory_space<hbm>>) target(%dma_start3A_47 : memref<1024xf32, #tpu.memory_space<vmem>>) target_semaphore(%arg16 : memref<!tpu.dma_semaphore, #tpu.memory_space<semaphore_mem>>)
    %mul3A_49 = arith.constant 1024 : i32
    %mul3A_50 = arith.muli %arg1, %mul3A_49 : i32
    %add3A_51 = arith.constant 39936 : i32
    %add3A_52 = arith.addi %add3A_51, %mul3A_50 : i32
    %dma_start3A_53 = arith.constant 3072 : i32
    %dma_start3A_54 = tpu.memref_slice %arg7[%dma_start3A_53] : memref<8192xi32, #tpu.memory_space<vmem>> -> memref<1024xi32, #tpu.memory_space<vmem>>
    %dma_start3A_55 = tpu.memref_slice %arg2[%add3A_52] : memref<106496xi32, #tpu.memory_space<hbm>> -> memref<1024xi32, #tpu.memory_space<hbm>>
    %dma_start3A_56 = arith.constant 3072 : i32
    %dma_start3A_57 = tpu.memref_slice %arg7[%dma_start3A_56] : memref<8192xi32, #tpu.memory_space<vmem>> -> memref<1024xi32, #tpu.memory_space<vmem>>
    %dma_start3A_58 = tpu.memref_slice %arg2[%add3A_52] : memref<106496xi32, #tpu.memory_space<hbm>> -> memref<1024xi32, #tpu.memory_space<hbm>>
    tpu.enqueue_dma source(%dma_start3A_58 : memref<1024xi32, #tpu.memory_space<hbm>>) target(%dma_start3A_57 : memref<1024xi32, #tpu.memory_space<vmem>>) target_semaphore(%arg16 : memref<!tpu.dma_semaphore, #tpu.memory_space<semaphore_mem>>)
    %dma_start3A_59 = arith.constant 3072 : i32
    %dma_start3A_60 = tpu.memref_slice %arg8[%dma_start3A_59] : memref<8192xf32, #tpu.memory_space<vmem>> -> memref<1024xf32, #tpu.memory_space<vmem>>
    %dma_start3A_61 = tpu.memref_slice %arg3[%add3A_52] : memref<106496xf32, #tpu.memory_space<hbm>> -> memref<1024xf32, #tpu.memory_space<hbm>>
    %dma_start3A_62 = arith.constant 3072 : i32
    %dma_start3A_63 = tpu.memref_slice %arg8[%dma_start3A_62] : memref<8192xf32, #tpu.memory_space<vmem>> -> memref<1024xf32, #tpu.memory_space<vmem>>
    %dma_start3A_64 = tpu.memref_slice %arg3[%add3A_52] : memref<106496xf32, #tpu.memory_space<hbm>> -> memref<1024xf32, #tpu.memory_space<hbm>>
    tpu.enqueue_dma source(%dma_start3A_64 : memref<1024xf32, #tpu.memory_space<hbm>>) target(%dma_start3A_63 : memref<1024xf32, #tpu.memory_space<vmem>>) target_semaphore(%arg16 : memref<!tpu.dma_semaphore, #tpu.memory_space<semaphore_mem>>)
    %mul3A_65 = arith.constant 1024 : i32
    %mul3A_66 = arith.muli %arg1, %mul3A_65 : i32
    %add3A_67 = arith.constant 53248 : i32
    %add3A_68 = arith.addi %add3A_67, %mul3A_66 : i32
    %dma_start3A_69 = arith.constant 4096 : i32
    %dma_start3A_70 = tpu.memref_slice %arg7[%dma_start3A_69] : memref<8192xi32, #tpu.memory_space<vmem>> -> memref<1024xi32, #tpu.memory_space<vmem>>
    %dma_start3A_71 = tpu.memref_slice %arg2[%add3A_68] : memref<106496xi32, #tpu.memory_space<hbm>> -> memref<1024xi32, #tpu.memory_space<hbm>>
    %dma_start3A_72 = arith.constant 4096 : i32
    %dma_start3A_73 = tpu.memref_slice %arg7[%dma_start3A_72] : memref<8192xi32, #tpu.memory_space<vmem>> -> memref<1024xi32, #tpu.memory_space<vmem>>
    %dma_start3A_74 = tpu.memref_slice %arg2[%add3A_68] : memref<106496xi32, #tpu.memory_space<hbm>> -> memref<1024xi32, #tpu.memory_space<hbm>>
    tpu.enqueue_dma source(%dma_start3A_74 : memref<1024xi32, #tpu.memory_space<hbm>>) target(%dma_start3A_73 : memref<1024xi32, #tpu.memory_space<vmem>>) target_semaphore(%arg16 : memref<!tpu.dma_semaphore, #tpu.memory_space<semaphore_mem>>)
    %dma_start3A_75 = arith.constant 4096 : i32
    %dma_start3A_76 = tpu.memref_slice %arg8[%dma_start3A_75] : memref<8192xf32, #tpu.memory_space<vmem>> -> memref<1024xf32, #tpu.memory_space<vmem>>
    %dma_start3A_77 = tpu.memref_slice %arg3[%add3A_68] : memref<106496xf32, #tpu.memory_space<hbm>> -> memref<1024xf32, #tpu.memory_space<hbm>>
    %dma_start3A_78 = arith.constant 4096 : i32
    %dma_start3A_79 = tpu.memref_slice %arg8[%dma_start3A_78] : memref<8192xf32, #tpu.memory_space<vmem>> -> memref<1024xf32, #tpu.memory_space<vmem>>
    %dma_start3A_80 = tpu.memref_slice %arg3[%add3A_68] : memref<106496xf32, #tpu.memory_space<hbm>> -> memref<1024xf32, #tpu.memory_space<hbm>>
    tpu.enqueue_dma source(%dma_start3A_80 : memref<1024xf32, #tpu.memory_space<hbm>>) target(%dma_start3A_79 : memref<1024xf32, #tpu.memory_space<vmem>>) target_semaphore(%arg16 : memref<!tpu.dma_semaphore, #tpu.memory_space<semaphore_mem>>)
    %mul3A_81 = arith.constant 1024 : i32
    %mul3A_82 = arith.muli %arg1, %mul3A_81 : i32
    %add3A_83 = arith.constant 66560 : i32
    %add3A_84 = arith.addi %add3A_83, %mul3A_82 : i32
    %dma_start3A_85 = arith.constant 5120 : i32
    %dma_start3A_86 = tpu.memref_slice %arg7[%dma_start3A_85] : memref<8192xi32, #tpu.memory_space<vmem>> -> memref<1024xi32, #tpu.memory_space<vmem>>
    %dma_start3A_87 = tpu.memref_slice %arg2[%add3A_84] : memref<106496xi32, #tpu.memory_space<hbm>> -> memref<1024xi32, #tpu.memory_space<hbm>>
    %dma_start3A_88 = arith.constant 5120 : i32
    %dma_start3A_89 = tpu.memref_slice %arg7[%dma_start3A_88] : memref<8192xi32, #tpu.memory_space<vmem>> -> memref<1024xi32, #tpu.memory_space<vmem>>
    %dma_start3A_90 = tpu.memref_slice %arg2[%add3A_84] : memref<106496xi32, #tpu.memory_space<hbm>> -> memref<1024xi32, #tpu.memory_space<hbm>>
    tpu.enqueue_dma source(%dma_start3A_90 : memref<1024xi32, #tpu.memory_space<hbm>>) target(%dma_start3A_89 : memref<1024xi32, #tpu.memory_space<vmem>>) target_semaphore(%arg16 : memref<!tpu.dma_semaphore, #tpu.memory_space<semaphore_mem>>)
    %dma_start3A_91 = arith.constant 5120 : i32
    %dma_start3A_92 = tpu.memref_slice %arg8[%dma_start3A_91] : memref<8192xf32, #tpu.memory_space<vmem>> -> memref<1024xf32, #tpu.memory_space<vmem>>
    %dma_start3A_93 = tpu.memref_slice %arg3[%add3A_84] : memref<106496xf32, #tpu.memory_space<hbm>> -> memref<1024xf32, #tpu.memory_space<hbm>>
    %dma_start3A_94 = arith.constant 5120 : i32
    %dma_start3A_95 = tpu.memref_slice %arg8[%dma_start3A_94] : memref<8192xf32, #tpu.memory_space<vmem>> -> memref<1024xf32, #tpu.memory_space<vmem>>
    %dma_start3A_96 = tpu.memref_slice %arg3[%add3A_84] : memref<106496xf32, #tpu.memory_space<hbm>> -> memref<1024xf32, #tpu.memory_space<hbm>>
    tpu.enqueue_dma source(%dma_start3A_96 : memref<1024xf32, #tpu.memory_space<hbm>>) target(%dma_start3A_95 : memref<1024xf32, #tpu.memory_space<vmem>>) target_semaphore(%arg16 : memref<!tpu.dma_semaphore, #tpu.memory_space<semaphore_mem>>)
    %mul3A_97 = arith.constant 1024 : i32
    %mul3A_98 = arith.muli %arg1, %mul3A_97 : i32
    %add3A_99 = arith.constant 79872 : i32
    %add3A_100 = arith.addi %add3A_99, %mul3A_98 : i32
    %dma_start3A_101 = arith.constant 6144 : i32
    %dma_start3A_102 = tpu.memref_slice %arg7[%dma_start3A_101] : memref<8192xi32, #tpu.memory_space<vmem>> -> memref<1024xi32, #tpu.memory_space<vmem>>
    %dma_start3A_103 = tpu.memref_slice %arg2[%add3A_100] : memref<106496xi32, #tpu.memory_space<hbm>> -> memref<1024xi32, #tpu.memory_space<hbm>>
    %dma_start3A_104 = arith.constant 6144 : i32
    %dma_start3A_105 = tpu.memref_slice %arg7[%dma_start3A_104] : memref<8192xi32, #tpu.memory_space<vmem>> -> memref<1024xi32, #tpu.memory_space<vmem>>
    %dma_start3A_106 = tpu.memref_slice %arg2[%add3A_100] : memref<106496xi32, #tpu.memory_space<hbm>> -> memref<1024xi32, #tpu.memory_space<hbm>>
    tpu.enqueue_dma source(%dma_start3A_106 : memref<1024xi32, #tpu.memory_space<hbm>>) target(%dma_start3A_105 : memref<1024xi32, #tpu.memory_space<vmem>>) target_semaphore(%arg16 : memref<!tpu.dma_semaphore, #tpu.memory_space<semaphore_mem>>)
    %dma_start3A_107 = arith.constant 6144 : i32
    %dma_start3A_108 = tpu.memref_slice %arg8[%dma_start3A_107] : memref<8192xf32, #tpu.memory_space<vmem>> -> memref<1024xf32, #tpu.memory_space<vmem>>
    %dma_start3A_109 = tpu.memref_slice %arg3[%add3A_100] : memref<106496xf32, #tpu.memory_space<hbm>> -> memref<1024xf32, #tpu.memory_space<hbm>>
    %dma_start3A_110 = arith.constant 6144 : i32
    %dma_start3A_111 = tpu.memref_slice %arg8[%dma_start3A_110] : memref<8192xf32, #tpu.memory_space<vmem>> -> memref<1024xf32, #tpu.memory_space<vmem>>
    %dma_start3A_112 = tpu.memref_slice %arg3[%add3A_100] : memref<106496xf32, #tpu.memory_space<hbm>> -> memref<1024xf32, #tpu.memory_space<hbm>>
    tpu.enqueue_dma source(%dma_start3A_112 : memref<1024xf32, #tpu.memory_space<hbm>>) target(%dma_start3A_111 : memref<1024xf32, #tpu.memory_space<vmem>>) target_semaphore(%arg16 : memref<!tpu.dma_semaphore, #tpu.memory_space<semaphore_mem>>)
    %mul3A_113 = arith.constant 1024 : i32
    %mul3A_114 = arith.muli %arg1, %mul3A_113 : i32
    %add3A_115 = arith.constant 93184 : i32
    %add3A_116 = arith.addi %add3A_115, %mul3A_114 : i32
    %dma_start3A_117 = arith.constant 7168 : i32
    %dma_start3A_118 = tpu.memref_slice %arg7[%dma_start3A_117] : memref<8192xi32, #tpu.memory_space<vmem>> -> memref<1024xi32, #tpu.memory_space<vmem>>
    %dma_start3A_119 = tpu.memref_slice %arg2[%add3A_116] : memref<106496xi32, #tpu.memory_space<hbm>> -> memref<1024xi32, #tpu.memory_space<hbm>>
    %dma_start3A_120 = arith.constant 7168 : i32
    %dma_start3A_121 = tpu.memref_slice %arg7[%dma_start3A_120] : memref<8192xi32, #tpu.memory_space<vmem>> -> memref<1024xi32, #tpu.memory_space<vmem>>
    %dma_start3A_122 = tpu.memref_slice %arg2[%add3A_116] : memref<106496xi32, #tpu.memory_space<hbm>> -> memref<1024xi32, #tpu.memory_space<hbm>>
    tpu.enqueue_dma source(%dma_start3A_122 : memref<1024xi32, #tpu.memory_space<hbm>>) target(%dma_start3A_121 : memref<1024xi32, #tpu.memory_space<vmem>>) target_semaphore(%arg16 : memref<!tpu.dma_semaphore, #tpu.memory_space<semaphore_mem>>)
    %dma_start3A_123 = arith.constant 7168 : i32
    %dma_start3A_124 = tpu.memref_slice %arg8[%dma_start3A_123] : memref<8192xf32, #tpu.memory_space<vmem>> -> memref<1024xf32, #tpu.memory_space<vmem>>
    %dma_start3A_125 = tpu.memref_slice %arg3[%add3A_116] : memref<106496xf32, #tpu.memory_space<hbm>> -> memref<1024xf32, #tpu.memory_space<hbm>>
    %dma_start3A_126 = arith.constant 7168 : i32
    %dma_start3A_127 = tpu.memref_slice %arg8[%dma_start3A_126] : memref<8192xf32, #tpu.memory_space<vmem>> -> memref<1024xf32, #tpu.memory_space<vmem>>
    %dma_start3A_128 = tpu.memref_slice %arg3[%add3A_116] : memref<106496xf32, #tpu.memory_space<hbm>> -> memref<1024xf32, #tpu.memory_space<hbm>>
    tpu.enqueue_dma source(%dma_start3A_128 : memref<1024xf32, #tpu.memory_space<hbm>>) target(%dma_start3A_127 : memref<1024xf32, #tpu.memory_space<vmem>>) target_semaphore(%arg16 : memref<!tpu.dma_semaphore, #tpu.memory_space<semaphore_mem>>)
    %mul3A_129 = arith.constant 8192 : i32
    %mul3A_130 = arith.muli %add3A, %mul3A_129 : i32
    %add3A_131 = arith.constant 0 : i32
    %add3A_132 = arith.addi %mul3A_130, %add3A_131 : i32
    %dma_start3A_133 = arith.constant 0 : i32
    %dma_start3A_134 = tpu.memref_slice %arg11[%dma_start3A_133] : memref<8192xi32, #tpu.memory_space<vmem>> -> memref<2048xi32, #tpu.memory_space<vmem>>
    %dma_start3A_135 = tpu.memref_slice %arg5[%add3A_132] : memref<262144xi32, #tpu.memory_space<hbm>> -> memref<2048xi32, #tpu.memory_space<hbm>>
    %dma_start3A_136 = arith.constant 0 : i32
    %dma_start3A_137 = tpu.memref_slice %arg11[%dma_start3A_136] : memref<8192xi32, #tpu.memory_space<vmem>> -> memref<2048xi32, #tpu.memory_space<vmem>>
    %dma_start3A_138 = tpu.memref_slice %arg5[%add3A_132] : memref<262144xi32, #tpu.memory_space<hbm>> -> memref<2048xi32, #tpu.memory_space<hbm>>
    tpu.enqueue_dma source(%dma_start3A_138 : memref<2048xi32, #tpu.memory_space<hbm>>) target(%dma_start3A_137 : memref<2048xi32, #tpu.memory_space<vmem>>) target_semaphore(%arg15 : memref<!tpu.dma_semaphore, #tpu.memory_space<semaphore_mem>>)
    %add3A_139 = arith.constant 2048 : i32
    %add3A_140 = arith.addi %mul3A_130, %add3A_139 : i32
    %dma_start3A_141 = arith.constant 2048 : i32
    %dma_start3A_142 = tpu.memref_slice %arg11[%dma_start3A_141] : memref<8192xi32, #tpu.memory_space<vmem>> -> memref<2048xi32, #tpu.memory_space<vmem>>
    %dma_start3A_143 = tpu.memref_slice %arg5[%add3A_140] : memref<262144xi32, #tpu.memory_space<hbm>> -> memref<2048xi32, #tpu.memory_space<hbm>>
    %dma_start3A_144 = arith.constant 2048 : i32
    %dma_start3A_145 = tpu.memref_slice %arg11[%dma_start3A_144] : memref<8192xi32, #tpu.memory_space<vmem>> -> memref<2048xi32, #tpu.memory_space<vmem>>
    %dma_start3A_146 = tpu.memref_slice %arg5[%add3A_140] : memref<262144xi32, #tpu.memory_space<hbm>> -> memref<2048xi32, #tpu.memory_space<hbm>>
    tpu.enqueue_dma source(%dma_start3A_146 : memref<2048xi32, #tpu.memory_space<hbm>>) target(%dma_start3A_145 : memref<2048xi32, #tpu.memory_space<vmem>>) target_semaphore(%arg15 : memref<!tpu.dma_semaphore, #tpu.memory_space<semaphore_mem>>)
    %add3A_147 = arith.constant 4096 : i32
    %add3A_148 = arith.addi %mul3A_130, %add3A_147 : i32
    %dma_start3A_149 = arith.constant 4096 : i32
    %dma_start3A_150 = tpu.memref_slice %arg11[%dma_start3A_149] : memref<8192xi32, #tpu.memory_space<vmem>> -> memref<2048xi32, #tpu.memory_space<vmem>>
    %dma_start3A_151 = tpu.memref_slice %arg5[%add3A_148] : memref<262144xi32, #tpu.memory_space<hbm>> -> memref<2048xi32, #tpu.memory_space<hbm>>
    %dma_start3A_152 = arith.constant 4096 : i32
    %dma_start3A_153 = tpu.memref_slice %arg11[%dma_start3A_152] : memref<8192xi32, #tpu.memory_space<vmem>> -> memref<2048xi32, #tpu.memory_space<vmem>>
    %dma_start3A_154 = tpu.memref_slice %arg5[%add3A_148] : memref<262144xi32, #tpu.memory_space<hbm>> -> memref<2048xi32, #tpu.memory_space<hbm>>
    tpu.enqueue_dma source(%dma_start3A_154 : memref<2048xi32, #tpu.memory_space<hbm>>) target(%dma_start3A_153 : memref<2048xi32, #tpu.memory_space<vmem>>) target_semaphore(%arg15 : memref<!tpu.dma_semaphore, #tpu.memory_space<semaphore_mem>>)
    %add3A_155 = arith.constant 6144 : i32
    %add3A_156 = arith.addi %mul3A_130, %add3A_155 : i32
    %dma_start3A_157 = arith.constant 6144 : i32
    %dma_start3A_158 = tpu.memref_slice %arg11[%dma_start3A_157] : memref<8192xi32, #tpu.memory_space<vmem>> -> memref<2048xi32, #tpu.memory_space<vmem>>
    %dma_start3A_159 = tpu.memref_slice %arg5[%add3A_156] : memref<262144xi32, #tpu.memory_space<hbm>> -> memref<2048xi32, #tpu.memory_space<hbm>>
    %dma_start3A_160 = arith.constant 6144 : i32
    %dma_start3A_161 = tpu.memref_slice %arg11[%dma_start3A_160] : memref<8192xi32, #tpu.memory_space<vmem>> -> memref<2048xi32, #tpu.memory_space<vmem>>
    %dma_start3A_162 = tpu.memref_slice %arg5[%add3A_156] : memref<262144xi32, #tpu.memory_space<hbm>> -> memref<2048xi32, #tpu.memory_space<hbm>>
    tpu.enqueue_dma source(%dma_start3A_162 : memref<2048xi32, #tpu.memory_space<hbm>>) target(%dma_start3A_161 : memref<2048xi32, #tpu.memory_space<vmem>>) target_semaphore(%arg15 : memref<!tpu.dma_semaphore, #tpu.memory_space<semaphore_mem>>)
    "tpu.region"() ({
      %run_scoped3A = tpu.sem_alloc : memref<!tpu.dma_semaphore, #tpu.memory_space<semaphore_mem>>
      %dma_start3A_392 = arith.constant 0 : i32
      %dma_start3A_393 = tpu.memref_slice %arg4[%dma_start3A_392] : memref<106496xf32, #tpu.memory_space<hbm>> -> memref<128xf32, #tpu.memory_space<hbm>>
      %dma_start3A_394 = arith.constant 0 : i32
      %dma_start3A_395 = tpu.memref_slice %arg4[%dma_start3A_394] : memref<106496xf32, #tpu.memory_space<hbm>> -> memref<128xf32, #tpu.memory_space<hbm>>
      tpu.enqueue_dma source(%dma_start3A_395 : memref<128xf32, #tpu.memory_space<hbm>>) target(%arg13 : memref<128xf32, #tpu.memory_space<vmem>>) target_semaphore(%run_scoped3A : memref<!tpu.dma_semaphore, #tpu.memory_space<semaphore_mem>>)
      %dma_wait3A_396 = arith.constant 0 : i32
      %dma_wait3A_397 = tpu.memref_slice %arg4[%dma_wait3A_396] : memref<106496xf32, #tpu.memory_space<hbm>> -> memref<128xf32, #tpu.memory_space<hbm>>
      %dma_wait3A_398 = arith.constant 0 : i32
      %dma_wait3A_399 = tpu.memref_slice %arg4[%dma_wait3A_398] : memref<106496xf32, #tpu.memory_space<hbm>> -> memref<128xf32, #tpu.memory_space<hbm>>
      tpu.wait_dma2 semaphore(%run_scoped3A : memref<!tpu.dma_semaphore, #tpu.memory_space<semaphore_mem>>) src(%dma_wait3A_399 : memref<128xf32, #tpu.memory_space<hbm>>) dst(%arg13 : memref<128xf32, #tpu.memory_space<vmem>>)
      tpu.yield
    }) : () -> ()
    %eq3A = arith.constant 2 : i32
    %eq3A_163 = arith.cmpi eq, %arg1, %eq3A : i32
    %convert_element_type3A = arith.extui %eq3A_163 : i1 to i32
    %cond3A = arith.constant 0 : i32
    %cond3A_164 = arith.cmpi ne, %convert_element_type3A, %cond3A : i32
    scf.if %cond3A_164 {
      "tpu.region"() ({
        %run_scoped3A = tpu.sem_alloc : memref<!tpu.dma_semaphore, #tpu.memory_space<semaphore_mem>>
        %dma_start3A_392 = arith.constant 0 : i32
        %dma_start3A_393 = tpu.memref_slice %arg14[%dma_start3A_392] : memref<106496xf32, #tpu.memory_space<vmem_shared>> -> memref<128xf32, #tpu.memory_space<vmem_shared>>
        %dma_start3A_394 = arith.constant 0 : i32
        %dma_start3A_395 = tpu.memref_slice %arg14[%dma_start3A_394] : memref<106496xf32, #tpu.memory_space<vmem_shared>> -> memref<128xf32, #tpu.memory_space<vmem_shared>>
        tpu.enqueue_dma source(%arg13 : memref<128xf32, #tpu.memory_space<vmem>>) target(%dma_start3A_395 : memref<128xf32, #tpu.memory_space<vmem_shared>>) target_semaphore(%run_scoped3A : memref<!tpu.dma_semaphore, #tpu.memory_space<semaphore_mem>>)
        %dma_wait3A_396 = arith.constant 0 : i32
        %dma_wait3A_397 = tpu.memref_slice %arg14[%dma_wait3A_396] : memref<106496xf32, #tpu.memory_space<vmem_shared>> -> memref<128xf32, #tpu.memory_space<vmem_shared>>
        %dma_wait3A_398 = arith.constant 0 : i32
        %dma_wait3A_399 = tpu.memref_slice %arg14[%dma_wait3A_398] : memref<106496xf32, #tpu.memory_space<vmem_shared>> -> memref<128xf32, #tpu.memory_space<vmem_shared>>
        tpu.wait_dma2 semaphore(%run_scoped3A : memref<!tpu.dma_semaphore, #tpu.memory_space<semaphore_mem>>) src(%arg13 : memref<128xf32, #tpu.memory_space<vmem>>) dst(%dma_wait3A_399 : memref<128xf32, #tpu.memory_space<vmem_shared>>)
        tpu.yield
      }) : () -> ()
    } else {
    }
    %dma_wait3A = arith.constant 0 : i32
    %dma_wait3A_165 = tpu.memref_slice %arg7[%dma_wait3A] : memref<8192xi32, #tpu.memory_space<vmem>> -> memref<1024xi32, #tpu.memory_space<vmem>>
    %dma_wait3A_166 = tpu.memref_slice %arg2[%add3A_5] : memref<106496xi32, #tpu.memory_space<hbm>> -> memref<1024xi32, #tpu.memory_space<hbm>>
    %dma_wait3A_167 = arith.constant 0 : i32
    %dma_wait3A_168 = tpu.memref_slice %arg7[%dma_wait3A_167] : memref<8192xi32, #tpu.memory_space<vmem>> -> memref<1024xi32, #tpu.memory_space<vmem>>
    %dma_wait3A_169 = tpu.memref_slice %arg2[%add3A_5] : memref<106496xi32, #tpu.memory_space<hbm>> -> memref<1024xi32, #tpu.memory_space<hbm>>
    tpu.wait_dma2 semaphore(%arg16 : memref<!tpu.dma_semaphore, #tpu.memory_space<semaphore_mem>>) src(%dma_wait3A_169 : memref<1024xi32, #tpu.memory_space<hbm>>) dst(%dma_wait3A_168 : memref<1024xi32, #tpu.memory_space<vmem>>)
    %dma_wait3A_170 = arith.constant 0 : i32
    %dma_wait3A_171 = tpu.memref_slice %arg8[%dma_wait3A_170] : memref<8192xf32, #tpu.memory_space<vmem>> -> memref<1024xf32, #tpu.memory_space<vmem>>
    %dma_wait3A_172 = tpu.memref_slice %arg3[%add3A_5] : memref<106496xf32, #tpu.memory_space<hbm>> -> memref<1024xf32, #tpu.memory_space<hbm>>
    %dma_wait3A_173 = arith.constant 0 : i32
    %dma_wait3A_174 = tpu.memref_slice %arg8[%dma_wait3A_173] : memref<8192xf32, #tpu.memory_space<vmem>> -> memref<1024xf32, #tpu.memory_space<vmem>>
    %dma_wait3A_175 = tpu.memref_slice %arg3[%add3A_5] : memref<106496xf32, #tpu.memory_space<hbm>> -> memref<1024xf32, #tpu.memory_space<hbm>>
    tpu.wait_dma2 semaphore(%arg16 : memref<!tpu.dma_semaphore, #tpu.memory_space<semaphore_mem>>) src(%dma_wait3A_175 : memref<1024xf32, #tpu.memory_space<hbm>>) dst(%dma_wait3A_174 : memref<1024xf32, #tpu.memory_space<vmem>>)
    %dma_wait3A_176 = arith.constant 1024 : i32
    %dma_wait3A_177 = tpu.memref_slice %arg7[%dma_wait3A_176] : memref<8192xi32, #tpu.memory_space<vmem>> -> memref<1024xi32, #tpu.memory_space<vmem>>
    %dma_wait3A_178 = tpu.memref_slice %arg2[%add3A_20] : memref<106496xi32, #tpu.memory_space<hbm>> -> memref<1024xi32, #tpu.memory_space<hbm>>
    %dma_wait3A_179 = arith.constant 1024 : i32
    %dma_wait3A_180 = tpu.memref_slice %arg7[%dma_wait3A_179] : memref<8192xi32, #tpu.memory_space<vmem>> -> memref<1024xi32, #tpu.memory_space<vmem>>
    %dma_wait3A_181 = tpu.memref_slice %arg2[%add3A_20] : memref<106496xi32, #tpu.memory_space<hbm>> -> memref<1024xi32, #tpu.memory_space<hbm>>
    tpu.wait_dma2 semaphore(%arg16 : memref<!tpu.dma_semaphore, #tpu.memory_space<semaphore_mem>>) src(%dma_wait3A_181 : memref<1024xi32, #tpu.memory_space<hbm>>) dst(%dma_wait3A_180 : memref<1024xi32, #tpu.memory_space<vmem>>)
    %dma_wait3A_182 = arith.constant 1024 : i32
    %dma_wait3A_183 = tpu.memref_slice %arg8[%dma_wait3A_182] : memref<8192xf32, #tpu.memory_space<vmem>> -> memref<1024xf32, #tpu.memory_space<vmem>>
    %dma_wait3A_184 = tpu.memref_slice %arg3[%add3A_20] : memref<106496xf32, #tpu.memory_space<hbm>> -> memref<1024xf32, #tpu.memory_space<hbm>>
    %dma_wait3A_185 = arith.constant 1024 : i32
    %dma_wait3A_186 = tpu.memref_slice %arg8[%dma_wait3A_185] : memref<8192xf32, #tpu.memory_space<vmem>> -> memref<1024xf32, #tpu.memory_space<vmem>>
    %dma_wait3A_187 = tpu.memref_slice %arg3[%add3A_20] : memref<106496xf32, #tpu.memory_space<hbm>> -> memref<1024xf32, #tpu.memory_space<hbm>>
    tpu.wait_dma2 semaphore(%arg16 : memref<!tpu.dma_semaphore, #tpu.memory_space<semaphore_mem>>) src(%dma_wait3A_187 : memref<1024xf32, #tpu.memory_space<hbm>>) dst(%dma_wait3A_186 : memref<1024xf32, #tpu.memory_space<vmem>>)
    %dma_wait3A_188 = arith.constant 2048 : i32
    %dma_wait3A_189 = tpu.memref_slice %arg7[%dma_wait3A_188] : memref<8192xi32, #tpu.memory_space<vmem>> -> memref<1024xi32, #tpu.memory_space<vmem>>
    %dma_wait3A_190 = tpu.memref_slice %arg2[%add3A_36] : memref<106496xi32, #tpu.memory_space<hbm>> -> memref<1024xi32, #tpu.memory_space<hbm>>
    %dma_wait3A_191 = arith.constant 2048 : i32
    %dma_wait3A_192 = tpu.memref_slice %arg7[%dma_wait3A_191] : memref<8192xi32, #tpu.memory_space<vmem>> -> memref<1024xi32, #tpu.memory_space<vmem>>
    %dma_wait3A_193 = tpu.memref_slice %arg2[%add3A_36] : memref<106496xi32, #tpu.memory_space<hbm>> -> memref<1024xi32, #tpu.memory_space<hbm>>
    tpu.wait_dma2 semaphore(%arg16 : memref<!tpu.dma_semaphore, #tpu.memory_space<semaphore_mem>>) src(%dma_wait3A_193 : memref<1024xi32, #tpu.memory_space<hbm>>) dst(%dma_wait3A_192 : memref<1024xi32, #tpu.memory_space<vmem>>)
    %dma_wait3A_194 = arith.constant 2048 : i32
    %dma_wait3A_195 = tpu.memref_slice %arg8[%dma_wait3A_194] : memref<8192xf32, #tpu.memory_space<vmem>> -> memref<1024xf32, #tpu.memory_space<vmem>>
    %dma_wait3A_196 = tpu.memref_slice %arg3[%add3A_36] : memref<106496xf32, #tpu.memory_space<hbm>> -> memref<1024xf32, #tpu.memory_space<hbm>>
    %dma_wait3A_197 = arith.constant 2048 : i32
    %dma_wait3A_198 = tpu.memref_slice %arg8[%dma_wait3A_197] : memref<8192xf32, #tpu.memory_space<vmem>> -> memref<1024xf32, #tpu.memory_space<vmem>>
    %dma_wait3A_199 = tpu.memref_slice %arg3[%add3A_36] : memref<106496xf32, #tpu.memory_space<hbm>> -> memref<1024xf32, #tpu.memory_space<hbm>>
    tpu.wait_dma2 semaphore(%arg16 : memref<!tpu.dma_semaphore, #tpu.memory_space<semaphore_mem>>) src(%dma_wait3A_199 : memref<1024xf32, #tpu.memory_space<hbm>>) dst(%dma_wait3A_198 : memref<1024xf32, #tpu.memory_space<vmem>>)
    %dma_wait3A_200 = arith.constant 3072 : i32
    %dma_wait3A_201 = tpu.memref_slice %arg7[%dma_wait3A_200] : memref<8192xi32, #tpu.memory_space<vmem>> -> memref<1024xi32, #tpu.memory_space<vmem>>
    %dma_wait3A_202 = tpu.memref_slice %arg2[%add3A_52] : memref<106496xi32, #tpu.memory_space<hbm>> -> memref<1024xi32, #tpu.memory_space<hbm>>
    %dma_wait3A_203 = arith.constant 3072 : i32
    %dma_wait3A_204 = tpu.memref_slice %arg7[%dma_wait3A_203] : memref<8192xi32, #tpu.memory_space<vmem>> -> memref<1024xi32, #tpu.memory_space<vmem>>
    %dma_wait3A_205 = tpu.memref_slice %arg2[%add3A_52] : memref<106496xi32, #tpu.memory_space<hbm>> -> memref<1024xi32, #tpu.memory_space<hbm>>
    tpu.wait_dma2 semaphore(%arg16 : memref<!tpu.dma_semaphore, #tpu.memory_space<semaphore_mem>>) src(%dma_wait3A_205 : memref<1024xi32, #tpu.memory_space<hbm>>) dst(%dma_wait3A_204 : memref<1024xi32, #tpu.memory_space<vmem>>)
    %dma_wait3A_206 = arith.constant 3072 : i32
    %dma_wait3A_207 = tpu.memref_slice %arg8[%dma_wait3A_206] : memref<8192xf32, #tpu.memory_space<vmem>> -> memref<1024xf32, #tpu.memory_space<vmem>>
    %dma_wait3A_208 = tpu.memref_slice %arg3[%add3A_52] : memref<106496xf32, #tpu.memory_space<hbm>> -> memref<1024xf32, #tpu.memory_space<hbm>>
    %dma_wait3A_209 = arith.constant 3072 : i32
    %dma_wait3A_210 = tpu.memref_slice %arg8[%dma_wait3A_209] : memref<8192xf32, #tpu.memory_space<vmem>> -> memref<1024xf32, #tpu.memory_space<vmem>>
    %dma_wait3A_211 = tpu.memref_slice %arg3[%add3A_52] : memref<106496xf32, #tpu.memory_space<hbm>> -> memref<1024xf32, #tpu.memory_space<hbm>>
    tpu.wait_dma2 semaphore(%arg16 : memref<!tpu.dma_semaphore, #tpu.memory_space<semaphore_mem>>) src(%dma_wait3A_211 : memref<1024xf32, #tpu.memory_space<hbm>>) dst(%dma_wait3A_210 : memref<1024xf32, #tpu.memory_space<vmem>>)
    %dma_wait3A_212 = arith.constant 4096 : i32
    %dma_wait3A_213 = tpu.memref_slice %arg7[%dma_wait3A_212] : memref<8192xi32, #tpu.memory_space<vmem>> -> memref<1024xi32, #tpu.memory_space<vmem>>
    %dma_wait3A_214 = tpu.memref_slice %arg2[%add3A_68] : memref<106496xi32, #tpu.memory_space<hbm>> -> memref<1024xi32, #tpu.memory_space<hbm>>
    %dma_wait3A_215 = arith.constant 4096 : i32
    %dma_wait3A_216 = tpu.memref_slice %arg7[%dma_wait3A_215] : memref<8192xi32, #tpu.memory_space<vmem>> -> memref<1024xi32, #tpu.memory_space<vmem>>
    %dma_wait3A_217 = tpu.memref_slice %arg2[%add3A_68] : memref<106496xi32, #tpu.memory_space<hbm>> -> memref<1024xi32, #tpu.memory_space<hbm>>
    tpu.wait_dma2 semaphore(%arg16 : memref<!tpu.dma_semaphore, #tpu.memory_space<semaphore_mem>>) src(%dma_wait3A_217 : memref<1024xi32, #tpu.memory_space<hbm>>) dst(%dma_wait3A_216 : memref<1024xi32, #tpu.memory_space<vmem>>)
    %dma_wait3A_218 = arith.constant 4096 : i32
    %dma_wait3A_219 = tpu.memref_slice %arg8[%dma_wait3A_218] : memref<8192xf32, #tpu.memory_space<vmem>> -> memref<1024xf32, #tpu.memory_space<vmem>>
    %dma_wait3A_220 = tpu.memref_slice %arg3[%add3A_68] : memref<106496xf32, #tpu.memory_space<hbm>> -> memref<1024xf32, #tpu.memory_space<hbm>>
    %dma_wait3A_221 = arith.constant 4096 : i32
    %dma_wait3A_222 = tpu.memref_slice %arg8[%dma_wait3A_221] : memref<8192xf32, #tpu.memory_space<vmem>> -> memref<1024xf32, #tpu.memory_space<vmem>>
    %dma_wait3A_223 = tpu.memref_slice %arg3[%add3A_68] : memref<106496xf32, #tpu.memory_space<hbm>> -> memref<1024xf32, #tpu.memory_space<hbm>>
    tpu.wait_dma2 semaphore(%arg16 : memref<!tpu.dma_semaphore, #tpu.memory_space<semaphore_mem>>) src(%dma_wait3A_223 : memref<1024xf32, #tpu.memory_space<hbm>>) dst(%dma_wait3A_222 : memref<1024xf32, #tpu.memory_space<vmem>>)
    %dma_wait3A_224 = arith.constant 5120 : i32
    %dma_wait3A_225 = tpu.memref_slice %arg7[%dma_wait3A_224] : memref<8192xi32, #tpu.memory_space<vmem>> -> memref<1024xi32, #tpu.memory_space<vmem>>
    %dma_wait3A_226 = tpu.memref_slice %arg2[%add3A_84] : memref<106496xi32, #tpu.memory_space<hbm>> -> memref<1024xi32, #tpu.memory_space<hbm>>
    %dma_wait3A_227 = arith.constant 5120 : i32
    %dma_wait3A_228 = tpu.memref_slice %arg7[%dma_wait3A_227] : memref<8192xi32, #tpu.memory_space<vmem>> -> memref<1024xi32, #tpu.memory_space<vmem>>
    %dma_wait3A_229 = tpu.memref_slice %arg2[%add3A_84] : memref<106496xi32, #tpu.memory_space<hbm>> -> memref<1024xi32, #tpu.memory_space<hbm>>
    tpu.wait_dma2 semaphore(%arg16 : memref<!tpu.dma_semaphore, #tpu.memory_space<semaphore_mem>>) src(%dma_wait3A_229 : memref<1024xi32, #tpu.memory_space<hbm>>) dst(%dma_wait3A_228 : memref<1024xi32, #tpu.memory_space<vmem>>)
    %dma_wait3A_230 = arith.constant 5120 : i32
    %dma_wait3A_231 = tpu.memref_slice %arg8[%dma_wait3A_230] : memref<8192xf32, #tpu.memory_space<vmem>> -> memref<1024xf32, #tpu.memory_space<vmem>>
    %dma_wait3A_232 = tpu.memref_slice %arg3[%add3A_84] : memref<106496xf32, #tpu.memory_space<hbm>> -> memref<1024xf32, #tpu.memory_space<hbm>>
    %dma_wait3A_233 = arith.constant 5120 : i32
    %dma_wait3A_234 = tpu.memref_slice %arg8[%dma_wait3A_233] : memref<8192xf32, #tpu.memory_space<vmem>> -> memref<1024xf32, #tpu.memory_space<vmem>>
    %dma_wait3A_235 = tpu.memref_slice %arg3[%add3A_84] : memref<106496xf32, #tpu.memory_space<hbm>> -> memref<1024xf32, #tpu.memory_space<hbm>>
    tpu.wait_dma2 semaphore(%arg16 : memref<!tpu.dma_semaphore, #tpu.memory_space<semaphore_mem>>) src(%dma_wait3A_235 : memref<1024xf32, #tpu.memory_space<hbm>>) dst(%dma_wait3A_234 : memref<1024xf32, #tpu.memory_space<vmem>>)
    %dma_wait3A_236 = arith.constant 6144 : i32
    %dma_wait3A_237 = tpu.memref_slice %arg7[%dma_wait3A_236] : memref<8192xi32, #tpu.memory_space<vmem>> -> memref<1024xi32, #tpu.memory_space<vmem>>
    %dma_wait3A_238 = tpu.memref_slice %arg2[%add3A_100] : memref<106496xi32, #tpu.memory_space<hbm>> -> memref<1024xi32, #tpu.memory_space<hbm>>
    %dma_wait3A_239 = arith.constant 6144 : i32
    %dma_wait3A_240 = tpu.memref_slice %arg7[%dma_wait3A_239] : memref<8192xi32, #tpu.memory_space<vmem>> -> memref<1024xi32, #tpu.memory_space<vmem>>
    %dma_wait3A_241 = tpu.memref_slice %arg2[%add3A_100] : memref<106496xi32, #tpu.memory_space<hbm>> -> memref<1024xi32, #tpu.memory_space<hbm>>
    tpu.wait_dma2 semaphore(%arg16 : memref<!tpu.dma_semaphore, #tpu.memory_space<semaphore_mem>>) src(%dma_wait3A_241 : memref<1024xi32, #tpu.memory_space<hbm>>) dst(%dma_wait3A_240 : memref<1024xi32, #tpu.memory_space<vmem>>)
    %dma_wait3A_242 = arith.constant 6144 : i32
    %dma_wait3A_243 = tpu.memref_slice %arg8[%dma_wait3A_242] : memref<8192xf32, #tpu.memory_space<vmem>> -> memref<1024xf32, #tpu.memory_space<vmem>>
    %dma_wait3A_244 = tpu.memref_slice %arg3[%add3A_100] : memref<106496xf32, #tpu.memory_space<hbm>> -> memref<1024xf32, #tpu.memory_space<hbm>>
    %dma_wait3A_245 = arith.constant 6144 : i32
    %dma_wait3A_246 = tpu.memref_slice %arg8[%dma_wait3A_245] : memref<8192xf32, #tpu.memory_space<vmem>> -> memref<1024xf32, #tpu.memory_space<vmem>>
    %dma_wait3A_247 = tpu.memref_slice %arg3[%add3A_100] : memref<106496xf32, #tpu.memory_space<hbm>> -> memref<1024xf32, #tpu.memory_space<hbm>>
    tpu.wait_dma2 semaphore(%arg16 : memref<!tpu.dma_semaphore, #tpu.memory_space<semaphore_mem>>) src(%dma_wait3A_247 : memref<1024xf32, #tpu.memory_space<hbm>>) dst(%dma_wait3A_246 : memref<1024xf32, #tpu.memory_space<vmem>>)
    %dma_wait3A_248 = arith.constant 7168 : i32
    %dma_wait3A_249 = tpu.memref_slice %arg7[%dma_wait3A_248] : memref<8192xi32, #tpu.memory_space<vmem>> -> memref<1024xi32, #tpu.memory_space<vmem>>
    %dma_wait3A_250 = tpu.memref_slice %arg2[%add3A_116] : memref<106496xi32, #tpu.memory_space<hbm>> -> memref<1024xi32, #tpu.memory_space<hbm>>
    %dma_wait3A_251 = arith.constant 7168 : i32
    %dma_wait3A_252 = tpu.memref_slice %arg7[%dma_wait3A_251] : memref<8192xi32, #tpu.memory_space<vmem>> -> memref<1024xi32, #tpu.memory_space<vmem>>
    %dma_wait3A_253 = tpu.memref_slice %arg2[%add3A_116] : memref<106496xi32, #tpu.memory_space<hbm>> -> memref<1024xi32, #tpu.memory_space<hbm>>
    tpu.wait_dma2 semaphore(%arg16 : memref<!tpu.dma_semaphore, #tpu.memory_space<semaphore_mem>>) src(%dma_wait3A_253 : memref<1024xi32, #tpu.memory_space<hbm>>) dst(%dma_wait3A_252 : memref<1024xi32, #tpu.memory_space<vmem>>)
    %dma_wait3A_254 = arith.constant 7168 : i32
    %dma_wait3A_255 = tpu.memref_slice %arg8[%dma_wait3A_254] : memref<8192xf32, #tpu.memory_space<vmem>> -> memref<1024xf32, #tpu.memory_space<vmem>>
    %dma_wait3A_256 = tpu.memref_slice %arg3[%add3A_116] : memref<106496xf32, #tpu.memory_space<hbm>> -> memref<1024xf32, #tpu.memory_space<hbm>>
    %dma_wait3A_257 = arith.constant 7168 : i32
    %dma_wait3A_258 = tpu.memref_slice %arg8[%dma_wait3A_257] : memref<8192xf32, #tpu.memory_space<vmem>> -> memref<1024xf32, #tpu.memory_space<vmem>>
    %dma_wait3A_259 = tpu.memref_slice %arg3[%add3A_116] : memref<106496xf32, #tpu.memory_space<hbm>> -> memref<1024xf32, #tpu.memory_space<hbm>>
    tpu.wait_dma2 semaphore(%arg16 : memref<!tpu.dma_semaphore, #tpu.memory_space<semaphore_mem>>) src(%dma_wait3A_259 : memref<1024xf32, #tpu.memory_space<hbm>>) dst(%dma_wait3A_258 : memref<1024xf32, #tpu.memory_space<vmem>>)
    %barrier3A = arith.constant 0 : index
    tpu.barrier barrier_id(%barrier3A)
    %scan3A = arith.constant 0 : i32
    %scan3A_260 = arith.constant 8 : i32
    %scan3A_261 = arith.addi %scan3A, %scan3A_260 : i32
    %scan3A_262 = arith.constant 1 : i32
    scf.for %scan3A_392 = %scan3A to %scan3A_261 step %scan3A_262  : i32 {
      %convert_element_type3A_393 = arith.extui %lt3A_1 : i1 to i32
      %cond3A_394 = arith.constant 0 : i32
      %cond3A_395 = arith.cmpi ne, %convert_element_type3A_393, %cond3A_394 : i32
      scf.if %cond3A_395 {
        %mul3A_397 = arith.constant 13312 : i32
        %mul3A_398 = arith.muli %scan3A_392, %mul3A_397 : i32
        %mul3A_399 = arith.constant 1024 : i32
        %mul3A_400 = arith.muli %arg1, %mul3A_399 : i32
        %add3A_401 = arith.addi %mul3A_398, %mul3A_400 : i32
        %mul3A_402 = arith.constant 1024 : i32
        %mul3A_403 = arith.muli %scan3A_392, %mul3A_402 : i32
        %dma_start3A_404 = tpu.memref_slice %arg7[%mul3A_403] : memref<8192xi32, #tpu.memory_space<vmem>> -> memref<1024xi32, #tpu.memory_space<vmem>>
        %dma_start3A_405 = arith.constant 0 : i32
        %dma_start3A_406 = tpu.memref_slice %arg14[%dma_start3A_405] : memref<106496xf32, #tpu.memory_space<vmem_shared>> -> memref<106496xf32, #tpu.memory_space<vmem_shared>>
        tpu.enqueue_indirect_dma source(%dma_start3A_406 : memref<106496xf32, #tpu.memory_space<vmem_shared>>) target(%arg9 : memref<1024xf32, #tpu.memory_space<vmem>>) offsets(%dma_start3A_404 : memref<1024xi32, #tpu.memory_space<vmem>>) semaphore(%arg16 : memref<!tpu.dma_semaphore, #tpu.memory_space<semaphore_mem>>)
        %dma_wait3A_407 = tpu.memref_slice %arg7[%mul3A_403] : memref<8192xi32, #tpu.memory_space<vmem>> -> memref<1024xi32, #tpu.memory_space<vmem>>
        %dma_wait3A_408 = arith.constant 0 : i32
        %dma_wait3A_409 = tpu.memref_slice %arg14[%dma_wait3A_408] : memref<106496xf32, #tpu.memory_space<vmem_shared>> -> memref<106496xf32, #tpu.memory_space<vmem_shared>>
        tpu.wait_indirect_dma semaphore(%arg16 : memref<!tpu.dma_semaphore, #tpu.memory_space<semaphore_mem>>) src(%dma_wait3A_409 : memref<106496xf32, #tpu.memory_space<vmem_shared>>) dst(%arg9 : memref<1024xf32, #tpu.memory_space<vmem>>)
        %add3A_410 = arith.constant 0 : i32
        %add3A_411 = arith.addi %mul3A_403, %add3A_410 : i32
        %get3A = arith.index_cast %add3A_411 : i32 to index
        %get3A_412 = tpu.vector_load %arg8[%get3A] {strides = array<i32>} : memref<8192xf32, #tpu.memory_space<vmem>>, vector<16xf32>,
        %get3A_413 = arith.constant 0 : index
        %get3A_414 = tpu.vector_load %arg9[%get3A_413] {strides = array<i32>} : memref<1024xf32, #tpu.memory_space<vmem>>, vector<16xf32>,
        %add3A_415 = arith.addf %get3A_412, %get3A_414 : vector<16xf32>
        %swap3A = arith.constant 0 : index
        %swap3A_416 = tpu.vector_load %arg10[%swap3A] {strides = array<i32>} : memref<1024xf32, #tpu.memory_space<vmem>>, vector<16xf32>,
        tpu.vector_store %arg10[%swap3A], %add3A_415 {strides = array<i32>} : memref<1024xf32, #tpu.memory_space<vmem>>, vector<16xf32>,
        %add3A_417 = arith.constant 16 : i32
        %add3A_418 = arith.addi %mul3A_403, %add3A_417 : i32
        %get3A_419 = arith.index_cast %add3A_418 : i32 to index
        %get3A_420 = tpu.vector_load %arg8[%get3A_419] {strides = array<i32>} : memref<8192xf32, #tpu.memory_space<vmem>>, vector<16xf32>,
        %get3A_421 = arith.constant 16 : index
        %get3A_422 = tpu.vector_load %arg9[%get3A_421] {strides = array<i32>} : memref<1024xf32, #tpu.memory_space<vmem>>, vector<16xf32>,
        %add3A_423 = arith.addf %get3A_420, %get3A_422 : vector<16xf32>
        %swap3A_424 = arith.constant 16 : index
        %swap3A_425 = tpu.vector_load %arg10[%swap3A_424] {strides = array<i32>} : memref<1024xf32, #tpu.memory_space<vmem>>, vector<16xf32>,
        tpu.vector_store %arg10[%swap3A_424], %add3A_423 {strides = array<i32>} : memref<1024xf32, #tpu.memory_space<vmem>>, vector<16xf32>,
        %add3A_426 = arith.constant 32 : i32
        %add3A_427 = arith.addi %mul3A_403, %add3A_426 : i32
        %get3A_428 = arith.index_cast %add3A_427 : i32 to index
        %get3A_429 = tpu.vector_load %arg8[%get3A_428] {strides = array<i32>} : memref<8192xf32, #tpu.memory_space<vmem>>, vector<16xf32>,
        %get3A_430 = arith.constant 32 : index
        %get3A_431 = tpu.vector_load %arg9[%get3A_430] {strides = array<i32>} : memref<1024xf32, #tpu.memory_space<vmem>>, vector<16xf32>,
        %add3A_432 = arith.addf %get3A_429, %get3A_431 : vector<16xf32>
        %swap3A_433 = arith.constant 32 : index
        %swap3A_434 = tpu.vector_load %arg10[%swap3A_433] {strides = array<i32>} : memref<1024xf32, #tpu.memory_space<vmem>>, vector<16xf32>,
        tpu.vector_store %arg10[%swap3A_433], %add3A_432 {strides = array<i32>} : memref<1024xf32, #tpu.memory_space<vmem>>, vector<16xf32>,
        %add3A_435 = arith.constant 48 : i32
        %add3A_436 = arith.addi %mul3A_403, %add3A_435 : i32
        %get3A_437 = arith.index_cast %add3A_436 : i32 to index
        %get3A_438 = tpu.vector_load %arg8[%get3A_437] {strides = array<i32>} : memref<8192xf32, #tpu.memory_space<vmem>>, vector<16xf32>,
        %get3A_439 = arith.constant 48 : index
        %get3A_440 = tpu.vector_load %arg9[%get3A_439] {strides = array<i32>} : memref<1024xf32, #tpu.memory_space<vmem>>, vector<16xf32>,
        %add3A_441 = arith.addf %get3A_438, %get3A_440 : vector<16xf32>
        %swap3A_442 = arith.constant 48 : index
        %swap3A_443 = tpu.vector_load %arg10[%swap3A_442] {strides = array<i32>} : memref<1024xf32, #tpu.memory_space<vmem>>, vector<16xf32>,
        tpu.vector_store %arg10[%swap3A_442], %add3A_441 {strides = array<i32>} : memref<1024xf32, #tpu.memory_space<vmem>>, vector<16xf32>,
        %add3A_444 = arith.constant 64 : i32
        %add3A_445 = arith.addi %mul3A_403, %add3A_444 : i32
        %get3A_446 = arith.index_cast %add3A_445 : i32 to index
        %get3A_447 = tpu.vector_load %arg8[%get3A_446] {strides = array<i32>} : memref<8192xf32, #tpu.memory_space<vmem>>, vector<16xf32>,
        %get3A_448 = arith.constant 64 : index
        %get3A_449 = tpu.vector_load %arg9[%get3A_448] {strides = array<i32>} : memref<1024xf32, #tpu.memory_space<vmem>>, vector<16xf32>,
        %add3A_450 = arith.addf %get3A_447, %get3A_449 : vector<16xf32>
        %swap3A_451 = arith.constant 64 : index
        %swap3A_452 = tpu.vector_load %arg10[%swap3A_451] {strides = array<i32>} : memref<1024xf32, #tpu.memory_space<vmem>>, vector<16xf32>,
        tpu.vector_store %arg10[%swap3A_451], %add3A_450 {strides = array<i32>} : memref<1024xf32, #tpu.memory_space<vmem>>, vector<16xf32>,
        %add3A_453 = arith.constant 80 : i32
        %add3A_454 = arith.addi %mul3A_403, %add3A_453 : i32
        %get3A_455 = arith.index_cast %add3A_454 : i32 to index
        %get3A_456 = tpu.vector_load %arg8[%get3A_455] {strides = array<i32>} : memref<8192xf32, #tpu.memory_space<vmem>>, vector<16xf32>,
        %get3A_457 = arith.constant 80 : index
        %get3A_458 = tpu.vector_load %arg9[%get3A_457] {strides = array<i32>} : memref<1024xf32, #tpu.memory_space<vmem>>, vector<16xf32>,
        %add3A_459 = arith.addf %get3A_456, %get3A_458 : vector<16xf32>
        %swap3A_460 = arith.constant 80 : index
        %swap3A_461 = tpu.vector_load %arg10[%swap3A_460] {strides = array<i32>} : memref<1024xf32, #tpu.memory_space<vmem>>, vector<16xf32>,
        tpu.vector_store %arg10[%swap3A_460], %add3A_459 {strides = array<i32>} : memref<1024xf32, #tpu.memory_space<vmem>>, vector<16xf32>,
        %add3A_462 = arith.constant 96 : i32
        %add3A_463 = arith.addi %mul3A_403, %add3A_462 : i32
        %get3A_464 = arith.index_cast %add3A_463 : i32 to index
        %get3A_465 = tpu.vector_load %arg8[%get3A_464] {strides = array<i32>} : memref<8192xf32, #tpu.memory_space<vmem>>, vector<16xf32>,
        %get3A_466 = arith.constant 96 : index
        %get3A_467 = tpu.vector_load %arg9[%get3A_466] {strides = array<i32>} : memref<1024xf32, #tpu.memory_space<vmem>>, vector<16xf32>,
        %add3A_468 = arith.addf %get3A_465, %get3A_467 : vector<16xf32>
        %swap3A_469 = arith.constant 96 : index
        %swap3A_470 = tpu.vector_load %arg10[%swap3A_469] {strides = array<i32>} : memref<1024xf32, #tpu.memory_space<vmem>>, vector<16xf32>,
        tpu.vector_store %arg10[%swap3A_469], %add3A_468 {strides = array<i32>} : memref<1024xf32, #tpu.memory_space<vmem>>, vector<16xf32>,
        %add3A_471 = arith.constant 112 : i32
        %add3A_472 = arith.addi %mul3A_403, %add3A_471 : i32
        %get3A_473 = arith.index_cast %add3A_472 : i32 to index
        %get3A_474 = tpu.vector_load %arg8[%get3A_473] {strides = array<i32>} : memref<8192xf32, #tpu.memory_space<vmem>>, vector<16xf32>,
        %get3A_475 = arith.constant 112 : index
        %get3A_476 = tpu.vector_load %arg9[%get3A_475] {strides = array<i32>} : memref<1024xf32, #tpu.memory_space<vmem>>, vector<16xf32>,
        %add3A_477 = arith.addf %get3A_474, %get3A_476 : vector<16xf32>
        %swap3A_478 = arith.constant 112 : index
        %swap3A_479 = tpu.vector_load %arg10[%swap3A_478] {strides = array<i32>} : memref<1024xf32, #tpu.memory_space<vmem>>, vector<16xf32>,
        tpu.vector_store %arg10[%swap3A_478], %add3A_477 {strides = array<i32>} : memref<1024xf32, #tpu.memory_space<vmem>>, vector<16xf32>,
        %add3A_480 = arith.constant 128 : i32
        %add3A_481 = arith.addi %mul3A_403, %add3A_480 : i32
        %get3A_482 = arith.index_cast %add3A_481 : i32 to index
        %get3A_483 = tpu.vector_load %arg8[%get3A_482] {strides = array<i32>} : memref<8192xf32, #tpu.memory_space<vmem>>, vector<16xf32>,
        %get3A_484 = arith.constant 128 : index
        %get3A_485 = tpu.vector_load %arg9[%get3A_484] {strides = array<i32>} : memref<1024xf32, #tpu.memory_space<vmem>>, vector<16xf32>,
        %add3A_486 = arith.addf %get3A_483, %get3A_485 : vector<16xf32>
        %swap3A_487 = arith.constant 128 : index
        %swap3A_488 = tpu.vector_load %arg10[%swap3A_487] {strides = array<i32>} : memref<1024xf32, #tpu.memory_space<vmem>>, vector<16xf32>,
        tpu.vector_store %arg10[%swap3A_487], %add3A_486 {strides = array<i32>} : memref<1024xf32, #tpu.memory_space<vmem>>, vector<16xf32>,
        %add3A_489 = arith.constant 144 : i32
        %add3A_490 = arith.addi %mul3A_403, %add3A_489 : i32
        %get3A_491 = arith.index_cast %add3A_490 : i32 to index
        %get3A_492 = tpu.vector_load %arg8[%get3A_491] {strides = array<i32>} : memref<8192xf32, #tpu.memory_space<vmem>>, vector<16xf32>,
        %get3A_493 = arith.constant 144 : index
        %get3A_494 = tpu.vector_load %arg9[%get3A_493] {strides = array<i32>} : memref<1024xf32, #tpu.memory_space<vmem>>, vector<16xf32>,
        %add3A_495 = arith.addf %get3A_492, %get3A_494 : vector<16xf32>
        %swap3A_496 = arith.constant 144 : index
        %swap3A_497 = tpu.vector_load %arg10[%swap3A_496] {strides = array<i32>} : memref<1024xf32, #tpu.memory_space<vmem>>, vector<16xf32>,
        tpu.vector_store %arg10[%swap3A_496], %add3A_495 {strides = array<i32>} : memref<1024xf32, #tpu.memory_space<vmem>>, vector<16xf32>,
        %add3A_498 = arith.constant 160 : i32
        %add3A_499 = arith.addi %mul3A_403, %add3A_498 : i32
        %get3A_500 = arith.index_cast %add3A_499 : i32 to index
        %get3A_501 = tpu.vector_load %arg8[%get3A_500] {strides = array<i32>} : memref<8192xf32, #tpu.memory_space<vmem>>, vector<16xf32>,
        %get3A_502 = arith.constant 160 : index
        %get3A_503 = tpu.vector_load %arg9[%get3A_502] {strides = array<i32>} : memref<1024xf32, #tpu.memory_space<vmem>>, vector<16xf32>,
        %add3A_504 = arith.addf %get3A_501, %get3A_503 : vector<16xf32>
        %swap3A_505 = arith.constant 160 : index
        %swap3A_506 = tpu.vector_load %arg10[%swap3A_505] {strides = array<i32>} : memref<1024xf32, #tpu.memory_space<vmem>>, vector<16xf32>,
        tpu.vector_store %arg10[%swap3A_505], %add3A_504 {strides = array<i32>} : memref<1024xf32, #tpu.memory_space<vmem>>, vector<16xf32>,
        %add3A_507 = arith.constant 176 : i32
        %add3A_508 = arith.addi %mul3A_403, %add3A_507 : i32
        %get3A_509 = arith.index_cast %add3A_508 : i32 to index
        %get3A_510 = tpu.vector_load %arg8[%get3A_509] {strides = array<i32>} : memref<8192xf32, #tpu.memory_space<vmem>>, vector<16xf32>,
        %get3A_511 = arith.constant 176 : index
        %get3A_512 = tpu.vector_load %arg9[%get3A_511] {strides = array<i32>} : memref<1024xf32, #tpu.memory_space<vmem>>, vector<16xf32>,
        %add3A_513 = arith.addf %get3A_510, %get3A_512 : vector<16xf32>
        %swap3A_514 = arith.constant 176 : index
        %swap3A_515 = tpu.vector_load %arg10[%swap3A_514] {strides = array<i32>} : memref<1024xf32, #tpu.memory_space<vmem>>, vector<16xf32>,
        tpu.vector_store %arg10[%swap3A_514], %add3A_513 {strides = array<i32>} : memref<1024xf32, #tpu.memory_space<vmem>>, vector<16xf32>,
        %add3A_516 = arith.constant 192 : i32
        %add3A_517 = arith.addi %mul3A_403, %add3A_516 : i32
        %get3A_518 = arith.index_cast %add3A_517 : i32 to index
        %get3A_519 = tpu.vector_load %arg8[%get3A_518] {strides = array<i32>} : memref<8192xf32, #tpu.memory_space<vmem>>, vector<16xf32>,
        %get3A_520 = arith.constant 192 : index
        %get3A_521 = tpu.vector_load %arg9[%get3A_520] {strides = array<i32>} : memref<1024xf32, #tpu.memory_space<vmem>>, vector<16xf32>,
        %add3A_522 = arith.addf %get3A_519, %get3A_521 : vector<16xf32>
        %swap3A_523 = arith.constant 192 : index
        %swap3A_524 = tpu.vector_load %arg10[%swap3A_523] {strides = array<i32>} : memref<1024xf32, #tpu.memory_space<vmem>>, vector<16xf32>,
        tpu.vector_store %arg10[%swap3A_523], %add3A_522 {strides = array<i32>} : memref<1024xf32, #tpu.memory_space<vmem>>, vector<16xf32>,
        %add3A_525 = arith.constant 208 : i32
        %add3A_526 = arith.addi %mul3A_403, %add3A_525 : i32
        %get3A_527 = arith.index_cast %add3A_526 : i32 to index
        %get3A_528 = tpu.vector_load %arg8[%get3A_527] {strides = array<i32>} : memref<8192xf32, #tpu.memory_space<vmem>>, vector<16xf32>,
        %get3A_529 = arith.constant 208 : index
        %get3A_530 = tpu.vector_load %arg9[%get3A_529] {strides = array<i32>} : memref<1024xf32, #tpu.memory_space<vmem>>, vector<16xf32>,
        %add3A_531 = arith.addf %get3A_528, %get3A_530 : vector<16xf32>
        %swap3A_532 = arith.constant 208 : index
        %swap3A_533 = tpu.vector_load %arg10[%swap3A_532] {strides = array<i32>} : memref<1024xf32, #tpu.memory_space<vmem>>, vector<16xf32>,
        tpu.vector_store %arg10[%swap3A_532], %add3A_531 {strides = array<i32>} : memref<1024xf32, #tpu.memory_space<vmem>>, vector<16xf32>,
        %add3A_534 = arith.constant 224 : i32
        %add3A_535 = arith.addi %mul3A_403, %add3A_534 : i32
        %get3A_536 = arith.index_cast %add3A_535 : i32 to index
        %get3A_537 = tpu.vector_load %arg8[%get3A_536] {strides = array<i32>} : memref<8192xf32, #tpu.memory_space<vmem>>, vector<16xf32>,
        %get3A_538 = arith.constant 224 : index
        %get3A_539 = tpu.vector_load %arg9[%get3A_538] {strides = array<i32>} : memref<1024xf32, #tpu.memory_space<vmem>>, vector<16xf32>,
        %add3A_540 = arith.addf %get3A_537, %get3A_539 : vector<16xf32>
        %swap3A_541 = arith.constant 224 : index
        %swap3A_542 = tpu.vector_load %arg10[%swap3A_541] {strides = array<i32>} : memref<1024xf32, #tpu.memory_space<vmem>>, vector<16xf32>,
        tpu.vector_store %arg10[%swap3A_541], %add3A_540 {strides = array<i32>} : memref<1024xf32, #tpu.memory_space<vmem>>, vector<16xf32>,
        %add3A_543 = arith.constant 240 : i32
        %add3A_544 = arith.addi %mul3A_403, %add3A_543 : i32
        %get3A_545 = arith.index_cast %add3A_544 : i32 to index
        %get3A_546 = tpu.vector_load %arg8[%get3A_545] {strides = array<i32>} : memref<8192xf32, #tpu.memory_space<vmem>>, vector<16xf32>,
        %get3A_547 = arith.constant 240 : index
        %get3A_548 = tpu.vector_load %arg9[%get3A_547] {strides = array<i32>} : memref<1024xf32, #tpu.memory_space<vmem>>, vector<16xf32>,
        %add3A_549 = arith.addf %get3A_546, %get3A_548 : vector<16xf32>
        %swap3A_550 = arith.constant 240 : index
        %swap3A_551 = tpu.vector_load %arg10[%swap3A_550] {strides = array<i32>} : memref<1024xf32, #tpu.memory_space<vmem>>, vector<16xf32>,
        tpu.vector_store %arg10[%swap3A_550], %add3A_549 {strides = array<i32>} : memref<1024xf32, #tpu.memory_space<vmem>>, vector<16xf32>,
        %add3A_552 = arith.constant 256 : i32
        %add3A_553 = arith.addi %mul3A_403, %add3A_552 : i32
        %get3A_554 = arith.index_cast %add3A_553 : i32 to index
        %get3A_555 = tpu.vector_load %arg8[%get3A_554] {strides = array<i32>} : memref<8192xf32, #tpu.memory_space<vmem>>, vector<16xf32>,
        %get3A_556 = arith.constant 256 : index
        %get3A_557 = tpu.vector_load %arg9[%get3A_556] {strides = array<i32>} : memref<1024xf32, #tpu.memory_space<vmem>>, vector<16xf32>,
        %add3A_558 = arith.addf %get3A_555, %get3A_557 : vector<16xf32>
        %swap3A_559 = arith.constant 256 : index
        %swap3A_560 = tpu.vector_load %arg10[%swap3A_559] {strides = array<i32>} : memref<1024xf32, #tpu.memory_space<vmem>>, vector<16xf32>,
        tpu.vector_store %arg10[%swap3A_559], %add3A_558 {strides = array<i32>} : memref<1024xf32, #tpu.memory_space<vmem>>, vector<16xf32>,
        %add3A_561 = arith.constant 272 : i32
        %add3A_562 = arith.addi %mul3A_403, %add3A_561 : i32
        %get3A_563 = arith.index_cast %add3A_562 : i32 to index
        %get3A_564 = tpu.vector_load %arg8[%get3A_563] {strides = array<i32>} : memref<8192xf32, #tpu.memory_space<vmem>>, vector<16xf32>,
        %get3A_565 = arith.constant 272 : index
        %get3A_566 = tpu.vector_load %arg9[%get3A_565] {strides = array<i32>} : memref<1024xf32, #tpu.memory_space<vmem>>, vector<16xf32>,
        %add3A_567 = arith.addf %get3A_564, %get3A_566 : vector<16xf32>
        %swap3A_568 = arith.constant 272 : index
        %swap3A_569 = tpu.vector_load %arg10[%swap3A_568] {strides = array<i32>} : memref<1024xf32, #tpu.memory_space<vmem>>, vector<16xf32>,
        tpu.vector_store %arg10[%swap3A_568], %add3A_567 {strides = array<i32>} : memref<1024xf32, #tpu.memory_space<vmem>>, vector<16xf32>,
        %add3A_570 = arith.constant 288 : i32
        %add3A_571 = arith.addi %mul3A_403, %add3A_570 : i32
        %get3A_572 = arith.index_cast %add3A_571 : i32 to index
        %get3A_573 = tpu.vector_load %arg8[%get3A_572] {strides = array<i32>} : memref<8192xf32, #tpu.memory_space<vmem>>, vector<16xf32>,
        %get3A_574 = arith.constant 288 : index
        %get3A_575 = tpu.vector_load %arg9[%get3A_574] {strides = array<i32>} : memref<1024xf32, #tpu.memory_space<vmem>>, vector<16xf32>,
        %add3A_576 = arith.addf %get3A_573, %get3A_575 : vector<16xf32>
        %swap3A_577 = arith.constant 288 : index
        %swap3A_578 = tpu.vector_load %arg10[%swap3A_577] {strides = array<i32>} : memref<1024xf32, #tpu.memory_space<vmem>>, vector<16xf32>,
        tpu.vector_store %arg10[%swap3A_577], %add3A_576 {strides = array<i32>} : memref<1024xf32, #tpu.memory_space<vmem>>, vector<16xf32>,
        %add3A_579 = arith.constant 304 : i32
        %add3A_580 = arith.addi %mul3A_403, %add3A_579 : i32
        %get3A_581 = arith.index_cast %add3A_580 : i32 to index
        %get3A_582 = tpu.vector_load %arg8[%get3A_581] {strides = array<i32>} : memref<8192xf32, #tpu.memory_space<vmem>>, vector<16xf32>,
        %get3A_583 = arith.constant 304 : index
        %get3A_584 = tpu.vector_load %arg9[%get3A_583] {strides = array<i32>} : memref<1024xf32, #tpu.memory_space<vmem>>, vector<16xf32>,
        %add3A_585 = arith.addf %get3A_582, %get3A_584 : vector<16xf32>
        %swap3A_586 = arith.constant 304 : index
        %swap3A_587 = tpu.vector_load %arg10[%swap3A_586] {strides = array<i32>} : memref<1024xf32, #tpu.memory_space<vmem>>, vector<16xf32>,
        tpu.vector_store %arg10[%swap3A_586], %add3A_585 {strides = array<i32>} : memref<1024xf32, #tpu.memory_space<vmem>>, vector<16xf32>,
        %add3A_588 = arith.constant 320 : i32
        %add3A_589 = arith.addi %mul3A_403, %add3A_588 : i32
        %get3A_590 = arith.index_cast %add3A_589 : i32 to index
        %get3A_591 = tpu.vector_load %arg8[%get3A_590] {strides = array<i32>} : memref<8192xf32, #tpu.memory_space<vmem>>, vector<16xf32>,
        %get3A_592 = arith.constant 320 : index
        %get3A_593 = tpu.vector_load %arg9[%get3A_592] {strides = array<i32>} : memref<1024xf32, #tpu.memory_space<vmem>>, vector<16xf32>,
        %add3A_594 = arith.addf %get3A_591, %get3A_593 : vector<16xf32>
        %swap3A_595 = arith.constant 320 : index
        %swap3A_596 = tpu.vector_load %arg10[%swap3A_595] {strides = array<i32>} : memref<1024xf32, #tpu.memory_space<vmem>>, vector<16xf32>,
        tpu.vector_store %arg10[%swap3A_595], %add3A_594 {strides = array<i32>} : memref<1024xf32, #tpu.memory_space<vmem>>, vector<16xf32>,
        %add3A_597 = arith.constant 336 : i32
        %add3A_598 = arith.addi %mul3A_403, %add3A_597 : i32
        %get3A_599 = arith.index_cast %add3A_598 : i32 to index
        %get3A_600 = tpu.vector_load %arg8[%get3A_599] {strides = array<i32>} : memref<8192xf32, #tpu.memory_space<vmem>>, vector<16xf32>,
        %get3A_601 = arith.constant 336 : index
        %get3A_602 = tpu.vector_load %arg9[%get3A_601] {strides = array<i32>} : memref<1024xf32, #tpu.memory_space<vmem>>, vector<16xf32>,
        %add3A_603 = arith.addf %get3A_600, %get3A_602 : vector<16xf32>
        %swap3A_604 = arith.constant 336 : index
        %swap3A_605 = tpu.vector_load %arg10[%swap3A_604] {strides = array<i32>} : memref<1024xf32, #tpu.memory_space<vmem>>, vector<16xf32>,
        tpu.vector_store %arg10[%swap3A_604], %add3A_603 {strides = array<i32>} : memref<1024xf32, #tpu.memory_space<vmem>>, vector<16xf32>,
        %add3A_606 = arith.constant 352 : i32
        %add3A_607 = arith.addi %mul3A_403, %add3A_606 : i32
        %get3A_608 = arith.index_cast %add3A_607 : i32 to index
        %get3A_609 = tpu.vector_load %arg8[%get3A_608] {strides = array<i32>} : memref<8192xf32, #tpu.memory_space<vmem>>, vector<16xf32>,
        %get3A_610 = arith.constant 352 : index
        %get3A_611 = tpu.vector_load %arg9[%get3A_610] {strides = array<i32>} : memref<1024xf32, #tpu.memory_space<vmem>>, vector<16xf32>,
        %add3A_612 = arith.addf %get3A_609, %get3A_611 : vector<16xf32>
        %swap3A_613 = arith.constant 352 : index
        %swap3A_614 = tpu.vector_load %arg10[%swap3A_613] {strides = array<i32>} : memref<1024xf32, #tpu.memory_space<vmem>>, vector<16xf32>,
        tpu.vector_store %arg10[%swap3A_613], %add3A_612 {strides = array<i32>} : memref<1024xf32, #tpu.memory_space<vmem>>, vector<16xf32>,
        %add3A_615 = arith.constant 368 : i32
        %add3A_616 = arith.addi %mul3A_403, %add3A_615 : i32
        %get3A_617 = arith.index_cast %add3A_616 : i32 to index
        %get3A_618 = tpu.vector_load %arg8[%get3A_617] {strides = array<i32>} : memref<8192xf32, #tpu.memory_space<vmem>>, vector<16xf32>,
        %get3A_619 = arith.constant 368 : index
        %get3A_620 = tpu.vector_load %arg9[%get3A_619] {strides = array<i32>} : memref<1024xf32, #tpu.memory_space<vmem>>, vector<16xf32>,
        %add3A_621 = arith.addf %get3A_618, %get3A_620 : vector<16xf32>
        %swap3A_622 = arith.constant 368 : index
        %swap3A_623 = tpu.vector_load %arg10[%swap3A_622] {strides = array<i32>} : memref<1024xf32, #tpu.memory_space<vmem>>, vector<16xf32>,
        tpu.vector_store %arg10[%swap3A_622], %add3A_621 {strides = array<i32>} : memref<1024xf32, #tpu.memory_space<vmem>>, vector<16xf32>,
        %add3A_624 = arith.constant 384 : i32
        %add3A_625 = arith.addi %mul3A_403, %add3A_624 : i32
        %get3A_626 = arith.index_cast %add3A_625 : i32 to index
        %get3A_627 = tpu.vector_load %arg8[%get3A_626] {strides = array<i32>} : memref<8192xf32, #tpu.memory_space<vmem>>, vector<16xf32>,
        %get3A_628 = arith.constant 384 : index
        %get3A_629 = tpu.vector_load %arg9[%get3A_628] {strides = array<i32>} : memref<1024xf32, #tpu.memory_space<vmem>>, vector<16xf32>,
        %add3A_630 = arith.addf %get3A_627, %get3A_629 : vector<16xf32>
        %swap3A_631 = arith.constant 384 : index
        %swap3A_632 = tpu.vector_load %arg10[%swap3A_631] {strides = array<i32>} : memref<1024xf32, #tpu.memory_space<vmem>>, vector<16xf32>,
        tpu.vector_store %arg10[%swap3A_631], %add3A_630 {strides = array<i32>} : memref<1024xf32, #tpu.memory_space<vmem>>, vector<16xf32>,
        %add3A_633 = arith.constant 400 : i32
        %add3A_634 = arith.addi %mul3A_403, %add3A_633 : i32
        %get3A_635 = arith.index_cast %add3A_634 : i32 to index
        %get3A_636 = tpu.vector_load %arg8[%get3A_635] {strides = array<i32>} : memref<8192xf32, #tpu.memory_space<vmem>>, vector<16xf32>,
        %get3A_637 = arith.constant 400 : index
        %get3A_638 = tpu.vector_load %arg9[%get3A_637] {strides = array<i32>} : memref<1024xf32, #tpu.memory_space<vmem>>, vector<16xf32>,
        %add3A_639 = arith.addf %get3A_636, %get3A_638 : vector<16xf32>
        %swap3A_640 = arith.constant 400 : index
        %swap3A_641 = tpu.vector_load %arg10[%swap3A_640] {strides = array<i32>} : memref<1024xf32, #tpu.memory_space<vmem>>, vector<16xf32>,
        tpu.vector_store %arg10[%swap3A_640], %add3A_639 {strides = array<i32>} : memref<1024xf32, #tpu.memory_space<vmem>>, vector<16xf32>,
        %add3A_642 = arith.constant 416 : i32
        %add3A_643 = arith.addi %mul3A_403, %add3A_642 : i32
        %get3A_644 = arith.index_cast %add3A_643 : i32 to index
        %get3A_645 = tpu.vector_load %arg8[%get3A_644] {strides = array<i32>} : memref<8192xf32, #tpu.memory_space<vmem>>, vector<16xf32>,
        %get3A_646 = arith.constant 416 : index
        %get3A_647 = tpu.vector_load %arg9[%get3A_646] {strides = array<i32>} : memref<1024xf32, #tpu.memory_space<vmem>>, vector<16xf32>,
        %add3A_648 = arith.addf %get3A_645, %get3A_647 : vector<16xf32>
        %swap3A_649 = arith.constant 416 : index
        %swap3A_650 = tpu.vector_load %arg10[%swap3A_649] {strides = array<i32>} : memref<1024xf32, #tpu.memory_space<vmem>>, vector<16xf32>,
        tpu.vector_store %arg10[%swap3A_649], %add3A_648 {strides = array<i32>} : memref<1024xf32, #tpu.memory_space<vmem>>, vector<16xf32>,
        %add3A_651 = arith.constant 432 : i32
        %add3A_652 = arith.addi %mul3A_403, %add3A_651 : i32
        %get3A_653 = arith.index_cast %add3A_652 : i32 to index
        %get3A_654 = tpu.vector_load %arg8[%get3A_653] {strides = array<i32>} : memref<8192xf32, #tpu.memory_space<vmem>>, vector<16xf32>,
        %get3A_655 = arith.constant 432 : index
        %get3A_656 = tpu.vector_load %arg9[%get3A_655] {strides = array<i32>} : memref<1024xf32, #tpu.memory_space<vmem>>, vector<16xf32>,
        %add3A_657 = arith.addf %get3A_654, %get3A_656 : vector<16xf32>
        %swap3A_658 = arith.constant 432 : index
        %swap3A_659 = tpu.vector_load %arg10[%swap3A_658] {strides = array<i32>} : memref<1024xf32, #tpu.memory_space<vmem>>, vector<16xf32>,
        tpu.vector_store %arg10[%swap3A_658], %add3A_657 {strides = array<i32>} : memref<1024xf32, #tpu.memory_space<vmem>>, vector<16xf32>,
        %add3A_660 = arith.constant 448 : i32
        %add3A_661 = arith.addi %mul3A_403, %add3A_660 : i32
        %get3A_662 = arith.index_cast %add3A_661 : i32 to index
        %get3A_663 = tpu.vector_load %arg8[%get3A_662] {strides = array<i32>} : memref<8192xf32, #tpu.memory_space<vmem>>, vector<16xf32>,
        %get3A_664 = arith.constant 448 : index
        %get3A_665 = tpu.vector_load %arg9[%get3A_664] {strides = array<i32>} : memref<1024xf32, #tpu.memory_space<vmem>>, vector<16xf32>,
        %add3A_666 = arith.addf %get3A_663, %get3A_665 : vector<16xf32>
        %swap3A_667 = arith.constant 448 : index
        %swap3A_668 = tpu.vector_load %arg10[%swap3A_667] {strides = array<i32>} : memref<1024xf32, #tpu.memory_space<vmem>>, vector<16xf32>,
        tpu.vector_store %arg10[%swap3A_667], %add3A_666 {strides = array<i32>} : memref<1024xf32, #tpu.memory_space<vmem>>, vector<16xf32>,
        %add3A_669 = arith.constant 464 : i32
        %add3A_670 = arith.addi %mul3A_403, %add3A_669 : i32
        %get3A_671 = arith.index_cast %add3A_670 : i32 to index
        %get3A_672 = tpu.vector_load %arg8[%get3A_671] {strides = array<i32>} : memref<8192xf32, #tpu.memory_space<vmem>>, vector<16xf32>,
        %get3A_673 = arith.constant 464 : index
        %get3A_674 = tpu.vector_load %arg9[%get3A_673] {strides = array<i32>} : memref<1024xf32, #tpu.memory_space<vmem>>, vector<16xf32>,
        %add3A_675 = arith.addf %get3A_672, %get3A_674 : vector<16xf32>
        %swap3A_676 = arith.constant 464 : index
        %swap3A_677 = tpu.vector_load %arg10[%swap3A_676] {strides = array<i32>} : memref<1024xf32, #tpu.memory_space<vmem>>, vector<16xf32>,
        tpu.vector_store %arg10[%swap3A_676], %add3A_675 {strides = array<i32>} : memref<1024xf32, #tpu.memory_space<vmem>>, vector<16xf32>,
        %add3A_678 = arith.constant 480 : i32
        %add3A_679 = arith.addi %mul3A_403, %add3A_678 : i32
        %get3A_680 = arith.index_cast %add3A_679 : i32 to index
        %get3A_681 = tpu.vector_load %arg8[%get3A_680] {strides = array<i32>} : memref<8192xf32, #tpu.memory_space<vmem>>, vector<16xf32>,
        %get3A_682 = arith.constant 480 : index
        %get3A_683 = tpu.vector_load %arg9[%get3A_682] {strides = array<i32>} : memref<1024xf32, #tpu.memory_space<vmem>>, vector<16xf32>,
        %add3A_684 = arith.addf %get3A_681, %get3A_683 : vector<16xf32>
        %swap3A_685 = arith.constant 480 : index
        %swap3A_686 = tpu.vector_load %arg10[%swap3A_685] {strides = array<i32>} : memref<1024xf32, #tpu.memory_space<vmem>>, vector<16xf32>,
        tpu.vector_store %arg10[%swap3A_685], %add3A_684 {strides = array<i32>} : memref<1024xf32, #tpu.memory_space<vmem>>, vector<16xf32>,
        %add3A_687 = arith.constant 496 : i32
        %add3A_688 = arith.addi %mul3A_403, %add3A_687 : i32
        %get3A_689 = arith.index_cast %add3A_688 : i32 to index
        %get3A_690 = tpu.vector_load %arg8[%get3A_689] {strides = array<i32>} : memref<8192xf32, #tpu.memory_space<vmem>>, vector<16xf32>,
        %get3A_691 = arith.constant 496 : index
        %get3A_692 = tpu.vector_load %arg9[%get3A_691] {strides = array<i32>} : memref<1024xf32, #tpu.memory_space<vmem>>, vector<16xf32>,
        %add3A_693 = arith.addf %get3A_690, %get3A_692 : vector<16xf32>
        %swap3A_694 = arith.constant 496 : index
        %swap3A_695 = tpu.vector_load %arg10[%swap3A_694] {strides = array<i32>} : memref<1024xf32, #tpu.memory_space<vmem>>, vector<16xf32>,
        tpu.vector_store %arg10[%swap3A_694], %add3A_693 {strides = array<i32>} : memref<1024xf32, #tpu.memory_space<vmem>>, vector<16xf32>,
        %add3A_696 = arith.constant 512 : i32
        %add3A_697 = arith.addi %mul3A_403, %add3A_696 : i32
        %get3A_698 = arith.index_cast %add3A_697 : i32 to index
        %get3A_699 = tpu.vector_load %arg8[%get3A_698] {strides = array<i32>} : memref<8192xf32, #tpu.memory_space<vmem>>, vector<16xf32>,
        %get3A_700 = arith.constant 512 : index
        %get3A_701 = tpu.vector_load %arg9[%get3A_700] {strides = array<i32>} : memref<1024xf32, #tpu.memory_space<vmem>>, vector<16xf32>,
        %add3A_702 = arith.addf %get3A_699, %get3A_701 : vector<16xf32>
        %swap3A_703 = arith.constant 512 : index
        %swap3A_704 = tpu.vector_load %arg10[%swap3A_703] {strides = array<i32>} : memref<1024xf32, #tpu.memory_space<vmem>>, vector<16xf32>,
        tpu.vector_store %arg10[%swap3A_703], %add3A_702 {strides = array<i32>} : memref<1024xf32, #tpu.memory_space<vmem>>, vector<16xf32>,
        %add3A_705 = arith.constant 528 : i32
        %add3A_706 = arith.addi %mul3A_403, %add3A_705 : i32
        %get3A_707 = arith.index_cast %add3A_706 : i32 to index
        %get3A_708 = tpu.vector_load %arg8[%get3A_707] {strides = array<i32>} : memref<8192xf32, #tpu.memory_space<vmem>>, vector<16xf32>,
        %get3A_709 = arith.constant 528 : index
        %get3A_710 = tpu.vector_load %arg9[%get3A_709] {strides = array<i32>} : memref<1024xf32, #tpu.memory_space<vmem>>, vector<16xf32>,
        %add3A_711 = arith.addf %get3A_708, %get3A_710 : vector<16xf32>
        %swap3A_712 = arith.constant 528 : index
        %swap3A_713 = tpu.vector_load %arg10[%swap3A_712] {strides = array<i32>} : memref<1024xf32, #tpu.memory_space<vmem>>, vector<16xf32>,
        tpu.vector_store %arg10[%swap3A_712], %add3A_711 {strides = array<i32>} : memref<1024xf32, #tpu.memory_space<vmem>>, vector<16xf32>,
        %add3A_714 = arith.constant 544 : i32
        %add3A_715 = arith.addi %mul3A_403, %add3A_714 : i32
        %get3A_716 = arith.index_cast %add3A_715 : i32 to index
        %get3A_717 = tpu.vector_load %arg8[%get3A_716] {strides = array<i32>} : memref<8192xf32, #tpu.memory_space<vmem>>, vector<16xf32>,
        %get3A_718 = arith.constant 544 : index
        %get3A_719 = tpu.vector_load %arg9[%get3A_718] {strides = array<i32>} : memref<1024xf32, #tpu.memory_space<vmem>>, vector<16xf32>,
        %add3A_720 = arith.addf %get3A_717, %get3A_719 : vector<16xf32>
        %swap3A_721 = arith.constant 544 : index
        %swap3A_722 = tpu.vector_load %arg10[%swap3A_721] {strides = array<i32>} : memref<1024xf32, #tpu.memory_space<vmem>>, vector<16xf32>,
        tpu.vector_store %arg10[%swap3A_721], %add3A_720 {strides = array<i32>} : memref<1024xf32, #tpu.memory_space<vmem>>, vector<16xf32>,
        %add3A_723 = arith.constant 560 : i32
        %add3A_724 = arith.addi %mul3A_403, %add3A_723 : i32
        %get3A_725 = arith.index_cast %add3A_724 : i32 to index
        %get3A_726 = tpu.vector_load %arg8[%get3A_725] {strides = array<i32>} : memref<8192xf32, #tpu.memory_space<vmem>>, vector<16xf32>,
        %get3A_727 = arith.constant 560 : index
        %get3A_728 = tpu.vector_load %arg9[%get3A_727] {strides = array<i32>} : memref<1024xf32, #tpu.memory_space<vmem>>, vector<16xf32>,
        %add3A_729 = arith.addf %get3A_726, %get3A_728 : vector<16xf32>
        %swap3A_730 = arith.constant 560 : index
        %swap3A_731 = tpu.vector_load %arg10[%swap3A_730] {strides = array<i32>} : memref<1024xf32, #tpu.memory_space<vmem>>, vector<16xf32>,
        tpu.vector_store %arg10[%swap3A_730], %add3A_729 {strides = array<i32>} : memref<1024xf32, #tpu.memory_space<vmem>>, vector<16xf32>,
        %add3A_732 = arith.constant 576 : i32
        %add3A_733 = arith.addi %mul3A_403, %add3A_732 : i32
        %get3A_734 = arith.index_cast %add3A_733 : i32 to index
        %get3A_735 = tpu.vector_load %arg8[%get3A_734] {strides = array<i32>} : memref<8192xf32, #tpu.memory_space<vmem>>, vector<16xf32>,
        %get3A_736 = arith.constant 576 : index
        %get3A_737 = tpu.vector_load %arg9[%get3A_736] {strides = array<i32>} : memref<1024xf32, #tpu.memory_space<vmem>>, vector<16xf32>,
        %add3A_738 = arith.addf %get3A_735, %get3A_737 : vector<16xf32>
        %swap3A_739 = arith.constant 576 : index
        %swap3A_740 = tpu.vector_load %arg10[%swap3A_739] {strides = array<i32>} : memref<1024xf32, #tpu.memory_space<vmem>>, vector<16xf32>,
        tpu.vector_store %arg10[%swap3A_739], %add3A_738 {strides = array<i32>} : memref<1024xf32, #tpu.memory_space<vmem>>, vector<16xf32>,
        %add3A_741 = arith.constant 592 : i32
        %add3A_742 = arith.addi %mul3A_403, %add3A_741 : i32
        %get3A_743 = arith.index_cast %add3A_742 : i32 to index
        %get3A_744 = tpu.vector_load %arg8[%get3A_743] {strides = array<i32>} : memref<8192xf32, #tpu.memory_space<vmem>>, vector<16xf32>,
        %get3A_745 = arith.constant 592 : index
        %get3A_746 = tpu.vector_load %arg9[%get3A_745] {strides = array<i32>} : memref<1024xf32, #tpu.memory_space<vmem>>, vector<16xf32>,
        %add3A_747 = arith.addf %get3A_744, %get3A_746 : vector<16xf32>
        %swap3A_748 = arith.constant 592 : index
        %swap3A_749 = tpu.vector_load %arg10[%swap3A_748] {strides = array<i32>} : memref<1024xf32, #tpu.memory_space<vmem>>, vector<16xf32>,
        tpu.vector_store %arg10[%swap3A_748], %add3A_747 {strides = array<i32>} : memref<1024xf32, #tpu.memory_space<vmem>>, vector<16xf32>,
        %add3A_750 = arith.constant 608 : i32
        %add3A_751 = arith.addi %mul3A_403, %add3A_750 : i32
        %get3A_752 = arith.index_cast %add3A_751 : i32 to index
        %get3A_753 = tpu.vector_load %arg8[%get3A_752] {strides = array<i32>} : memref<8192xf32, #tpu.memory_space<vmem>>, vector<16xf32>,
        %get3A_754 = arith.constant 608 : index
        %get3A_755 = tpu.vector_load %arg9[%get3A_754] {strides = array<i32>} : memref<1024xf32, #tpu.memory_space<vmem>>, vector<16xf32>,
        %add3A_756 = arith.addf %get3A_753, %get3A_755 : vector<16xf32>
        %swap3A_757 = arith.constant 608 : index
        %swap3A_758 = tpu.vector_load %arg10[%swap3A_757] {strides = array<i32>} : memref<1024xf32, #tpu.memory_space<vmem>>, vector<16xf32>,
        tpu.vector_store %arg10[%swap3A_757], %add3A_756 {strides = array<i32>} : memref<1024xf32, #tpu.memory_space<vmem>>, vector<16xf32>,
        %add3A_759 = arith.constant 624 : i32
        %add3A_760 = arith.addi %mul3A_403, %add3A_759 : i32
        %get3A_761 = arith.index_cast %add3A_760 : i32 to index
        %get3A_762 = tpu.vector_load %arg8[%get3A_761] {strides = array<i32>} : memref<8192xf32, #tpu.memory_space<vmem>>, vector<16xf32>,
        %get3A_763 = arith.constant 624 : index
        %get3A_764 = tpu.vector_load %arg9[%get3A_763] {strides = array<i32>} : memref<1024xf32, #tpu.memory_space<vmem>>, vector<16xf32>,
        %add3A_765 = arith.addf %get3A_762, %get3A_764 : vector<16xf32>
        %swap3A_766 = arith.constant 624 : index
        %swap3A_767 = tpu.vector_load %arg10[%swap3A_766] {strides = array<i32>} : memref<1024xf32, #tpu.memory_space<vmem>>, vector<16xf32>,
        tpu.vector_store %arg10[%swap3A_766], %add3A_765 {strides = array<i32>} : memref<1024xf32, #tpu.memory_space<vmem>>, vector<16xf32>,
        %add3A_768 = arith.constant 640 : i32
        %add3A_769 = arith.addi %mul3A_403, %add3A_768 : i32
        %get3A_770 = arith.index_cast %add3A_769 : i32 to index
        %get3A_771 = tpu.vector_load %arg8[%get3A_770] {strides = array<i32>} : memref<8192xf32, #tpu.memory_space<vmem>>, vector<16xf32>,
        %get3A_772 = arith.constant 640 : index
        %get3A_773 = tpu.vector_load %arg9[%get3A_772] {strides = array<i32>} : memref<1024xf32, #tpu.memory_space<vmem>>, vector<16xf32>,
        %add3A_774 = arith.addf %get3A_771, %get3A_773 : vector<16xf32>
        %swap3A_775 = arith.constant 640 : index
        %swap3A_776 = tpu.vector_load %arg10[%swap3A_775] {strides = array<i32>} : memref<1024xf32, #tpu.memory_space<vmem>>, vector<16xf32>,
        tpu.vector_store %arg10[%swap3A_775], %add3A_774 {strides = array<i32>} : memref<1024xf32, #tpu.memory_space<vmem>>, vector<16xf32>,
        %add3A_777 = arith.constant 656 : i32
        %add3A_778 = arith.addi %mul3A_403, %add3A_777 : i32
        %get3A_779 = arith.index_cast %add3A_778 : i32 to index
        %get3A_780 = tpu.vector_load %arg8[%get3A_779] {strides = array<i32>} : memref<8192xf32, #tpu.memory_space<vmem>>, vector<16xf32>,
        %get3A_781 = arith.constant 656 : index
        %get3A_782 = tpu.vector_load %arg9[%get3A_781] {strides = array<i32>} : memref<1024xf32, #tpu.memory_space<vmem>>, vector<16xf32>,
        %add3A_783 = arith.addf %get3A_780, %get3A_782 : vector<16xf32>
        %swap3A_784 = arith.constant 656 : index
        %swap3A_785 = tpu.vector_load %arg10[%swap3A_784] {strides = array<i32>} : memref<1024xf32, #tpu.memory_space<vmem>>, vector<16xf32>,
        tpu.vector_store %arg10[%swap3A_784], %add3A_783 {strides = array<i32>} : memref<1024xf32, #tpu.memory_space<vmem>>, vector<16xf32>,
        %add3A_786 = arith.constant 672 : i32
        %add3A_787 = arith.addi %mul3A_403, %add3A_786 : i32
        %get3A_788 = arith.index_cast %add3A_787 : i32 to index
        %get3A_789 = tpu.vector_load %arg8[%get3A_788] {strides = array<i32>} : memref<8192xf32, #tpu.memory_space<vmem>>, vector<16xf32>,
        %get3A_790 = arith.constant 672 : index
        %get3A_791 = tpu.vector_load %arg9[%get3A_790] {strides = array<i32>} : memref<1024xf32, #tpu.memory_space<vmem>>, vector<16xf32>,
        %add3A_792 = arith.addf %get3A_789, %get3A_791 : vector<16xf32>
        %swap3A_793 = arith.constant 672 : index
        %swap3A_794 = tpu.vector_load %arg10[%swap3A_793] {strides = array<i32>} : memref<1024xf32, #tpu.memory_space<vmem>>, vector<16xf32>,
        tpu.vector_store %arg10[%swap3A_793], %add3A_792 {strides = array<i32>} : memref<1024xf32, #tpu.memory_space<vmem>>, vector<16xf32>,
        %add3A_795 = arith.constant 688 : i32
        %add3A_796 = arith.addi %mul3A_403, %add3A_795 : i32
        %get3A_797 = arith.index_cast %add3A_796 : i32 to index
        %get3A_798 = tpu.vector_load %arg8[%get3A_797] {strides = array<i32>} : memref<8192xf32, #tpu.memory_space<vmem>>, vector<16xf32>,
        %get3A_799 = arith.constant 688 : index
        %get3A_800 = tpu.vector_load %arg9[%get3A_799] {strides = array<i32>} : memref<1024xf32, #tpu.memory_space<vmem>>, vector<16xf32>,
        %add3A_801 = arith.addf %get3A_798, %get3A_800 : vector<16xf32>
        %swap3A_802 = arith.constant 688 : index
        %swap3A_803 = tpu.vector_load %arg10[%swap3A_802] {strides = array<i32>} : memref<1024xf32, #tpu.memory_space<vmem>>, vector<16xf32>,
        tpu.vector_store %arg10[%swap3A_802], %add3A_801 {strides = array<i32>} : memref<1024xf32, #tpu.memory_space<vmem>>, vector<16xf32>,
        %add3A_804 = arith.constant 704 : i32
        %add3A_805 = arith.addi %mul3A_403, %add3A_804 : i32
        %get3A_806 = arith.index_cast %add3A_805 : i32 to index
        %get3A_807 = tpu.vector_load %arg8[%get3A_806] {strides = array<i32>} : memref<8192xf32, #tpu.memory_space<vmem>>, vector<16xf32>,
        %get3A_808 = arith.constant 704 : index
        %get3A_809 = tpu.vector_load %arg9[%get3A_808] {strides = array<i32>} : memref<1024xf32, #tpu.memory_space<vmem>>, vector<16xf32>,
        %add3A_810 = arith.addf %get3A_807, %get3A_809 : vector<16xf32>
        %swap3A_811 = arith.constant 704 : index
        %swap3A_812 = tpu.vector_load %arg10[%swap3A_811] {strides = array<i32>} : memref<1024xf32, #tpu.memory_space<vmem>>, vector<16xf32>,
        tpu.vector_store %arg10[%swap3A_811], %add3A_810 {strides = array<i32>} : memref<1024xf32, #tpu.memory_space<vmem>>, vector<16xf32>,
        %add3A_813 = arith.constant 720 : i32
        %add3A_814 = arith.addi %mul3A_403, %add3A_813 : i32
        %get3A_815 = arith.index_cast %add3A_814 : i32 to index
        %get3A_816 = tpu.vector_load %arg8[%get3A_815] {strides = array<i32>} : memref<8192xf32, #tpu.memory_space<vmem>>, vector<16xf32>,
        %get3A_817 = arith.constant 720 : index
        %get3A_818 = tpu.vector_load %arg9[%get3A_817] {strides = array<i32>} : memref<1024xf32, #tpu.memory_space<vmem>>, vector<16xf32>,
        %add3A_819 = arith.addf %get3A_816, %get3A_818 : vector<16xf32>
        %swap3A_820 = arith.constant 720 : index
        %swap3A_821 = tpu.vector_load %arg10[%swap3A_820] {strides = array<i32>} : memref<1024xf32, #tpu.memory_space<vmem>>, vector<16xf32>,
        tpu.vector_store %arg10[%swap3A_820], %add3A_819 {strides = array<i32>} : memref<1024xf32, #tpu.memory_space<vmem>>, vector<16xf32>,
        %add3A_822 = arith.constant 736 : i32
        %add3A_823 = arith.addi %mul3A_403, %add3A_822 : i32
        %get3A_824 = arith.index_cast %add3A_823 : i32 to index
        %get3A_825 = tpu.vector_load %arg8[%get3A_824] {strides = array<i32>} : memref<8192xf32, #tpu.memory_space<vmem>>, vector<16xf32>,
        %get3A_826 = arith.constant 736 : index
        %get3A_827 = tpu.vector_load %arg9[%get3A_826] {strides = array<i32>} : memref<1024xf32, #tpu.memory_space<vmem>>, vector<16xf32>,
        %add3A_828 = arith.addf %get3A_825, %get3A_827 : vector<16xf32>
        %swap3A_829 = arith.constant 736 : index
        %swap3A_830 = tpu.vector_load %arg10[%swap3A_829] {strides = array<i32>} : memref<1024xf32, #tpu.memory_space<vmem>>, vector<16xf32>,
        tpu.vector_store %arg10[%swap3A_829], %add3A_828 {strides = array<i32>} : memref<1024xf32, #tpu.memory_space<vmem>>, vector<16xf32>,
        %add3A_831 = arith.constant 752 : i32
        %add3A_832 = arith.addi %mul3A_403, %add3A_831 : i32
        %get3A_833 = arith.index_cast %add3A_832 : i32 to index
        %get3A_834 = tpu.vector_load %arg8[%get3A_833] {strides = array<i32>} : memref<8192xf32, #tpu.memory_space<vmem>>, vector<16xf32>,
        %get3A_835 = arith.constant 752 : index
        %get3A_836 = tpu.vector_load %arg9[%get3A_835] {strides = array<i32>} : memref<1024xf32, #tpu.memory_space<vmem>>, vector<16xf32>,
        %add3A_837 = arith.addf %get3A_834, %get3A_836 : vector<16xf32>
        %swap3A_838 = arith.constant 752 : index
        %swap3A_839 = tpu.vector_load %arg10[%swap3A_838] {strides = array<i32>} : memref<1024xf32, #tpu.memory_space<vmem>>, vector<16xf32>,
        tpu.vector_store %arg10[%swap3A_838], %add3A_837 {strides = array<i32>} : memref<1024xf32, #tpu.memory_space<vmem>>, vector<16xf32>,
        %add3A_840 = arith.constant 768 : i32
        %add3A_841 = arith.addi %mul3A_403, %add3A_840 : i32
        %get3A_842 = arith.index_cast %add3A_841 : i32 to index
        %get3A_843 = tpu.vector_load %arg8[%get3A_842] {strides = array<i32>} : memref<8192xf32, #tpu.memory_space<vmem>>, vector<16xf32>,
        %get3A_844 = arith.constant 768 : index
        %get3A_845 = tpu.vector_load %arg9[%get3A_844] {strides = array<i32>} : memref<1024xf32, #tpu.memory_space<vmem>>, vector<16xf32>,
        %add3A_846 = arith.addf %get3A_843, %get3A_845 : vector<16xf32>
        %swap3A_847 = arith.constant 768 : index
        %swap3A_848 = tpu.vector_load %arg10[%swap3A_847] {strides = array<i32>} : memref<1024xf32, #tpu.memory_space<vmem>>, vector<16xf32>,
        tpu.vector_store %arg10[%swap3A_847], %add3A_846 {strides = array<i32>} : memref<1024xf32, #tpu.memory_space<vmem>>, vector<16xf32>,
        %add3A_849 = arith.constant 784 : i32
        %add3A_850 = arith.addi %mul3A_403, %add3A_849 : i32
        %get3A_851 = arith.index_cast %add3A_850 : i32 to index
        %get3A_852 = tpu.vector_load %arg8[%get3A_851] {strides = array<i32>} : memref<8192xf32, #tpu.memory_space<vmem>>, vector<16xf32>,
        %get3A_853 = arith.constant 784 : index
        %get3A_854 = tpu.vector_load %arg9[%get3A_853] {strides = array<i32>} : memref<1024xf32, #tpu.memory_space<vmem>>, vector<16xf32>,
        %add3A_855 = arith.addf %get3A_852, %get3A_854 : vector<16xf32>
        %swap3A_856 = arith.constant 784 : index
        %swap3A_857 = tpu.vector_load %arg10[%swap3A_856] {strides = array<i32>} : memref<1024xf32, #tpu.memory_space<vmem>>, vector<16xf32>,
        tpu.vector_store %arg10[%swap3A_856], %add3A_855 {strides = array<i32>} : memref<1024xf32, #tpu.memory_space<vmem>>, vector<16xf32>,
        %add3A_858 = arith.constant 800 : i32
        %add3A_859 = arith.addi %mul3A_403, %add3A_858 : i32
        %get3A_860 = arith.index_cast %add3A_859 : i32 to index
        %get3A_861 = tpu.vector_load %arg8[%get3A_860] {strides = array<i32>} : memref<8192xf32, #tpu.memory_space<vmem>>, vector<16xf32>,
        %get3A_862 = arith.constant 800 : index
        %get3A_863 = tpu.vector_load %arg9[%get3A_862] {strides = array<i32>} : memref<1024xf32, #tpu.memory_space<vmem>>, vector<16xf32>,
        %add3A_864 = arith.addf %get3A_861, %get3A_863 : vector<16xf32>
        %swap3A_865 = arith.constant 800 : index
        %swap3A_866 = tpu.vector_load %arg10[%swap3A_865] {strides = array<i32>} : memref<1024xf32, #tpu.memory_space<vmem>>, vector<16xf32>,
        tpu.vector_store %arg10[%swap3A_865], %add3A_864 {strides = array<i32>} : memref<1024xf32, #tpu.memory_space<vmem>>, vector<16xf32>,
        %add3A_867 = arith.constant 816 : i32
        %add3A_868 = arith.addi %mul3A_403, %add3A_867 : i32
        %get3A_869 = arith.index_cast %add3A_868 : i32 to index
        %get3A_870 = tpu.vector_load %arg8[%get3A_869] {strides = array<i32>} : memref<8192xf32, #tpu.memory_space<vmem>>, vector<16xf32>,
        %get3A_871 = arith.constant 816 : index
        %get3A_872 = tpu.vector_load %arg9[%get3A_871] {strides = array<i32>} : memref<1024xf32, #tpu.memory_space<vmem>>, vector<16xf32>,
        %add3A_873 = arith.addf %get3A_870, %get3A_872 : vector<16xf32>
        %swap3A_874 = arith.constant 816 : index
        %swap3A_875 = tpu.vector_load %arg10[%swap3A_874] {strides = array<i32>} : memref<1024xf32, #tpu.memory_space<vmem>>, vector<16xf32>,
        tpu.vector_store %arg10[%swap3A_874], %add3A_873 {strides = array<i32>} : memref<1024xf32, #tpu.memory_space<vmem>>, vector<16xf32>,
        %add3A_876 = arith.constant 832 : i32
        %add3A_877 = arith.addi %mul3A_403, %add3A_876 : i32
        %get3A_878 = arith.index_cast %add3A_877 : i32 to index
        %get3A_879 = tpu.vector_load %arg8[%get3A_878] {strides = array<i32>} : memref<8192xf32, #tpu.memory_space<vmem>>, vector<16xf32>,
        %get3A_880 = arith.constant 832 : index
        %get3A_881 = tpu.vector_load %arg9[%get3A_880] {strides = array<i32>} : memref<1024xf32, #tpu.memory_space<vmem>>, vector<16xf32>,
        %add3A_882 = arith.addf %get3A_879, %get3A_881 : vector<16xf32>
        %swap3A_883 = arith.constant 832 : index
        %swap3A_884 = tpu.vector_load %arg10[%swap3A_883] {strides = array<i32>} : memref<1024xf32, #tpu.memory_space<vmem>>, vector<16xf32>,
        tpu.vector_store %arg10[%swap3A_883], %add3A_882 {strides = array<i32>} : memref<1024xf32, #tpu.memory_space<vmem>>, vector<16xf32>,
        %add3A_885 = arith.constant 848 : i32
        %add3A_886 = arith.addi %mul3A_403, %add3A_885 : i32
        %get3A_887 = arith.index_cast %add3A_886 : i32 to index
        %get3A_888 = tpu.vector_load %arg8[%get3A_887] {strides = array<i32>} : memref<8192xf32, #tpu.memory_space<vmem>>, vector<16xf32>,
        %get3A_889 = arith.constant 848 : index
        %get3A_890 = tpu.vector_load %arg9[%get3A_889] {strides = array<i32>} : memref<1024xf32, #tpu.memory_space<vmem>>, vector<16xf32>,
        %add3A_891 = arith.addf %get3A_888, %get3A_890 : vector<16xf32>
        %swap3A_892 = arith.constant 848 : index
        %swap3A_893 = tpu.vector_load %arg10[%swap3A_892] {strides = array<i32>} : memref<1024xf32, #tpu.memory_space<vmem>>, vector<16xf32>,
        tpu.vector_store %arg10[%swap3A_892], %add3A_891 {strides = array<i32>} : memref<1024xf32, #tpu.memory_space<vmem>>, vector<16xf32>,
        %add3A_894 = arith.constant 864 : i32
        %add3A_895 = arith.addi %mul3A_403, %add3A_894 : i32
        %get3A_896 = arith.index_cast %add3A_895 : i32 to index
        %get3A_897 = tpu.vector_load %arg8[%get3A_896] {strides = array<i32>} : memref<8192xf32, #tpu.memory_space<vmem>>, vector<16xf32>,
        %get3A_898 = arith.constant 864 : index
        %get3A_899 = tpu.vector_load %arg9[%get3A_898] {strides = array<i32>} : memref<1024xf32, #tpu.memory_space<vmem>>, vector<16xf32>,
        %add3A_900 = arith.addf %get3A_897, %get3A_899 : vector<16xf32>
        %swap3A_901 = arith.constant 864 : index
        %swap3A_902 = tpu.vector_load %arg10[%swap3A_901] {strides = array<i32>} : memref<1024xf32, #tpu.memory_space<vmem>>, vector<16xf32>,
        tpu.vector_store %arg10[%swap3A_901], %add3A_900 {strides = array<i32>} : memref<1024xf32, #tpu.memory_space<vmem>>, vector<16xf32>,
        %add3A_903 = arith.constant 880 : i32
        %add3A_904 = arith.addi %mul3A_403, %add3A_903 : i32
        %get3A_905 = arith.index_cast %add3A_904 : i32 to index
        %get3A_906 = tpu.vector_load %arg8[%get3A_905] {strides = array<i32>} : memref<8192xf32, #tpu.memory_space<vmem>>, vector<16xf32>,
        %get3A_907 = arith.constant 880 : index
        %get3A_908 = tpu.vector_load %arg9[%get3A_907] {strides = array<i32>} : memref<1024xf32, #tpu.memory_space<vmem>>, vector<16xf32>,
        %add3A_909 = arith.addf %get3A_906, %get3A_908 : vector<16xf32>
        %swap3A_910 = arith.constant 880 : index
        %swap3A_911 = tpu.vector_load %arg10[%swap3A_910] {strides = array<i32>} : memref<1024xf32, #tpu.memory_space<vmem>>, vector<16xf32>,
        tpu.vector_store %arg10[%swap3A_910], %add3A_909 {strides = array<i32>} : memref<1024xf32, #tpu.memory_space<vmem>>, vector<16xf32>,
        %add3A_912 = arith.constant 896 : i32
        %add3A_913 = arith.addi %mul3A_403, %add3A_912 : i32
        %get3A_914 = arith.index_cast %add3A_913 : i32 to index
        %get3A_915 = tpu.vector_load %arg8[%get3A_914] {strides = array<i32>} : memref<8192xf32, #tpu.memory_space<vmem>>, vector<16xf32>,
        %get3A_916 = arith.constant 896 : index
        %get3A_917 = tpu.vector_load %arg9[%get3A_916] {strides = array<i32>} : memref<1024xf32, #tpu.memory_space<vmem>>, vector<16xf32>,
        %add3A_918 = arith.addf %get3A_915, %get3A_917 : vector<16xf32>
        %swap3A_919 = arith.constant 896 : index
        %swap3A_920 = tpu.vector_load %arg10[%swap3A_919] {strides = array<i32>} : memref<1024xf32, #tpu.memory_space<vmem>>, vector<16xf32>,
        tpu.vector_store %arg10[%swap3A_919], %add3A_918 {strides = array<i32>} : memref<1024xf32, #tpu.memory_space<vmem>>, vector<16xf32>,
        %add3A_921 = arith.constant 912 : i32
        %add3A_922 = arith.addi %mul3A_403, %add3A_921 : i32
        %get3A_923 = arith.index_cast %add3A_922 : i32 to index
        %get3A_924 = tpu.vector_load %arg8[%get3A_923] {strides = array<i32>} : memref<8192xf32, #tpu.memory_space<vmem>>, vector<16xf32>,
        %get3A_925 = arith.constant 912 : index
        %get3A_926 = tpu.vector_load %arg9[%get3A_925] {strides = array<i32>} : memref<1024xf32, #tpu.memory_space<vmem>>, vector<16xf32>,
        %add3A_927 = arith.addf %get3A_924, %get3A_926 : vector<16xf32>
        %swap3A_928 = arith.constant 912 : index
        %swap3A_929 = tpu.vector_load %arg10[%swap3A_928] {strides = array<i32>} : memref<1024xf32, #tpu.memory_space<vmem>>, vector<16xf32>,
        tpu.vector_store %arg10[%swap3A_928], %add3A_927 {strides = array<i32>} : memref<1024xf32, #tpu.memory_space<vmem>>, vector<16xf32>,
        %add3A_930 = arith.constant 928 : i32
        %add3A_931 = arith.addi %mul3A_403, %add3A_930 : i32
        %get3A_932 = arith.index_cast %add3A_931 : i32 to index
        %get3A_933 = tpu.vector_load %arg8[%get3A_932] {strides = array<i32>} : memref<8192xf32, #tpu.memory_space<vmem>>, vector<16xf32>,
        %get3A_934 = arith.constant 928 : index
        %get3A_935 = tpu.vector_load %arg9[%get3A_934] {strides = array<i32>} : memref<1024xf32, #tpu.memory_space<vmem>>, vector<16xf32>,
        %add3A_936 = arith.addf %get3A_933, %get3A_935 : vector<16xf32>
        %swap3A_937 = arith.constant 928 : index
        %swap3A_938 = tpu.vector_load %arg10[%swap3A_937] {strides = array<i32>} : memref<1024xf32, #tpu.memory_space<vmem>>, vector<16xf32>,
        tpu.vector_store %arg10[%swap3A_937], %add3A_936 {strides = array<i32>} : memref<1024xf32, #tpu.memory_space<vmem>>, vector<16xf32>,
        %add3A_939 = arith.constant 944 : i32
        %add3A_940 = arith.addi %mul3A_403, %add3A_939 : i32
        %get3A_941 = arith.index_cast %add3A_940 : i32 to index
        %get3A_942 = tpu.vector_load %arg8[%get3A_941] {strides = array<i32>} : memref<8192xf32, #tpu.memory_space<vmem>>, vector<16xf32>,
        %get3A_943 = arith.constant 944 : index
        %get3A_944 = tpu.vector_load %arg9[%get3A_943] {strides = array<i32>} : memref<1024xf32, #tpu.memory_space<vmem>>, vector<16xf32>,
        %add3A_945 = arith.addf %get3A_942, %get3A_944 : vector<16xf32>
        %swap3A_946 = arith.constant 944 : index
        %swap3A_947 = tpu.vector_load %arg10[%swap3A_946] {strides = array<i32>} : memref<1024xf32, #tpu.memory_space<vmem>>, vector<16xf32>,
        tpu.vector_store %arg10[%swap3A_946], %add3A_945 {strides = array<i32>} : memref<1024xf32, #tpu.memory_space<vmem>>, vector<16xf32>,
        %add3A_948 = arith.constant 960 : i32
        %add3A_949 = arith.addi %mul3A_403, %add3A_948 : i32
        %get3A_950 = arith.index_cast %add3A_949 : i32 to index
        %get3A_951 = tpu.vector_load %arg8[%get3A_950] {strides = array<i32>} : memref<8192xf32, #tpu.memory_space<vmem>>, vector<16xf32>,
        %get3A_952 = arith.constant 960 : index
        %get3A_953 = tpu.vector_load %arg9[%get3A_952] {strides = array<i32>} : memref<1024xf32, #tpu.memory_space<vmem>>, vector<16xf32>,
        %add3A_954 = arith.addf %get3A_951, %get3A_953 : vector<16xf32>
        %swap3A_955 = arith.constant 960 : index
        %swap3A_956 = tpu.vector_load %arg10[%swap3A_955] {strides = array<i32>} : memref<1024xf32, #tpu.memory_space<vmem>>, vector<16xf32>,
        tpu.vector_store %arg10[%swap3A_955], %add3A_954 {strides = array<i32>} : memref<1024xf32, #tpu.memory_space<vmem>>, vector<16xf32>,
        %add3A_957 = arith.constant 976 : i32
        %add3A_958 = arith.addi %mul3A_403, %add3A_957 : i32
        %get3A_959 = arith.index_cast %add3A_958 : i32 to index
        %get3A_960 = tpu.vector_load %arg8[%get3A_959] {strides = array<i32>} : memref<8192xf32, #tpu.memory_space<vmem>>, vector<16xf32>,
        %get3A_961 = arith.constant 976 : index
        %get3A_962 = tpu.vector_load %arg9[%get3A_961] {strides = array<i32>} : memref<1024xf32, #tpu.memory_space<vmem>>, vector<16xf32>,
        %add3A_963 = arith.addf %get3A_960, %get3A_962 : vector<16xf32>
        %swap3A_964 = arith.constant 976 : index
        %swap3A_965 = tpu.vector_load %arg10[%swap3A_964] {strides = array<i32>} : memref<1024xf32, #tpu.memory_space<vmem>>, vector<16xf32>,
        tpu.vector_store %arg10[%swap3A_964], %add3A_963 {strides = array<i32>} : memref<1024xf32, #tpu.memory_space<vmem>>, vector<16xf32>,
        %add3A_966 = arith.constant 992 : i32
        %add3A_967 = arith.addi %mul3A_403, %add3A_966 : i32
        %get3A_968 = arith.index_cast %add3A_967 : i32 to index
        %get3A_969 = tpu.vector_load %arg8[%get3A_968] {strides = array<i32>} : memref<8192xf32, #tpu.memory_space<vmem>>, vector<16xf32>,
        %get3A_970 = arith.constant 992 : index
        %get3A_971 = tpu.vector_load %arg9[%get3A_970] {strides = array<i32>} : memref<1024xf32, #tpu.memory_space<vmem>>, vector<16xf32>,
        %add3A_972 = arith.addf %get3A_969, %get3A_971 : vector<16xf32>
        %swap3A_973 = arith.constant 992 : index
        %swap3A_974 = tpu.vector_load %arg10[%swap3A_973] {strides = array<i32>} : memref<1024xf32, #tpu.memory_space<vmem>>, vector<16xf32>,
        tpu.vector_store %arg10[%swap3A_973], %add3A_972 {strides = array<i32>} : memref<1024xf32, #tpu.memory_space<vmem>>, vector<16xf32>,
        %add3A_975 = arith.constant 1008 : i32
        %add3A_976 = arith.addi %mul3A_403, %add3A_975 : i32
        %get3A_977 = arith.index_cast %add3A_976 : i32 to index
        %get3A_978 = tpu.vector_load %arg8[%get3A_977] {strides = array<i32>} : memref<8192xf32, #tpu.memory_space<vmem>>, vector<16xf32>,
        %get3A_979 = arith.constant 1008 : index
        %get3A_980 = tpu.vector_load %arg9[%get3A_979] {strides = array<i32>} : memref<1024xf32, #tpu.memory_space<vmem>>, vector<16xf32>,
        %add3A_981 = arith.addf %get3A_978, %get3A_980 : vector<16xf32>
        %swap3A_982 = arith.constant 1008 : index
        %swap3A_983 = tpu.vector_load %arg10[%swap3A_982] {strides = array<i32>} : memref<1024xf32, #tpu.memory_space<vmem>>, vector<16xf32>,
        tpu.vector_store %arg10[%swap3A_982], %add3A_981 {strides = array<i32>} : memref<1024xf32, #tpu.memory_space<vmem>>, vector<16xf32>,
        "tpu.region"() ({
          %run_scoped3A = tpu.sem_alloc : memref<!tpu.dma_semaphore, #tpu.memory_space<semaphore_mem>>
          %dma_start3A_984 = tpu.memref_slice %arg14[%add3A_401] : memref<106496xf32, #tpu.memory_space<vmem_shared>> -> memref<1024xf32, #tpu.memory_space<vmem_shared>>
          %dma_start3A_985 = tpu.memref_slice %arg14[%add3A_401] : memref<106496xf32, #tpu.memory_space<vmem_shared>> -> memref<1024xf32, #tpu.memory_space<vmem_shared>>
          tpu.enqueue_dma source(%arg10 : memref<1024xf32, #tpu.memory_space<vmem>>) target(%dma_start3A_985 : memref<1024xf32, #tpu.memory_space<vmem_shared>>) target_semaphore(%run_scoped3A : memref<!tpu.dma_semaphore, #tpu.memory_space<semaphore_mem>>)
          %dma_wait3A_986 = tpu.memref_slice %arg14[%add3A_401] : memref<106496xf32, #tpu.memory_space<vmem_shared>> -> memref<1024xf32, #tpu.memory_space<vmem_shared>>
          %dma_wait3A_987 = tpu.memref_slice %arg14[%add3A_401] : memref<106496xf32, #tpu.memory_space<vmem_shared>> -> memref<1024xf32, #tpu.memory_space<vmem_shared>>
          tpu.wait_dma2 semaphore(%run_scoped3A : memref<!tpu.dma_semaphore, #tpu.memory_space<semaphore_mem>>) src(%arg10 : memref<1024xf32, #tpu.memory_space<vmem>>) dst(%dma_wait3A_987 : memref<1024xf32, #tpu.memory_space<vmem_shared>>)
          tpu.yield
        }) : () -> ()
      } else {
      }
      %barrier3A_396 = arith.constant 0 : index
      tpu.barrier barrier_id(%barrier3A_396)
    }
    %scan3A_263 = arith.constant 8 : i32
    %dma_wait3A_264 = arith.constant 0 : i32
    %dma_wait3A_265 = tpu.memref_slice %arg11[%dma_wait3A_264] : memref<8192xi32, #tpu.memory_space<vmem>> -> memref<2048xi32, #tpu.memory_space<vmem>>
    %dma_wait3A_266 = tpu.memref_slice %arg5[%add3A_132] : memref<262144xi32, #tpu.memory_space<hbm>> -> memref<2048xi32, #tpu.memory_space<hbm>>
    %dma_wait3A_267 = arith.constant 0 : i32
    %dma_wait3A_268 = tpu.memref_slice %arg11[%dma_wait3A_267] : memref<8192xi32, #tpu.memory_space<vmem>> -> memref<2048xi32, #tpu.memory_space<vmem>>
    %dma_wait3A_269 = tpu.memref_slice %arg5[%add3A_132] : memref<262144xi32, #tpu.memory_space<hbm>> -> memref<2048xi32, #tpu.memory_space<hbm>>
    tpu.wait_dma2 semaphore(%arg15 : memref<!tpu.dma_semaphore, #tpu.memory_space<semaphore_mem>>) src(%dma_wait3A_269 : memref<2048xi32, #tpu.memory_space<hbm>>) dst(%dma_wait3A_268 : memref<2048xi32, #tpu.memory_space<vmem>>)
    %dma_start3A_270 = arith.constant 0 : i32
    %dma_start3A_271 = tpu.memref_slice %arg12[%dma_start3A_270] : memref<8192xf32, #tpu.memory_space<vmem>> -> memref<2048xf32, #tpu.memory_space<vmem>>
    %dma_start3A_272 = arith.constant 0 : i32
    %dma_start3A_273 = tpu.memref_slice %arg11[%dma_start3A_272] : memref<8192xi32, #tpu.memory_space<vmem>> -> memref<2048xi32, #tpu.memory_space<vmem>>
    %dma_start3A_274 = arith.constant 0 : i32
    %dma_start3A_275 = tpu.memref_slice %arg14[%dma_start3A_274] : memref<106496xf32, #tpu.memory_space<vmem_shared>> -> memref<106496xf32, #tpu.memory_space<vmem_shared>>
    tpu.enqueue_indirect_dma source(%dma_start3A_275 : memref<106496xf32, #tpu.memory_space<vmem_shared>>) target(%dma_start3A_271 : memref<2048xf32, #tpu.memory_space<vmem>>) offsets(%dma_start3A_273 : memref<2048xi32, #tpu.memory_space<vmem>>) semaphore(%arg16 : memref<!tpu.dma_semaphore, #tpu.memory_space<semaphore_mem>>)
    %dma_wait3A_276 = arith.constant 2048 : i32
    %dma_wait3A_277 = tpu.memref_slice %arg11[%dma_wait3A_276] : memref<8192xi32, #tpu.memory_space<vmem>> -> memref<2048xi32, #tpu.memory_space<vmem>>
    %dma_wait3A_278 = tpu.memref_slice %arg5[%add3A_140] : memref<262144xi32, #tpu.memory_space<hbm>> -> memref<2048xi32, #tpu.memory_space<hbm>>
    %dma_wait3A_279 = arith.constant 2048 : i32
    %dma_wait3A_280 = tpu.memref_slice %arg11[%dma_wait3A_279] : memref<8192xi32, #tpu.memory_space<vmem>> -> memref<2048xi32, #tpu.memory_space<vmem>>
    %dma_wait3A_281 = tpu.memref_slice %arg5[%add3A_140] : memref<262144xi32, #tpu.memory_space<hbm>> -> memref<2048xi32, #tpu.memory_space<hbm>>
    tpu.wait_dma2 semaphore(%arg15 : memref<!tpu.dma_semaphore, #tpu.memory_space<semaphore_mem>>) src(%dma_wait3A_281 : memref<2048xi32, #tpu.memory_space<hbm>>) dst(%dma_wait3A_280 : memref<2048xi32, #tpu.memory_space<vmem>>)
    %dma_start3A_282 = arith.constant 2048 : i32
    %dma_start3A_283 = tpu.memref_slice %arg12[%dma_start3A_282] : memref<8192xf32, #tpu.memory_space<vmem>> -> memref<2048xf32, #tpu.memory_space<vmem>>
    %dma_start3A_284 = arith.constant 2048 : i32
    %dma_start3A_285 = tpu.memref_slice %arg11[%dma_start3A_284] : memref<8192xi32, #tpu.memory_space<vmem>> -> memref<2048xi32, #tpu.memory_space<vmem>>
    %dma_start3A_286 = arith.constant 0 : i32
    %dma_start3A_287 = tpu.memref_slice %arg14[%dma_start3A_286] : memref<106496xf32, #tpu.memory_space<vmem_shared>> -> memref<106496xf32, #tpu.memory_space<vmem_shared>>
    tpu.enqueue_indirect_dma source(%dma_start3A_287 : memref<106496xf32, #tpu.memory_space<vmem_shared>>) target(%dma_start3A_283 : memref<2048xf32, #tpu.memory_space<vmem>>) offsets(%dma_start3A_285 : memref<2048xi32, #tpu.memory_space<vmem>>) semaphore(%arg16 : memref<!tpu.dma_semaphore, #tpu.memory_space<semaphore_mem>>)
    %dma_wait3A_288 = arith.constant 4096 : i32
    %dma_wait3A_289 = tpu.memref_slice %arg11[%dma_wait3A_288] : memref<8192xi32, #tpu.memory_space<vmem>> -> memref<2048xi32, #tpu.memory_space<vmem>>
    %dma_wait3A_290 = tpu.memref_slice %arg5[%add3A_148] : memref<262144xi32, #tpu.memory_space<hbm>> -> memref<2048xi32, #tpu.memory_space<hbm>>
    %dma_wait3A_291 = arith.constant 4096 : i32
    %dma_wait3A_292 = tpu.memref_slice %arg11[%dma_wait3A_291] : memref<8192xi32, #tpu.memory_space<vmem>> -> memref<2048xi32, #tpu.memory_space<vmem>>
    %dma_wait3A_293 = tpu.memref_slice %arg5[%add3A_148] : memref<262144xi32, #tpu.memory_space<hbm>> -> memref<2048xi32, #tpu.memory_space<hbm>>
    tpu.wait_dma2 semaphore(%arg15 : memref<!tpu.dma_semaphore, #tpu.memory_space<semaphore_mem>>) src(%dma_wait3A_293 : memref<2048xi32, #tpu.memory_space<hbm>>) dst(%dma_wait3A_292 : memref<2048xi32, #tpu.memory_space<vmem>>)
    %dma_start3A_294 = arith.constant 4096 : i32
    %dma_start3A_295 = tpu.memref_slice %arg12[%dma_start3A_294] : memref<8192xf32, #tpu.memory_space<vmem>> -> memref<2048xf32, #tpu.memory_space<vmem>>
    %dma_start3A_296 = arith.constant 4096 : i32
    %dma_start3A_297 = tpu.memref_slice %arg11[%dma_start3A_296] : memref<8192xi32, #tpu.memory_space<vmem>> -> memref<2048xi32, #tpu.memory_space<vmem>>
    %dma_start3A_298 = arith.constant 0 : i32
    %dma_start3A_299 = tpu.memref_slice %arg14[%dma_start3A_298] : memref<106496xf32, #tpu.memory_space<vmem_shared>> -> memref<106496xf32, #tpu.memory_space<vmem_shared>>
    tpu.enqueue_indirect_dma source(%dma_start3A_299 : memref<106496xf32, #tpu.memory_space<vmem_shared>>) target(%dma_start3A_295 : memref<2048xf32, #tpu.memory_space<vmem>>) offsets(%dma_start3A_297 : memref<2048xi32, #tpu.memory_space<vmem>>) semaphore(%arg16 : memref<!tpu.dma_semaphore, #tpu.memory_space<semaphore_mem>>)
    %dma_wait3A_300 = arith.constant 6144 : i32
    %dma_wait3A_301 = tpu.memref_slice %arg11[%dma_wait3A_300] : memref<8192xi32, #tpu.memory_space<vmem>> -> memref<2048xi32, #tpu.memory_space<vmem>>
    %dma_wait3A_302 = tpu.memref_slice %arg5[%add3A_156] : memref<262144xi32, #tpu.memory_space<hbm>> -> memref<2048xi32, #tpu.memory_space<hbm>>
    %dma_wait3A_303 = arith.constant 6144 : i32
    %dma_wait3A_304 = tpu.memref_slice %arg11[%dma_wait3A_303] : memref<8192xi32, #tpu.memory_space<vmem>> -> memref<2048xi32, #tpu.memory_space<vmem>>
    %dma_wait3A_305 = tpu.memref_slice %arg5[%add3A_156] : memref<262144xi32, #tpu.memory_space<hbm>> -> memref<2048xi32, #tpu.memory_space<hbm>>
    tpu.wait_dma2 semaphore(%arg15 : memref<!tpu.dma_semaphore, #tpu.memory_space<semaphore_mem>>) src(%dma_wait3A_305 : memref<2048xi32, #tpu.memory_space<hbm>>) dst(%dma_wait3A_304 : memref<2048xi32, #tpu.memory_space<vmem>>)
    %dma_start3A_306 = arith.constant 6144 : i32
    %dma_start3A_307 = tpu.memref_slice %arg12[%dma_start3A_306] : memref<8192xf32, #tpu.memory_space<vmem>> -> memref<2048xf32, #tpu.memory_space<vmem>>
    %dma_start3A_308 = arith.constant 6144 : i32
    %dma_start3A_309 = tpu.memref_slice %arg11[%dma_start3A_308] : memref<8192xi32, #tpu.memory_space<vmem>> -> memref<2048xi32, #tpu.memory_space<vmem>>
    %dma_start3A_310 = arith.constant 0 : i32
    %dma_start3A_311 = tpu.memref_slice %arg14[%dma_start3A_310] : memref<106496xf32, #tpu.memory_space<vmem_shared>> -> memref<106496xf32, #tpu.memory_space<vmem_shared>>
    tpu.enqueue_indirect_dma source(%dma_start3A_311 : memref<106496xf32, #tpu.memory_space<vmem_shared>>) target(%dma_start3A_307 : memref<2048xf32, #tpu.memory_space<vmem>>) offsets(%dma_start3A_309 : memref<2048xi32, #tpu.memory_space<vmem>>) semaphore(%arg16 : memref<!tpu.dma_semaphore, #tpu.memory_space<semaphore_mem>>)
    %dma_wait3A_312 = arith.constant 0 : i32
    %dma_wait3A_313 = tpu.memref_slice %arg12[%dma_wait3A_312] : memref<8192xf32, #tpu.memory_space<vmem>> -> memref<2048xf32, #tpu.memory_space<vmem>>
    %dma_wait3A_314 = arith.constant 0 : i32
    %dma_wait3A_315 = tpu.memref_slice %arg11[%dma_wait3A_314] : memref<8192xi32, #tpu.memory_space<vmem>> -> memref<2048xi32, #tpu.memory_space<vmem>>
    %dma_wait3A_316 = arith.constant 0 : i32
    %dma_wait3A_317 = tpu.memref_slice %arg14[%dma_wait3A_316] : memref<106496xf32, #tpu.memory_space<vmem_shared>> -> memref<106496xf32, #tpu.memory_space<vmem_shared>>
    tpu.wait_indirect_dma semaphore(%arg16 : memref<!tpu.dma_semaphore, #tpu.memory_space<semaphore_mem>>) src(%dma_wait3A_317 : memref<106496xf32, #tpu.memory_space<vmem_shared>>) dst(%dma_wait3A_313 : memref<2048xf32, #tpu.memory_space<vmem>>)
    %add3A_318 = arith.constant 0 : i32
    %add3A_319 = arith.addi %mul3A_130, %add3A_318 : i32
    %dma_start3A_320 = arith.constant 0 : i32
    %dma_start3A_321 = tpu.memref_slice %arg12[%dma_start3A_320] : memref<8192xf32, #tpu.memory_space<vmem>> -> memref<2048xf32, #tpu.memory_space<vmem>>
    %dma_start3A_322 = tpu.memref_slice %arg6[%add3A_319] : memref<262144xf32, #tpu.memory_space<hbm>> -> memref<2048xf32, #tpu.memory_space<hbm>>
    %dma_start3A_323 = tpu.memref_slice %arg6[%add3A_319] : memref<262144xf32, #tpu.memory_space<hbm>> -> memref<2048xf32, #tpu.memory_space<hbm>>
    %dma_start3A_324 = arith.constant 0 : i32
    %dma_start3A_325 = tpu.memref_slice %arg12[%dma_start3A_324] : memref<8192xf32, #tpu.memory_space<vmem>> -> memref<2048xf32, #tpu.memory_space<vmem>>
    tpu.enqueue_dma source(%dma_start3A_325 : memref<2048xf32, #tpu.memory_space<vmem>>) target(%dma_start3A_323 : memref<2048xf32, #tpu.memory_space<hbm>>) target_semaphore(%arg17 : memref<!tpu.dma_semaphore, #tpu.memory_space<semaphore_mem>>)
    %dma_wait3A_326 = arith.constant 2048 : i32
    %dma_wait3A_327 = tpu.memref_slice %arg12[%dma_wait3A_326] : memref<8192xf32, #tpu.memory_space<vmem>> -> memref<2048xf32, #tpu.memory_space<vmem>>
    %dma_wait3A_328 = arith.constant 2048 : i32
    %dma_wait3A_329 = tpu.memref_slice %arg11[%dma_wait3A_328] : memref<8192xi32, #tpu.memory_space<vmem>> -> memref<2048xi32, #tpu.memory_space<vmem>>
    %dma_wait3A_330 = arith.constant 0 : i32
    %dma_wait3A_331 = tpu.memref_slice %arg14[%dma_wait3A_330] : memref<106496xf32, #tpu.memory_space<vmem_shared>> -> memref<106496xf32, #tpu.memory_space<vmem_shared>>
    tpu.wait_indirect_dma semaphore(%arg16 : memref<!tpu.dma_semaphore, #tpu.memory_space<semaphore_mem>>) src(%dma_wait3A_331 : memref<106496xf32, #tpu.memory_space<vmem_shared>>) dst(%dma_wait3A_327 : memref<2048xf32, #tpu.memory_space<vmem>>)
    %add3A_332 = arith.constant 2048 : i32
    %add3A_333 = arith.addi %mul3A_130, %add3A_332 : i32
    %dma_start3A_334 = arith.constant 2048 : i32
    %dma_start3A_335 = tpu.memref_slice %arg12[%dma_start3A_334] : memref<8192xf32, #tpu.memory_space<vmem>> -> memref<2048xf32, #tpu.memory_space<vmem>>
    %dma_start3A_336 = tpu.memref_slice %arg6[%add3A_333] : memref<262144xf32, #tpu.memory_space<hbm>> -> memref<2048xf32, #tpu.memory_space<hbm>>
    %dma_start3A_337 = tpu.memref_slice %arg6[%add3A_333] : memref<262144xf32, #tpu.memory_space<hbm>> -> memref<2048xf32, #tpu.memory_space<hbm>>
    %dma_start3A_338 = arith.constant 2048 : i32
    %dma_start3A_339 = tpu.memref_slice %arg12[%dma_start3A_338] : memref<8192xf32, #tpu.memory_space<vmem>> -> memref<2048xf32, #tpu.memory_space<vmem>>
    tpu.enqueue_dma source(%dma_start3A_339 : memref<2048xf32, #tpu.memory_space<vmem>>) target(%dma_start3A_337 : memref<2048xf32, #tpu.memory_space<hbm>>) target_semaphore(%arg17 : memref<!tpu.dma_semaphore, #tpu.memory_space<semaphore_mem>>)
    %dma_wait3A_340 = arith.constant 4096 : i32
    %dma_wait3A_341 = tpu.memref_slice %arg12[%dma_wait3A_340] : memref<8192xf32, #tpu.memory_space<vmem>> -> memref<2048xf32, #tpu.memory_space<vmem>>
    %dma_wait3A_342 = arith.constant 4096 : i32
    %dma_wait3A_343 = tpu.memref_slice %arg11[%dma_wait3A_342] : memref<8192xi32, #tpu.memory_space<vmem>> -> memref<2048xi32, #tpu.memory_space<vmem>>
    %dma_wait3A_344 = arith.constant 0 : i32
    %dma_wait3A_345 = tpu.memref_slice %arg14[%dma_wait3A_344] : memref<106496xf32, #tpu.memory_space<vmem_shared>> -> memref<106496xf32, #tpu.memory_space<vmem_shared>>
    tpu.wait_indirect_dma semaphore(%arg16 : memref<!tpu.dma_semaphore, #tpu.memory_space<semaphore_mem>>) src(%dma_wait3A_345 : memref<106496xf32, #tpu.memory_space<vmem_shared>>) dst(%dma_wait3A_341 : memref<2048xf32, #tpu.memory_space<vmem>>)
    %add3A_346 = arith.constant 4096 : i32
    %add3A_347 = arith.addi %mul3A_130, %add3A_346 : i32
    %dma_start3A_348 = arith.constant 4096 : i32
    %dma_start3A_349 = tpu.memref_slice %arg12[%dma_start3A_348] : memref<8192xf32, #tpu.memory_space<vmem>> -> memref<2048xf32, #tpu.memory_space<vmem>>
    %dma_start3A_350 = tpu.memref_slice %arg6[%add3A_347] : memref<262144xf32, #tpu.memory_space<hbm>> -> memref<2048xf32, #tpu.memory_space<hbm>>
    %dma_start3A_351 = tpu.memref_slice %arg6[%add3A_347] : memref<262144xf32, #tpu.memory_space<hbm>> -> memref<2048xf32, #tpu.memory_space<hbm>>
    %dma_start3A_352 = arith.constant 4096 : i32
    %dma_start3A_353 = tpu.memref_slice %arg12[%dma_start3A_352] : memref<8192xf32, #tpu.memory_space<vmem>> -> memref<2048xf32, #tpu.memory_space<vmem>>
    tpu.enqueue_dma source(%dma_start3A_353 : memref<2048xf32, #tpu.memory_space<vmem>>) target(%dma_start3A_351 : memref<2048xf32, #tpu.memory_space<hbm>>) target_semaphore(%arg17 : memref<!tpu.dma_semaphore, #tpu.memory_space<semaphore_mem>>)
    %dma_wait3A_354 = arith.constant 6144 : i32
    %dma_wait3A_355 = tpu.memref_slice %arg12[%dma_wait3A_354] : memref<8192xf32, #tpu.memory_space<vmem>> -> memref<2048xf32, #tpu.memory_space<vmem>>
    %dma_wait3A_356 = arith.constant 6144 : i32
    %dma_wait3A_357 = tpu.memref_slice %arg11[%dma_wait3A_356] : memref<8192xi32, #tpu.memory_space<vmem>> -> memref<2048xi32, #tpu.memory_space<vmem>>
    %dma_wait3A_358 = arith.constant 0 : i32
    %dma_wait3A_359 = tpu.memref_slice %arg14[%dma_wait3A_358] : memref<106496xf32, #tpu.memory_space<vmem_shared>> -> memref<106496xf32, #tpu.memory_space<vmem_shared>>
    tpu.wait_indirect_dma semaphore(%arg16 : memref<!tpu.dma_semaphore, #tpu.memory_space<semaphore_mem>>) src(%dma_wait3A_359 : memref<106496xf32, #tpu.memory_space<vmem_shared>>) dst(%dma_wait3A_355 : memref<2048xf32, #tpu.memory_space<vmem>>)
    %add3A_360 = arith.constant 6144 : i32
    %add3A_361 = arith.addi %mul3A_130, %add3A_360 : i32
    %dma_start3A_362 = arith.constant 6144 : i32
    %dma_start3A_363 = tpu.memref_slice %arg12[%dma_start3A_362] : memref<8192xf32, #tpu.memory_space<vmem>> -> memref<2048xf32, #tpu.memory_space<vmem>>
    %dma_start3A_364 = tpu.memref_slice %arg6[%add3A_361] : memref<262144xf32, #tpu.memory_space<hbm>> -> memref<2048xf32, #tpu.memory_space<hbm>>
    %dma_start3A_365 = tpu.memref_slice %arg6[%add3A_361] : memref<262144xf32, #tpu.memory_space<hbm>> -> memref<2048xf32, #tpu.memory_space<hbm>>
    %dma_start3A_366 = arith.constant 6144 : i32
    %dma_start3A_367 = tpu.memref_slice %arg12[%dma_start3A_366] : memref<8192xf32, #tpu.memory_space<vmem>> -> memref<2048xf32, #tpu.memory_space<vmem>>
    tpu.enqueue_dma source(%dma_start3A_367 : memref<2048xf32, #tpu.memory_space<vmem>>) target(%dma_start3A_365 : memref<2048xf32, #tpu.memory_space<hbm>>) target_semaphore(%arg17 : memref<!tpu.dma_semaphore, #tpu.memory_space<semaphore_mem>>)
    %dma_wait3A_368 = arith.constant 0 : i32
    %dma_wait3A_369 = tpu.memref_slice %arg12[%dma_wait3A_368] : memref<8192xf32, #tpu.memory_space<vmem>> -> memref<2048xf32, #tpu.memory_space<vmem>>
    %dma_wait3A_370 = tpu.memref_slice %arg6[%add3A_319] : memref<262144xf32, #tpu.memory_space<hbm>> -> memref<2048xf32, #tpu.memory_space<hbm>>
    %dma_wait3A_371 = tpu.memref_slice %arg6[%add3A_319] : memref<262144xf32, #tpu.memory_space<hbm>> -> memref<2048xf32, #tpu.memory_space<hbm>>
    %dma_wait3A_372 = arith.constant 0 : i32
    %dma_wait3A_373 = tpu.memref_slice %arg12[%dma_wait3A_372] : memref<8192xf32, #tpu.memory_space<vmem>> -> memref<2048xf32, #tpu.memory_space<vmem>>
    tpu.wait_dma2 semaphore(%arg17 : memref<!tpu.dma_semaphore, #tpu.memory_space<semaphore_mem>>) src(%dma_wait3A_373 : memref<2048xf32, #tpu.memory_space<vmem>>) dst(%dma_wait3A_371 : memref<2048xf32, #tpu.memory_space<hbm>>)
    %dma_wait3A_374 = arith.constant 2048 : i32
    %dma_wait3A_375 = tpu.memref_slice %arg12[%dma_wait3A_374] : memref<8192xf32, #tpu.memory_space<vmem>> -> memref<2048xf32, #tpu.memory_space<vmem>>
    %dma_wait3A_376 = tpu.memref_slice %arg6[%add3A_333] : memref<262144xf32, #tpu.memory_space<hbm>> -> memref<2048xf32, #tpu.memory_space<hbm>>
    %dma_wait3A_377 = tpu.memref_slice %arg6[%add3A_333] : memref<262144xf32, #tpu.memory_space<hbm>> -> memref<2048xf32, #tpu.memory_space<hbm>>
    %dma_wait3A_378 = arith.constant 2048 : i32
    %dma_wait3A_379 = tpu.memref_slice %arg12[%dma_wait3A_378] : memref<8192xf32, #tpu.memory_space<vmem>> -> memref<2048xf32, #tpu.memory_space<vmem>>
    tpu.wait_dma2 semaphore(%arg17 : memref<!tpu.dma_semaphore, #tpu.memory_space<semaphore_mem>>) src(%dma_wait3A_379 : memref<2048xf32, #tpu.memory_space<vmem>>) dst(%dma_wait3A_377 : memref<2048xf32, #tpu.memory_space<hbm>>)
    %dma_wait3A_380 = arith.constant 4096 : i32
    %dma_wait3A_381 = tpu.memref_slice %arg12[%dma_wait3A_380] : memref<8192xf32, #tpu.memory_space<vmem>> -> memref<2048xf32, #tpu.memory_space<vmem>>
    %dma_wait3A_382 = tpu.memref_slice %arg6[%add3A_347] : memref<262144xf32, #tpu.memory_space<hbm>> -> memref<2048xf32, #tpu.memory_space<hbm>>
    %dma_wait3A_383 = tpu.memref_slice %arg6[%add3A_347] : memref<262144xf32, #tpu.memory_space<hbm>> -> memref<2048xf32, #tpu.memory_space<hbm>>
    %dma_wait3A_384 = arith.constant 4096 : i32
    %dma_wait3A_385 = tpu.memref_slice %arg12[%dma_wait3A_384] : memref<8192xf32, #tpu.memory_space<vmem>> -> memref<2048xf32, #tpu.memory_space<vmem>>
    tpu.wait_dma2 semaphore(%arg17 : memref<!tpu.dma_semaphore, #tpu.memory_space<semaphore_mem>>) src(%dma_wait3A_385 : memref<2048xf32, #tpu.memory_space<vmem>>) dst(%dma_wait3A_383 : memref<2048xf32, #tpu.memory_space<hbm>>)
    %dma_wait3A_386 = arith.constant 6144 : i32
    %dma_wait3A_387 = tpu.memref_slice %arg12[%dma_wait3A_386] : memref<8192xf32, #tpu.memory_space<vmem>> -> memref<2048xf32, #tpu.memory_space<vmem>>
    %dma_wait3A_388 = tpu.memref_slice %arg6[%add3A_361] : memref<262144xf32, #tpu.memory_space<hbm>> -> memref<2048xf32, #tpu.memory_space<hbm>>
    %dma_wait3A_389 = tpu.memref_slice %arg6[%add3A_361] : memref<262144xf32, #tpu.memory_space<hbm>> -> memref<2048xf32, #tpu.memory_space<hbm>>
    %dma_wait3A_390 = arith.constant 6144 : i32
    %dma_wait3A_391 = tpu.memref_slice %arg12[%dma_wait3A_390] : memref<8192xf32, #tpu.memory_space<vmem>> -> memref<2048xf32, #tpu.memory_space<vmem>>
    tpu.wait_dma2 semaphore(%arg17 : memref<!tpu.dma_semaphore, #tpu.memory_space<semaphore_mem>>) src(%dma_wait3A_391 : memref<2048xf32, #tpu.memory_space<vmem>>) dst(%dma_wait3A_389 : memref<2048xf32, #tpu.memory_space<hbm>>)
    return
  }
}

</mosaic_0001>

<sc_bundles>
// kernel: kernel.4.cloned.1.call-start
scs
__scs_entry_jumppad:
0x0: {  	(pc) =	sbr.rel $0x88, $3  }
0x1: {  	(tag) =	ssettag $0x0;
	lr =	simm.s32 $0x1  }
0x2: {  	[smem:$0x3F9C] =	sst lr;
	_ =	strace $0xD0000000  }
0x3: {  	_ = 	snop  }
0x4: {  	_ = 	snop  }
0x5: {  	_ = 	snop  }
0x6: {  	_ = 	snop  }
0x7: {  	_ = 	snop  }
__scs_overlays_trampoline_lowered:
0x8: {  	[smem:$0x3FAB] =	sst s0  }
0x9: {  	[smem:$0x3FAC] =	sst s1  }
0xa: {  	[smem:$0x3FAD] =	sst s2  }
0xb: {  	[smem:$0x3FAE] =	sst s3  }
0xc: {  	[smem:$0x3FAF] =	sst s4  }
0xd: {  	[smem:$0x3FB0] =	sst s5  }
0xe: {  	[smem:$0x3FB1] =	sst s6  }
0xf: {  	[smem:$0x3FB2] =	sst s7  }
0x10: {  	[smem:$0x3FB3] =	sst s8  }
0x11: {  	[smem:$0x3FB4] =	sst s9;
	s0 =	simm.s32 @!p0 $0x0  }
0x12: {  	s1 =	sld [smem:$0x3F9A];
	s0 =	simm.s32 @p0 $0x1  }
0x13: {  	[smem:$0x3FB5] =	sst s0;
	s0 =	simm.s32 @!p1 $0x0  }
0x14: {  	s2 =	sld [smem:$0x3F99];
	s0 =	simm.s32 @p1 $0x1  }
0x15: {  	[smem:$0x3FB6] =	sst s0;
	s0 =	simm.s32 @!p2 $0x0  }
0x16: {  	s3 =	sld [smem:$0x3FDB];
	s0 =	simm.s32 @p2 $0x1  }
0x17: {  	s4 =	simm.s32 $0x1BF5;
	[smem:$0x3FB8] =	sst s0  }
0x18: {  	s0 =	sld [smem:$0x3F9B];
	_ =	swait.ge [sflag:s4], $0x0  }
0x19: {  	s7 =	sld [smem:$0x3F9C]  }
0x1a: {  	s8 =	sadd.s32 $0xFFFFE003, lr  }
0x1b: {  	s9 =	sadd.s32 $0xFFFFFEF7, lr;
	s5 =	simm.s32 $0xFFFFFFFF;
	p2 =	slt.u32 s8, $0xFFFFF086  }
0x1c: {  	p1 =	slt.u32 s9, $0xF7A;
	s5 =	simm.s32 @!p2 $0x0  }
0x1d: {  	s5 =	simm.s32 @p1 $0x1;
	p0 =	seq.s32 s7, s2  }
0x1e: {  	s7 =	smul.u32 @!p0 $0xF7A, s2;
	p2 =	seq.s32 @!p0 s5, $0x0  }
0x1f: {  	s9 =	smul.u32 $0xF7A, s1;
	s8 =	simm.s32 @!p0 $0x1BF5;
	p2 =	por !p2, p0  }
0x20: {  	[sflag:s8] =	ssyncset.s32 @!p0 $0xFFFFF086;
	s6 =	sadd.s32 @!p0 s3, s7;
	s7 =	simm.s32 @!p0 $0x108  }
0x21: {  	s3 =	sadd.s32 s3, s9;
	s6 =	sadd.s32 @!p0 $0x88, s6;
	s7 =	simm.s32 @p2 $0x1082  }
0x22: {  	[simem:s7], [sflag:s8] =	dma.local @!p0 [hbm:s6], $0xF7A  }
0x23: {  	s9 =	sor.u32 $0xD0000000, s2;
	s6 =	simm.s32 $0x108;
	_ =	swait.ge @!p0 [sflag:s8], $0x0  }
0x24: {  	s3 =	sadd.s32 $0x88, s3;
	s6 =	simm.s32 @!p1 $0x1082;
	[sflag:s4] =	ssyncset.s32 $0xFFFFF086  }
0x25: {  	[simem:s6], [sflag:s4] =	dma.local [hbm:s3], $0xF7A  }
0x26: {  	[smem:$0x3F9C] =	sst s1;
	(tag) =	ssettag s2;
	_ =	strace s9  }
0x27: {  	s1 =	sld [smem:$0x3FAC]  }
0x28: {  	s2 =	sld [smem:$0x3FAD]  }
0x29: {  	s4 =	sld [smem:$0x3FAF]  }
0x2a: {  	p0 =	seq.s32 s5, $0x0;
	s5 =	sld [smem:$0x3FB0]  }
0x2b: {  	s6 =	sld [smem:$0x3FB1]  }
0x2c: {  	s7 =	sld [smem:$0x3FB2]  }
0x2d: {  	s3 =	simm.s32 $0x108;
	s8 =	sld [smem:$0x3FB3]  }
0x2e: {  	s3 =	simm.s32 @!p0 $0x1082;
	s9 =	sld [smem:$0x3FB4]  }
0x2f: {  	lr =	sadd.s32 s0, s3;
	s0 =	sld [smem:$0x3FAB]  }
0x30: {  	s3 =	sld [smem:$0x3FAE]  }
0x31: {  	[smem:$0x3FB7] =	sst s10  }
0x32: {  	s10 =	sld [smem:$0x3FB5];
	_ =	sdelay $0x3  }
0x33: {  	p0 =	seq.s32 s10, $0x1;
	s10 =	sld [smem:$0x3FB7];
	_ =	sdelay $0x3  }
0x34: {  	[smem:$0x3FB7] =	sst s10  }
0x35: {  	s10 =	sld [smem:$0x3FB6];
	_ =	sdelay $0x3  }
0x36: {  	p1 =	seq.s32 s10, $0x1;
	s10 =	sld [smem:$0x3FB7];
	_ =	sdelay $0x3  }
0x37: {  	[smem:$0x3FB7] =	sst s10  }
0x38: {  	s10 =	sld [smem:$0x3FB8]  }
0x39: {  	_ = 	snop;
	(pc) =	sbr.ind lr, $3  }
0x3a: {  	_ = 	snop  }
0x3b: {  	_ = 	snop  }
0x3c: {  	p2 =	seq.s32 s10, $0x1;
	s10 =	sld [smem:$0x3FB7]  }
0x3d: {  	_ =	shalt  }
0x3e: {  	_ =	shalt  }
0x3f: {  	_ =	shalt  }
0x40: {  	_ =	shalt  }
0x41: {  	_ =	shalt  }
0x42: {  	_ =	shalt  }
0x43: {  	_ =	shalt  }
0x44: {  	_ =	shalt  }
0x45: {  	_ =	shalt  }
0x46: {  	_ =	shalt  }
0x47: {  	_ =	shalt  }
0x48: {  	_ =	shalt  }
0x49: {  	_ =	shalt  }
0x4a: {  	_ =	shalt  }
0x4b: {  	_ =	shalt  }
0x4c: {  	_ =	shalt  }
0x4d: {  	_ =	shalt  }
0x4e: {  	_ =	shalt  }
0x4f: {  	_ =	shalt  }
0x50: {  	_ =	shalt  }
0x51: {  	_ =	shalt  }
0x52: {  	_ =	shalt  }
0x53: {  	_ =	shalt  }
0x54: {  	_ =	shalt  }
0x55: {  	_ =	shalt  }
0x56: {  	_ =	shalt  }
0x57: {  	_ =	shalt  }
0x58: {  	_ =	shalt  }
0x59: {  	_ =	shalt  }
0x5a: {  	_ =	shalt  }
0x5b: {  	_ =	shalt  }
0x5c: {  	_ =	shalt  }
0x5d: {  	_ =	shalt  }
0x5e: {  	_ =	shalt  }
0x5f: {  	_ =	shalt  }
0x60: {  	_ =	shalt  }
0x61: {  	_ =	shalt  }
0x62: {  	_ =	shalt  }
0x63: {  	_ =	shalt  }
0x64: {  	_ =	shalt  }
0x65: {  	_ =	shalt  }
0x66: {  	_ =	shalt  }
0x67: {  	_ =	shalt  }
0x68: {  	_ =	shalt  }
0x69: {  	_ =	shalt  }
0x6a: {  	_ =	shalt  }
0x6b: {  	_ =	shalt  }
0x6c: {  	_ =	shalt  }
0x6d: {  	_ =	shalt  }
0x6e: {  	_ =	shalt  }
0x6f: {  	_ =	shalt  }
0x70: {  	_ =	shalt  }
0x71: {  	_ =	shalt  }
0x72: {  	_ =	shalt  }
0x73: {  	_ =	shalt  }
0x74: {  	_ =	shalt  }
0x75: {  	_ =	shalt  }
0x76: {  	_ =	shalt  }
0x77: {  	_ =	shalt  }
0x78: {  	_ =	shalt  }
0x79: {  	_ =	shalt  }
0x7a: {  	_ =	shalt  }
0x7b: {  	_ =	shalt  }
0x7c: {  	_ =	shalt  }
0x7d: {  	_ =	shalt  }
0x7e: {  	_ =	shalt  }
0x7f: {  	_ =	shalt  }
0x80: {  	_ =	shalt  }
0x81: {  	_ =	shalt  }
0x82: {  	_ =	shalt  }
0x83: {  	_ =	shalt  }
0x84: {  	_ =	shalt  }
0x85: {  	_ =	shalt  }
0x86: {  	_ =	shalt  }
0x87: {  	_ =	shalt  }
.Lfunc_end0:
.L_simem_size_0:
called_computation_lowered:
.L_overlay_start_0:
0x88: {  	s2 =	sld [smem:$0x3FD9]  }
0x89: {  	s3 =	sld [smem:$0x3FFE];
	_ =	sdelay $0x1  }
0x8a: {  	s1 =	srdreg.scid  }
0x8b: {  	s0 =	sand.u32 $0x1, s1  }
0x8c: {  	s17 =	sshll.u32 s0, $0xA;
	s2 =	sadd.s32 s3, s2  }
0x8d: {  	s2 =	sadd.s32 s2, s17  }
0x8e: {  	[smem:$0x3FC3] =	sst s2  }
0x8f: {  	_ = 	snop  }
0x90: {  	s2 =	sld [smem:$0x3FD0];
	(tm) =	ssettm $0x1  }
0x91: {  	s18 =	sld [smem:$0x3FFB];
	_ =	sdelay $0x3  }
0x92: {  	_ =	strace s18  }
0x93: {  	s3 =	sld [smem:$0x3FFC];
	_ =	sdelay $0x3  }
0x94: {  	_ =	strace s3  }
0x95: {  	s3 =	sld [smem:$0x3FFD];
	_ =	sdelay $0x3  }
0x96: {  	_ =	strace s3  }
0x97: {  	_ =	strace $0x8FFFFFFF  }
0x98: {  	s19 =	sld [smem:$0x3FDB];
	_ =	sdelay $0x1  }
0x99: {  	s4 =	simm.s32 $_scs_section_size  }
0x9a: {  	s5 =	simm.s32 $_size__tile_overlayer_lowered;
	s6 =	simm.s32 $_tile_overlayer_lowered  }
0x9b: {  	s22 =	simm.s32 $0x1BFF;
	s21 =	sshll.u32 s6, $0x1;
	s3 =	sadd.s32 s4, s19  }
0x9c: {  	s7 =	simm.s32 $0x0;
	s20 =	sshll.u32 s5, $0x1;
	s5 =	sadd.s32 s21, s3  }
0x9d: {  	[timem:s7], [sflag:s22] =	dma.local [hbm:s5], s20  }
0x9e: {  	_ =	swait.ge [sflag:s22], s20  }
0x9f: {  	s4 =	ssub.s32 $0x0, s20;
	[sflag:s22] =	ssyncset.done $0x0  }
0xa0: {  	[sflag:s22] =	ssyncadd.s32 s4;
	_ =	sdelay $0x1  }
0xa1: {  	s23 =	simm.s32 $0x1B8B  }
0xa2: {  	_ =	swait.ge [sflag:s23], $0x1  }
0xa3: {  	[sflag:s23] =	ssyncset.done $0x0  }
0xa4: {  	s25 =	simm.s32 $0x1B8E;
	s24 =	sld [smem:$0x3FFE];
	[sflag:s23] =	ssyncadd.s32 $0xFFFFFFFF  }
0xa5: {  	s26 =	simm.s32 $execute0_lowered;
	[smem:$0x3FD2] =	sst s25  }
0xa6: {  	s5 =	sshll.u32 s26, $0x1;
	_ =	strace $0x80000046;
	[dreg:$0x1] =	wrdreg $0xFFFFFFFF  }
0xa7: {  	s28 =	simm.s32 $_size_execute0_lowered;
	s3 =	sadd.s32 s3, s5;
	[dreg:$0x0] =	wrdreg $0x0  }
0xa8: {  	s5 =	sshll.u32 s28, $0x1;
	[dreg:$0x2] =	wrdreg s3  }
0xa9: {  	[dreg:$0x3] =	wrdreg s5  }
0xaa: {  	[dreg:$0x4] =	wrdreg $0xC0  }
0xab: {  	_ =	task [dreg:s7], $0x5FFFF  }
0xac: {  	[dreg:$0x1] =	wrdreg $0xFFFFFFFF  }
0xad: {  	[dreg:$0x0] =	wrdreg $0x60  }
0xae: {  	[dreg:$0x2] =	wrdreg s2  }
0xaf: {  	[dreg:$0x3] =	wrdreg s24  }
0xb0: {  	[dreg:$0x4] =	wrdreg $0x8F800  }
0xb1: {  	[dreg:$0x5] =	wrdreg $0xA9800  }
0xb2: {  	[dreg:$0x6] =	wrdreg $0xB6800  }
0xb3: {  	[dreg:$0x7] =	wrdreg $0x9  }
0xb4: {  	_ =	task.clear_ibuf [dreg:s7], $0x8FFFF;
	_ =	strace $0x90000046  }
0xb5: {  	s29 =	simm.s32 $0x9;
	_ =	strace $0x80000048  }
0xb6: {  	_ =	swait.ge [sflag:s29], $0x1  }
0xb7: {  	[sflag:s29] =	ssyncadd.s32 $0xFFFFFFFF  }
0xb8: {  	_ =	strace $0x90000048  }
0xb9: {  	_ =	sfence  }
0xba: {  	s30 =	sld [smem:$0x0];
	_ =	sdelay $0x2  }
0xbb: {  	s31 =	sshll.u32 s1, $0xD;
	s1 =	sshrl.u32 s1, $0x2  }
0xbc: {  	s3 =	sand.u32 $0x4000, s31;
	s1 =	sadd.s32 s1, s30  }
0xbd: {  	s0 =	sor.u32 s3, s0;
	s1 =	sshll.u32 s1, $0x11  }
0xbe: {  	s0 =	sor.u32 s1, s0  }
0xbf: {  	s0 =	sadd.s32 $0x8F2B, s0  }
0xc0: {  	[sflag:s0] =	ssyncadd.remote.s32 $0x1  }
0xc1: {  	_ =	sfence.sel $0xFFFF  }
0xc2: {  	[dreg:$0x0] =	wrdreg $0xFFFFFFFF;
	(pc) =	sbr.abs _section_cstart, $3  }
0xc3: {  	[dreg:$0x1] =	wrdreg $0xFFFFFFFF  }
0xc4: {  	_ =	task.clear_ibuf [dreg:s7], $0x2FFFF;
	_ =	strace $0x9FFFFFFF  }
0xc5: {  	(tm) =	ssettm $0x7FFFFFFF  }
tec
execute0_lowered:
.L_overlay_start_1:
0x0: {  	(tag) =	ssettag $0x1  }
0x1: {  	s1 =	rddreg [dreg:$0x0]  }
0x2: {  	s5 =	rddreg [dreg:$0x1]  }
0x3: {  	s0 =	rddreg [dreg:$0x2]  }
0x4: {  	s13 =	rddreg [dreg:$0x3]  }
0x5: {  	s2 =	srdreg.scid;
	s14 =	rddreg [dreg:$0x4]  }
0x6: {  	s18 =	stileid.u32;
	s24 =	simm.s32 $0x5B80;
	s25 =	simm.s32 $0x7580  }
0x7: {  	s28 =	simm.s32 $0x4E80;
	s29 =	simm.s32 $0x0;
	s10 =	sand.u32 $0x1, s2  }
0x8: {  	s2 =	simm.s32 $0x0;
	s4 =	sadd.s32 $0x1200, s5;
	s11 =	smul.u32 $0xD00, s18  }
0x9: {  	p0 =	seq.s32 s18, $0x0;
	s12 =	sshrl.u32 s18, $0x2;
	s22 =	sand.u32 $0x1, s18  }
0xa: {  	s23 =	sand.u32 $0x2, s18;
	s3 =	sshll.u32 s10, $0x4;
	[smem:$0x7FF] =	sst s2  }
0xb: {  	s6 =	ssub.s32 $0x2, s10;
	s19 =	smul.u32 $0xD000, s10;
	p1 =	seq.s32 s22, $0x0  }
0xc: {  	p2 =	seq.s32 s23, $0x0;
	s23 =	simm.s32 $0x3400;
	s3 =	sor.u32 s18, s3  }
0xd: {  	_ =	strace $0x80000047;
	s31 =	sshrl.u32 s6, $0x1;
	s20 =	smul.u32 $0xD00, s3  }
0xe: {  	s8 =	sadd.s32 s11, s13;
	s9 =	sadd.s32 s11, s14;
	s15 =	sadd.s32 $0xFFFFF300, s11  }
0xf: {  	s3 =	sadd.s32 $0x7A00, s5;
	s17 =	ssub.s32 s6, s31;
	s7 =	sshrl.u32 s20, $0x3  }
0x10: {  	s10 =	sadd.s32 s15, s13;
	s11 =	sadd.s32 s15, s14;
	s16 =	sadd.s32 s7, s5  }
0x11: {  	s6 =	sadd.s32 s4, s7;
	s7 =	sadd.s32 s1, s7;
	s1 =	simm.s32 $0x1  }
0x12: {  	s26 =	sadd.s32 s19, s15;
	s17 =	smax.u32 s17, $0x1;
	s1 =	simm.s32 @!p0 $0x0  }
.Ltmp0:
0x13: {  	v2 =	vmov s26;
	s26 =	simm.s32 $0x4180;
	s1 =	ssub.s32 s12, s1;
	(pc) =	sbr.rel .LBB2_1-.Ltmp0, $4  }
0x14: {  	s21 =	smax.u32 s20, $0x1;
	s5 =	sadd.s32 $0x4600, s16;
	s1 =	smul.u32 $0x3400, s1  }
0x15: {  	s15 =	sadd.s32 $0x7C00, s16;
	s16 =	sadd.s32 $0xB000, s16;
	p0 =	sne.s32 s18, $0x0  }
0x16: {  	s13 =	sadd.s32 s1, s13;
	s14 =	sadd.s32 s1, s14;
	s1 =	sadd.s32 s19, s1  }
0x17: {  	v1 =	vmov s20;
	v0 =	vmov s21;
	s18 =	simm.s32 $0x2700;
	s12 =	simm.s32 $0x1;
	s19 =	simm.s32 $0x2;
	v3 =	vmov s1  }
.LBB2_14:
0x18: {  	v5 =	vld [tilespmem:s21+$0x2700];
	_ =	sdelay $0x4  }
0x19: {  	vm0 =	vlt.s32 v5, v3;
	v6 =	vsub.s32 v5, v3  }
0x1a: {  	v6 =	vsel vm0, $0x0, v6;
	_ =	sdelay $0x2  }
0x1b: {  	[tilespmem:s1+$0x3400] =	vst v4  }
0x1c: {  	v7 =	vld [tilespmem:s21+$0x3400]  }
0x1d: {  	v4 =	vld.idx.msk [tilespmem:v6+s25+$0x0], $0xffff  }
0x1e: {  	v6 =	vld.idx.msk [tilespmem:v6+s24+$0x0], $0xffff;
	_ =	sdelay $0x3  }
0x1f: {  	v4 =	vsel vm0, $0x0, v4  }
0x20: {  	v5 =	vsel vm0, v5, v6;
	v4 =	vadd.f32 v4, v7  }
0x21: {  	[tilespmem:s21+$0x2700] =	vst v5  }
0x22: {  	[tilespmem:s21+$0x3400] =	vst v4  }
.LBB2_15:
0x23: {  	[hbm4b:s15+s2] =	stream.linear.scatter [tilespmem:s18], [sflag:$0x2], $0xD00, $0x38;
	[tilespmem:$0xC380] =	vst v63  }
0x24: {  	s29 =	sadd.s32 $0x1, s29;
	_ =	swait.ge [sflag:s19], $0xD00  }
0x25: {  	p3 =	sne.s32 s29, s17;
	[sflag:s19] =	ssyncset.done $0x0  }
.Ltmp1:
0x26: {  	[sflag:s19] =	ssyncadd.s32 $0xFFFFF300;
	(pc) =	sbr.rel @!p3 .LBB2_16-.Ltmp1, $4  }
0x27: {  	[hbm4b:s16+s2] =	stream.linear.scatter [tilespmem:s23], [sflag:$0x2], $0xD00, $0x38;
	[tilespmem:$0xC380] =	vst v63  }
0x28: {  	_ =	swait.ge [sflag:s19], $0xD00  }
0x29: {  	[sflag:s19] =	ssyncset.done $0x0  }
0x2a: {  	[sflag:s19] =	ssyncadd.s32 $0xFFFFF300  }
.LBB2_1:
0x2b: {  	s1 =	sshrl.u32 @!p0 s0, $0x3;
	s20 =	simm.s32 @!p0 $0x1C02  }
0x2c: {  	[spmem:s1], [sflag:s20] =	dma.local @!p0 [hbm:s4], $0x3400  }
0x2d: {  	s1 =	simm.s32 @!p0 $0x2  }
0x2e: {  	_ =	swait.ge @!p0 [sflag:s1], $0x3400  }
0x2f: {  	[sflag:s1] =	ssyncset.done @!p0 $0x0  }
0x30: {  	[sflag:s1] =	ssyncadd.s32 @!p0 $0xFFFFCC00  }
0x31: {  	[tilespmem:s18], [sflag:$0x2] =	stream.linear.gather [hbm4b:s5+s2], $0xD00, $0x38;
	[tilespmem:$0xC380] =	vst v63  }
0x32: {  	_ =	swait.ge [sflag:s19], $0xD00  }
0x33: {  	[sflag:s19] =	ssyncset.done $0x0  }
0x34: {  	[sflag:s19] =	ssyncadd.s32 $0xFFFFF300  }
0x35: {  	[tilespmem:s2], [sflag:$0x2] =	stream.linear.gather [hbm4b:s6+s2], $0xD00, $0x38;
	[tilespmem:$0xC380] =	vst v63  }
0x36: {  	_ =	swait.ge [sflag:s19], $0xD00  }
0x37: {  	[sflag:s19] =	ssyncset.done $0x0  }
0x38: {  	s21 =	simm.s32 $0x1A00;
	[sflag:s19] =	ssyncadd.s32 $0xFFFFF300  }
0x39: {  	[tilespmem:s21], [sflag:$0x2] =	stream.linear.gather [hbm4b:s7+s2], $0xD00, $0x38;
	[tilespmem:$0xC380] =	vst v63  }
0x3a: {  	_ =	swait.ge [sflag:s19], $0xD00  }
0x3b: {  	[sflag:s19] =	ssyncset.done $0x0  }
0x3c: {  	s22 =	simm.s32 $0x4100;
	[sflag:s19] =	ssyncadd.s32 $0xFFFFF300  }
0x3d: {  	[tilespmem:s22], [sflag:$0x2] =	stream.linear.gather [hbm4b:s3+s2], $0x80, $0x38;
	[tilespmem:$0xC380] =	vst v63  }
0x3e: {  	_ =	swait.ge [sflag:s19], $0x80  }
0x3f: {  	[sflag:s19] =	ssyncset.done $0x0  }
0x40: {  	[sflag:s19] =	ssyncadd.s32 $0xFFFFFF80  }
0x41: {  	s20 =	simm.s32 $0xD00;
	[bflag:$0x0] =	sbarrier.arrive $0xFFFF  }
0x42: {  	[tilespmem:s20], [sflag:$0x1] =	stream.indirect.gather [spmem:s0], $0x1, s18, s20, $0xb8;
	[tilespmem:$0xC380] =	vst v63  }
0x43: {  	_ =	swait.ge [sflag:s12], $0xD00  }
0x44: {  	[sflag:s12] =	ssyncset.done $0x0  }
0x45: {  	[sflag:s12] =	ssyncadd.s32 $0xFFFFF300  }
0x46: {  	s21 =	simm.s32 $0x1A20;
	v4 =	vld [tilespmem:$0x4100]  }
0x47: {  	v5 =	vld [tilespmem:s21+$0x10];
	_ =	sdelay $0x3  }
0x48: {  	v6 =	vld [tilespmem:s21+$0xFFFFFFE0]  }
0x49: {  	v5 =	vsub.f32 v5, v4  }
0x4a: {  	v7 =	vld [tilespmem:s21+$0xFFFFFFF0]  }
0x4b: {  	v8 =	vld [tilespmem:s21+$0x0];
	v5 =	vmul.f32 $1.000000000e+03, v5;
	_ =	sdelay $0x1  }
0x4c: {  	v6 =	vsub.f32 v6, v4;
	v5 =	vmax.f32 v5, $-1.200000000e+01  }
0x4d: {  	v5 =	vmin.f32 v5, $1.200000000e+01  }
0x4e: {  	v7 =	vsub.f32 v7, v4;
	v6 =	vmul.f32 $1.000000000e+03, v6;
	v5 =	vsub.f32 $0.0e+00, v5  }
0x4f: {  	s22 =	simm.s32 $0x1A60;
	v8 =	vsub.f32 v8, v4  }
0x50: {  	v9 =	vld [tilespmem:s22+$0x10];
	v7 =	vmul.f32 $1.000000000e+03, v7;
	v6 =	vmax.f32 v6, $-1.200000000e+01;
	v5 =	vmul.f32 $1.442695020e+00, v5  }
0x51: {  	v8 =	vmul.f32 $1.000000000e+03, v8;
	v6 =	vmin.f32 v6, $1.200000000e+01  }
0x52: {  	v6 =	vsub.f32 $0.0e+00, v6;
	(erf) = vpow2.f32 v5;
	v5 =	vmax.f32 v7, $-1.200000000e+01  }
0x53: {  	v10 =	vld [tilespmem:s22+$0xFFFFFFE0];
	v7 =	vmax.f32 v8, $-1.200000000e+01;
	v5 =	vmin.f32 v5, $1.200000000e+01  }
0x54: {  	v6 =	vmul.f32 $1.442695020e+00, v6;
	v8 =	vld [tilespmem:s22+$0xFFFFFFF0];
	v7 =	vmin.f32 v7, $1.200000000e+01;
	v5 =	vsub.f32 $0.0e+00, v5  }
0x55: {  	v11 =	vld [tilespmem:s22+$0x0];
	v9 =	vsub.f32 v9, v4;
	v7 =	vsub.f32 $0.0e+00, v7  }
0x56: {  	(erf) = vpow2.f32 v6;
	v5 =	vmul.f32 $1.442695020e+00, v5  }
0x57: {  	v6 =	vmul.f32 $1.442695020e+00, v7;
	v7 =	vmul.f32 $1.000000000e+03, v9  }
0x58: {  	(erf) = vpow2.f32 v5;
	v5 =	vsub.f32 v10, v4  }
0x59: {  	(erf) = vpow2.f32 v6;
	v6 =	vmax.f32 v7, $-1.200000000e+01;
	v7 =	vsub.f32 v8, v4  }
0x5a: {  	v8 =	vsub.f32 v11, v4;
	v6 =	vmin.f32 v6, $1.200000000e+01;
	v5 =	vmul.f32 $1.000000000e+03, v5  }
0x5b: {  	v9 =	vpop (erf);
	v6 =	vsub.f32 $0.0e+00, v6;
	v7 =	vmul.f32 $1.000000000e+03, v7  }
0x5c: {  	s21 =	simm.s32 $0x1AA0;
	v8 =	vmul.f32 $1.000000000e+03, v8;
	v9 =	vadd.f32 $1.000000000e+00, v9;
	v5 =	vmax.f32 v5, $-1.200000000e+01  }
0x5d: {  	v12 =	vld [tilespmem:s21+$0x10];
	v6 =	vmul.f32 $1.442695020e+00, v6;
	v7 =	vmax.f32 v7, $-1.200000000e+01;
	v5 =	vmin.f32 v5, $1.200000000e+01  }
0x5e: {  	v13 =	vld [tilespmem:s21+$0x0];
	s22 =	simm.s32 $0xD20;
	v8 =	vmax.f32 v8, $-1.200000000e+01;
	(erf) = vrcp.f32 v9;
	v5 =	vsub.f32 $0.0e+00, v5  }
0x5f: {  	s20 =	simm.s32 $0x20;
	v10 =	vld [tilespmem:s22+$0x10];
	v11 =	vpop (erf);
	v7 =	vmin.f32 v7, $1.200000000e+01;
	(erf) = vpow2.f32 v6;
	v6 =	vmin.f32 v8, $1.200000000e+01  }
0x60: {  	v9 =	vld [tilespmem:s20+$0x10];
	v7 =	vsub.f32 $0.0e+00, v7;
	v8 =	vadd.f32 $1.000000000e+00, v11;
	v5 =	vmul.f32 $1.442695020e+00, v5  }
0x61: {  	v11 =	vld [tilespmem:s21+$0xFFFFFFF0];
	v6 =	vsub.f32 $0.0e+00, v6  }
0x62: {  	v7 =	vmul.f32 $1.442695020e+00, v7;
	(erf) = vrcp.f32 v8  }
0x63: {  	v8 =	vld [tilespmem:s21+$0xFFFFFFE0];
	v14 =	vpop (erf);
	v6 =	vmul.f32 $1.442695020e+00, v6;
	(erf) = vpow2.f32 v5  }
0x64: {  	v14 =	vadd.f32 $1.000000000e+00, v14;
	v5 =	vpop (erf);
	(erf) = vpow2.f32 v7;
	v7 =	vsub.f32 v12, v4  }
0x65: {  	v12 =	vsub.f32 v13, v4;
	(erf) = vpow2.f32 v6  }
0x66: {  	s1 =	simm.s32 $0x60;
	v16 =	vld [tilespmem:s20+$0x0];
	v6 =	vsub.f32 v9, v10;
	v10 =	vsub.f32 v11, v4;
	v7 =	vmul.f32 $1.000000000e+03, v7  }
0x67: {  	v17 =	vld [tilespmem:s1+$0x10];
	v5 =	vadd.f32 $1.000000000e+00, v5;
	v12 =	vmul.f32 $1.000000000e+03, v12;
	v11 =	vpop (erf);
	(erf) = vrcp.f32 v14  }
0x68: {  	v15 =	vld [tilespmem:s22+$0xFFFFFFF0];
	v10 =	vmul.f32 $1.000000000e+03, v10;
	v11 =	vmul.f32 v11, v6;
	v6 =	vsub.f32 v8, v4;
	v14 =	vpop (erf)  }
0x69: {  	v13 =	vld [tilespmem:s22+$0xFFFFFFE0];
	v7 =	vmax.f32 v7, $-1.200000000e+01;
	(erf) = vrcp.f32 v5;
	v14 =	vadd.f32 $1.000000000e+00, v14  }
0x6a: {  	v9 =	vld [tilespmem:s20+$0xFFFFFFE0];
	v12 =	vmax.f32 v12, $-1.200000000e+01;
	v7 =	vmin.f32 v7, $1.200000000e+01;
	v6 =	vmul.f32 $1.000000000e+03, v6  }
0x6b: {  	v5 =	vmax.f32 v10, $-1.200000000e+01;
	v10 =	vld [tilespmem:s22+$0x0];
	v12 =	vmin.f32 v12, $1.200000000e+01;
	s22 =	simm.s32 $0x1AE0;
	v7 =	vsub.f32 $0.0e+00, v7  }
0x6c: {  	v5 =	vmin.f32 v5, $1.200000000e+01;
	v20 =	vld [tilespmem:s22+$0x10];
	(erf) = vrcp.f32 v14;
	v6 =	vmax.f32 v6, $-1.200000000e+01  }
0x6d: {  	v12 =	vsub.f32 $0.0e+00, v12;
	v23 =	vld [tilespmem:s22+$0x0];
	v7 =	vmul.f32 $1.442695020e+00, v7;
	v14 =	vpop (erf);
	v6 =	vmin.f32 v6, $1.200000000e+01  }
0x6e: {  	v8 =	vld [tilespmem:s20+$0xFFFFFFF0];
	s20 =	simm.s32 $0xD60;
	v5 =	vsub.f32 $0.0e+00, v5;
	v18 =	vpop (erf);
	v6 =	vsub.f32 $0.0e+00, v6  }
0x6f: {  	v19 =	vld [tilespmem:s20+$0x10];
	v12 =	vmul.f32 $1.442695020e+00, v12;
	(erf) = vpow2.f32 v7;
	v7 =	vadd.f32 $1.000000000e+00, v18;
	v18 =	vpop (erf)  }
0x70: {  	v21 =	vld [tilespmem:s22+$0xFFFFFFF0];
	v5 =	vmul.f32 $1.442695020e+00, v5;
	v6 =	vmul.f32 $1.442695020e+00, v6;
	v22 =	vpop (erf)  }
0x71: {  	v24 =	vsub.f32 v16, v10;
	(erf) = vrcp.f32 v7;
	v7 =	vadd.f32 $1.000000000e+00, v22;
	v22 =	vld [tilespmem:s22+$0xFFFFFFE0]  }
0x72: {  	v10 =	vsub.f32 v20, v4;
	v16 =	vsub.f32 v23, v4;
	(erf) = vpow2.f32 v6  }
0x73: {  	v18 =	vadd.f32 $1.000000000e+00, v18;
	v6 =	vsub.f32 v9, v13;
	v9 =	vpop (erf);
	(erf) = vpow2.f32 v5  }
0x74: {  	v10 =	vmul.f32 $1.000000000e+03, v10;
	v25 =	vpop (erf);
	(erf) = vpow2.f32 v12;
	v12 =	vsub.f32 v17, v19  }
0x75: {  	v8 =	vsub.f32 v8, v15;
	v16 =	vmul.f32 $1.000000000e+03, v16;
	v15 =	vpop (erf);
	(erf) = vrcp.f32 v18  }
0x76: {  	v13 =	vsub.f32 v21, v4;
	v5 =	vld [tilespmem:s1+$0xFFFFFFE0];
	v12 =	vmul.f32 v15, v12;
	v15 =	vsub.f32 v22, v4  }
0x77: {  	v20 =	vmul.f32 v9, v8;
	v8 =	vld [tilespmem:s20+$0xFFFFFFF0];
	(erf) = vrcp.f32 v7  }
0x78: {  	v10 =	vmax.f32 v10, $-1.200000000e+01;
	v9 =	vld [tilespmem:s1+$0x0];
	v13 =	vmul.f32 $1.000000000e+03, v13;
	v17 =	vpop (erf);
	v15 =	vmul.f32 $1.000000000e+03, v15  }
0x79: {  	s31 =	simm.s32 $0x3420;
	v14 =	vmul.f32 v14, v6;
	v6 =	vld [tilespmem:s20+$0xFFFFFFE0];
	v10 =	vmin.f32 v10, $1.200000000e+01;
	v17 =	vadd.f32 $1.000000000e+00, v17  }
0x7a: {  	[tilespmem:s31+$0x10] =	vst v11;
	v18 =	vmax.f32 v16, $-1.200000000e+01;
	v19 =	vsub.f32 $0.0e+00, v10;
	v10 =	vld [tilespmem:s20+$0x0];
	v13 =	vmax.f32 v13, $-1.200000000e+01;
	v11 =	vpop (erf)  }
0x7b: {  	s30 =	simm.s32 $0x3460;
	v7 =	vld [tilespmem:s1+$0xFFFFFFF0];
	[tilespmem:s31+$0xFFFFFFE0] =	vst v14;
	s1 =	simm.s32 $0xA0;
	v18 =	vmin.f32 v18, $1.200000000e+01;
	v14 =	vmax.f32 v15, $-1.200000000e+01;
	(erf) = vrcp.f32 v17;
	v16 =	vpop (erf)  }
0x7c: {  	s20 =	simm.s32 $0xDA0;
	v13 =	vmin.f32 v13, $1.200000000e+01;
	v19 =	vmul.f32 $1.442695020e+00, v19;
	[tilespmem:s30+$0x10] =	vst v12;
	v12 =	vld [tilespmem:s1+$0x10];
	v14 =	vmin.f32 v14, $1.200000000e+01;
	v15 =	vpop (erf)  }
0x7d: {  	s21 =	simm.s32 $0xC0;
	s22 =	simm.s32 $0x1B20;
	[tilespmem:s31+$0xFFFFFFF0] =	vst v20;
	v21 =	vsub.f32 $0.0e+00, v13;
	v13 =	vld [tilespmem:s20+$0x10];
	v20 =	vsub.f32 $0.0e+00, v14;
	v14 =	vmul.f32 v25, v24;
	v17 =	vpop (erf)  }
.LBB2_2:
0x7e: {  	v22 =	vld [tilespmem:s22+$0x10];
	s21 =	sadd.s32 $0x40, s21;
	v18 =	vsub.f32 $0.0e+00, v18;
	(erf) = vpow2.f32 v19;
	v16 =	vadd.f32 $1.000000000e+00, v16;
	v19 =	vpop (erf)  }
0x7f: {  	v15 =	vadd.f32 $1.000000000e+00, v15;
	v23 =	vld [tilespmem:s22+$0xFFFFFFF0];
	p3 =	slt.u32 s21, $0xCC0;
	v20 =	vmul.f32 $1.442695020e+00, v20;
	v21 =	vmul.f32 $1.442695020e+00, v21;
	[tilespmem:s31+$0x0] =	vst v14;
	s31 =	smov.u32 s30  }
0x80: {  	v17 =	vadd.f32 $1.000000000e+00, v17;
	v14 =	vld [tilespmem:s22+$0x0];
	v18 =	vmul.f32 $1.442695020e+00, v18;
	(erf) = vrcp.f32 v16;
	v24 =	vpop (erf)  }
0x81: {  	v25 =	vsub.f32 v7, v8;
	v16 =	vld [tilespmem:s22+$0xFFFFFFE0];
	(erf) = vpow2.f32 v20;
	v20 =	vsub.f32 v5, v6  }
0x82: {  	v26 =	vsub.f32 v9, v10;
	(erf) = vpow2.f32 v21;
	v5 =	vld [tilespmem:s1+$0xFFFFFFE0]  }
0x83: {  	v9 =	vsub.f32 v12, v13;
	v8 =	vsub.f32 v22, v4;
	(erf) = vpow2.f32 v18;
	v6 =	vld [tilespmem:s20+$0xFFFFFFE0]  }
0x84: {  	v11 =	vmul.f32 v11, v20;
	v10 =	vsub.f32 v23, v4;
	v7 =	vld [tilespmem:s1+$0xFFFFFFF0];
	(erf) = vrcp.f32 v15;
	v12 =	vpop (erf)  }
0x85: {  	v13 =	vsub.f32 v14, v4;
	v18 =	vmul.f32 $1.000000000e+03, v8;
	v8 =	vld [tilespmem:s20+$0xFFFFFFF0];
	v12 =	vmul.f32 v12, v9  }
0x86: {  	s30 =	sadd.s32 $0x40, s30;
	v15 =	vsub.f32 v16, v4;
	v16 =	vmul.f32 $1.000000000e+03, v10;
	v9 =	vld [tilespmem:s1+$0x0];
	(erf) = vrcp.f32 v17;
	[tilespmem:s31+$0xFFFFFFE0] =	vst v11  }
0x87: {  	v20 =	vmul.f32 $1.000000000e+03, v13;
	v13 =	vmax.f32 v18, $-1.200000000e+01;
	v14 =	vpop (erf);
	v10 =	vld [tilespmem:s20+$0x0];
	[tilespmem:s30+$0x10] =	vst v12;
	v12 =	vmul.f32 v19, v25  }
.Ltmp2:
0x88: {  	v22 =	vmul.f32 $1.000000000e+03, v15;
	v13 =	vmin.f32 v13, $1.200000000e+01;
	v14 =	vadd.f32 $1.000000000e+00, v14;
	(pc) =	sbr.rel @p3 .LBB2_2-.Ltmp2, $4  }
0x89: {  	v18 =	vmax.f32 v16, $-1.200000000e+01;
	v17 =	vmax.f32 v20, $-1.200000000e+01;
	v13 =	vsub.f32 $0.0e+00, v13;
	v11 =	vpop (erf);
	[tilespmem:s31+$0xFFFFFFF0] =	vst v12  }
0x8a: {  	s1 =	sadd.s32 $0x40, s1;
	v21 =	vmin.f32 v18, $1.200000000e+01;
	v12 =	vmax.f32 v22, $-1.200000000e+01;
	v16 =	vpop (erf);
	(erf) = vrcp.f32 v14  }
0x8b: {  	s20 =	sadd.s32 $0x40, s20;
	v18 =	vmin.f32 v17, $1.200000000e+01;
	v14 =	vmin.f32 v12, $1.200000000e+01;
	v19 =	vmul.f32 $1.442695020e+00, v13;
	v12 =	vld [tilespmem:s1+$0x10];
	v15 =	vpop (erf)  }
0x8c: {  	s22 =	sadd.s32 $0x40, s22;
	v21 =	vsub.f32 $0.0e+00, v21;
	v20 =	vsub.f32 $0.0e+00, v14;
	v13 =	vld [tilespmem:s20+$0x10];
	v17 =	vpop (erf);
	v14 =	vmul.f32 v24, v26  }
0x8d: {  	v4 =	vadd.f32 $1.000000000e+00, v16  }
0x8e: {  	(erf) = vpow2.f32 v19;
	v36 =	vsub.f32 $0.0e+00, v18;
	v37 =	vmul.f32 $1.442695020e+00, v20  }
0x8f: {  	v38 =	vmul.f32 $1.442695020e+00, v21;
	(erf) = vrcp.f32 v4  }
0x90: {  	v4 =	vmul.f32 $1.442695020e+00, v36;
	(erf) = vpow2.f32 v37  }
0x91: {  	(erf) = vpow2.f32 v38  }
0x92: {  	(erf) = vpow2.f32 v4;
	_ =	sdelay $0x1  }
0x93: {  	v40 =	vld [tilespmem:s1+$0xFFFFFFE0];
	v4 =	vpop (erf)  }
0x94: {  	v41 =	vld [tilespmem:s20+$0xFFFFFFE0];
	v39 =	vpop (erf)  }
0x95: {  	v15 =	vadd.f32 $1.000000000e+00, v15;
	v43 =	vld [tilespmem:s1+$0xFFFFFFF0];
	v42 =	vpop (erf)  }
0x96: {  	v44 =	vld [tilespmem:s20+$0xFFFFFFF0];
	v22 =	vpop (erf)  }
0x97: {  	v17 =	vadd.f32 $1.000000000e+00, v17;
	v23 =	vld [tilespmem:s1+$0x0];
	(erf) = vrcp.f32 v15;
	v45 =	vpop (erf)  }
0x98: {  	v24 =	vld [tilespmem:s20+$0x0];
	s1 =	sadd.s32 $0x40, s1;
	v22 =	vadd.f32 $1.000000000e+00, v22;
	v25 =	vpop (erf)  }
0x99: {  	s22 =	sadd.s32 $0x40, s20;
	v46 =	vld [tilespmem:s1+$0x10];
	(erf) = vrcp.f32 v17;
	v26 =	vpop (erf);
	v25 =	vadd.f32 $1.000000000e+00, v25  }
0x9a: {  	v5 =	vsub.f32 v5, v6;
	v27 =	vld [tilespmem:s22+$0x10];
	(erf) = vrcp.f32 v22;
	v28 =	vpop (erf);
	v26 =	vadd.f32 $1.000000000e+00, v26  }
0x9b: {  	v7 =	vsub.f32 v7, v8;
	v48 =	vld [tilespmem:s1+$0xFFFFFFE0];
	v47 =	vadd.f32 $1.000000000e+00, v28;
	(erf) = vrcp.f32 v25  }
0x9c: {  	v49 =	vld [tilespmem:s22+$0xFFFFFFE0];
	v5 =	vmul.f32 v11, v5;
	(erf) = vrcp.f32 v26  }
0x9d: {  	v51 =	vsub.f32 v9, v10;
	v50 =	vld [tilespmem:s1+$0xFFFFFFF0];
	v4 =	vmul.f32 v4, v7;
	(erf) = vrcp.f32 v47  }
0x9e: {  	[tilespmem:s31+$0x0] =	vst v14;
	v53 =	vld [tilespmem:s22+$0xFFFFFFF0];
	v12 =	vsub.f32 v12, v13  }
0x9f: {  	v55 =	vld [tilespmem:s1+$0x0];
	v54 =	vsub.f32 v40, v41;
	v8 =	vmul.f32 v39, v51;
	[tilespmem:s30+$0xFFFFFFF0] =	vst v4;
	v4 =	vsub.f32 v43, v44  }
0xa0: {  	v58 =	vld [tilespmem:s22+$0x0];
	[tilespmem:s30+$0xFFFFFFE0] =	vst v5;
	v52 =	vmul.f32 v42, v12;
	v5 =	vpop (erf)  }
0xa1: {  	s21 =	sadd.s32 $0x40, s30;
	v60 =	vsub.f32 v23, v24;
	[tilespmem:s30+$0x0] =	vst v8;
	v7 =	vmul.f32 v45, v54;
	v4 =	vmul.f32 v5, v4  }
0xa2: {  	v57 =	vsub.f32 v46, v27;
	[tilespmem:s21+$0x10] =	vst v52;
	v56 =	vpop (erf)  }
0xa3: {  	[tilespmem:s21+$0xFFFFFFE0] =	vst v7;
	v5 =	vsub.f32 v48, v49;
	v8 =	vmul.f32 v56, v60;
	v59 =	vpop (erf)  }
0xa4: {  	v6 =	vsub.f32 v50, v53;
	[tilespmem:s21+$0xFFFFFFF0] =	vst v4;
	v12 =	vmul.f32 v59, v57;
	v61 =	vpop (erf)  }
.Ltmp3:
0xa5: {  	s31 =	sadd.s32 $0x40, s21;
	v62 =	vsub.f32 v55, v58;
	[tilespmem:s21+$0x0] =	vst v8;
	v4 =	vpop (erf);
	v5 =	vmul.f32 v61, v5;
	(pc) =	sbr.rel .LBB2_4-.Ltmp3, $4  }
0xa6: {  	[tilespmem:s31+$0x10] =	vst v12;
	v63 =	vpop (erf);
	v4 =	vmul.f32 v4, v6  }
0xa7: {  	[tilespmem:s31+$0xFFFFFFE0] =	vst v5;
	v5 =	vmul.f32 v63, v62  }
0xa8: {  	[tilespmem:s31+$0xFFFFFFF0] =	vst v4  }
0xa9: {  	s1 =	simm.s32 $0x0;
	[tilespmem:s31+$0x0] =	vst v5  }
.LBB2_6:
0xaa: {  	s1 =	sadd.s32 $0x1, s1  }
0xab: {  	p3 =	sne.s32 s1, $0xD0  }
.Ltmp4:
0xac: {  	_ = 	snop;
	(pc) =	sbr.rel @!p3 .LBB2_7-.Ltmp4, $3  }
0xad: {  	_ =	sdelay $0x1  }
0xae: {  	[tilespmem:s20+$0x2700] =	vst v4  }
0xaf: {  	[tilespmem:s20+$0x3400] =	vst v5  }
.LBB2_4:
0xb0: {  	s20 =	sshll.u32 s1, $0x4  }
0xb1: {  	v4 =	vld [tilespmem:s20+$0x2700];
	_ =	sdelay $0x4  }
0xb2: {  	vm1 =	vlt.s32 v4, v0;
	v5 =	vsub.s32 v4, v1  }
0xb3: {  	v5 =	vsel vm1, $0x0, v5;
	_ =	sdelay $0x4  }
0xb4: {  	v6 =	vld.idx.msk [tilespmem:v5+s18+$0x0], $0xffff;
	_ =	sdelay $0x4  }
0xb5: {  	v4 =	vsel vm1, v4, v6  }
0xb6: {  	vm2 =	vlt.s32 v4, v0;
	v6 =	vsub.s32 v4, v1  }
0xb7: {  	v6 =	vsel vm2, $0x0, v6;
	_ =	sdelay $0x4  }
0xb8: {  	v7 =	vld.idx.msk [tilespmem:v6+s18+$0x0], $0xffff;
	_ =	sdelay $0x4  }
0xb9: {  	v4 =	vsel vm2, v4, v7  }
0xba: {  	vm0 =	vge.s32 v4, v0  }
0xbb: {  	v7 =	vmpcnt.ones.xlane vm0;
	_ =	sdelay $0x1  }
0xbc: {  	(v2sf) =	vpush v7, $0x0;
	_ =	sdelay $0xc  }
0xbd: {  	v5 =	vld.idx.msk [tilespmem:v5+s23+$0x0], $0xffff  }
0xbe: {  	v7 =	vld [tilespmem:s20+$0x3400]  }
0xbf: {  	v6 =	vld.idx.msk [tilespmem:v6+s23+$0x0], $0xffff;
	s21 =	spop (v2sf)  }
0xc0: {  	p3 =	slt.s32 s21, $0x1  }
.Ltmp5:
0xc1: {  	_ = 	snop;
	(pc) =	sbr.rel @p3 .LBB2_6-.Ltmp5, $4  }
0xc2: {  	v5 =	vsel vm1, $0x0, v5  }
0xc3: {  	v5 =	vadd.f32 v5, v7  }
0xc4: {  	v6 =	vsel vm2, $0x0, v6  }
0xc5: {  	v5 =	vadd.f32 v6, v5  }
.LBB2_5:
0xc6: {  	v6 =	vsub.s32 v4, v1  }
0xc7: {  	v6 =	vnsel vm0, $0x0, v6;
	_ =	sdelay $0x4  }
0xc8: {  	v7 =	vld.idx.msk [tilespmem:v6+s23+$0x0], $0xffff  }
0xc9: {  	v6 =	vld.idx.msk [tilespmem:v6+s18+$0x0], $0xffff;
	_ =	sdelay $0x4  }
0xca: {  	v4 =	vsel vm0, v6, v4  }
0xcb: {  	v7 =	vnsel vm0, $0x0, v7;
	vm0 =	vge.s32 v4, v0  }
0xcc: {  	v6 =	vmpcnt.ones.xlane vm0;
	_ =	sdelay $0x1  }
0xcd: {  	(v2sf) =	vpush v6, $0x0;
	_ =	sdelay $0xe  }
0xce: {  	s21 =	spop (v2sf)  }
0xcf: {  	p3 =	sgt.s32 s21, $0x0  }
.Ltmp6:
0xd0: {  	_ = 	snop;
	(pc) =	sbr.rel @p3 .LBB2_5-.Ltmp6, $2  }
0xd1: {  	_ =	sdelay $0x2  }
0xd2: {  	v5 =	vadd.f32 v7, v5  }
.Ltmp7:
0xd3: {  	_ = 	snop;
	(pc) =	sbr.rel .LBB2_6-.Ltmp7, $1  }
0xd4: {  	_ =	sdelay $0x3  }
.LBB2_7:
0xd5: {  	[spmem:s8] =	stream.linear.scatter [tilespmem:s18], [sflag:$0x2], $0xD00, $0x38;
	[tilespmem:$0xC380] =	vst v63  }
0xd6: {  	_ =	swait.ge [sflag:s19], $0xD00  }
0xd7: {  	[sflag:s19] =	ssyncset.done $0x0  }
0xd8: {  	[sflag:s19] =	ssyncadd.s32 $0xFFFFF300  }
0xd9: {  	[spmem:s9] =	stream.linear.scatter [tilespmem:s23], [sflag:$0x2], $0xD00, $0x38;
	[tilespmem:$0xC380] =	vst v63  }
.Ltmp8:
0xda: {  	_ =	swait.ge [sflag:s19], $0xD00;
	(pc) =	sbr.rel @p1 .LBB2_11-.Ltmp8, $3  }
0xdb: {  	[sflag:s19] =	ssyncset.done $0x0  }
0xdc: {  	[sflag:s19] =	ssyncadd.s32 $0xFFFFF300  }
0xdd: {  	[bflag:$0x0] =	sbarrier.arrive $0xFFFF;
	_ =	sdelay $0x1  }
0xde: {  	[tilespmem:s26], [sflag:$0x2] =	stream.linear.gather [spmem:s10], $0xD00, $0x38;
	[tilespmem:$0xC380] =	vst v63  }
0xdf: {  	_ =	swait.ge [sflag:s19], $0xD00  }
0xe0: {  	[sflag:s19] =	ssyncset.done $0x0  }
0xe1: {  	[sflag:s19] =	ssyncadd.s32 $0xFFFFF300  }
0xe2: {  	[tilespmem:s28], [sflag:$0x2] =	stream.linear.gather [spmem:s11], $0xD00, $0x38;
	[tilespmem:$0xC380] =	vst v63  }
0xe3: {  	_ =	swait.ge [sflag:s19], $0xD00  }
0xe4: {  	[sflag:s19] =	ssyncset.done $0x0  }
0xe5: {  	s1 =	simm.s32 $0x0;
	[sflag:s19] =	ssyncadd.s32 $0xFFFFF300  }
0xe6: {  	v4 =	vld [tilespmem:s1+$0x2700];
	_ =	sdelay $0x4  }
0xe7: {  	vm0 =	vlt.s32 v4, v2;
	v5 =	vsub.s32 v4, v2  }
0xe8: {  	v5 =	vsel vm0, $0x0, v5;
	_ =	sdelay $0x3  }
0xe9: {  	v7 =	vld [tilespmem:s1+$0x3400]  }
0xea: {  	v6 =	vld.idx.msk [tilespmem:v5+s28+$0x0], $0xffff  }
0xeb: {  	v5 =	vld.idx.msk [tilespmem:v5+s26+$0x0], $0xffff;
	_ =	sdelay $0x3  }
0xec: {  	v6 =	vsel vm0, $0x0, v6  }
0xed: {  	v5 =	vsel vm0, v4, v5;
	v4 =	vadd.f32 v6, v7  }
0xee: {  	s20 =	simm.s32 $0x80;
	s21 =	simm.s32 $0x10;
	[tilespmem:s1+$0x2700] =	vst v5  }
.LBB2_9:
0xef: {  	p3 =	sne.s32 s20, $0x33C0;
	v5 =	vld [tilespmem:s21+$0x2700];
	[tilespmem:s1+$0x3400] =	vst v4;
	s22 =	smov.u32 s20;
	s20 =	sadd.s32 $0x40, s20  }
0xf0: {  	s1 =	smov.u32 s21;
	_ =	sdelay $0x3  }
0xf1: {  	vm0 =	vlt.s32 v5, v2;
	v4 =	vsub.s32 v5, v2  }
0xf2: {  	v4 =	vsel vm0, $0x0, v4;
	_ =	sdelay $0x4  }
0xf3: {  	v6 =	vld.idx.msk [tilespmem:v4+s28+$0x0], $0xffff  }
0xf4: {  	v7 =	vld.idx.msk [tilespmem:v4+s26+$0x0], $0xffff  }
0xf5: {  	v4 =	vld [tilespmem:s1+$0x3400];
	_ =	sdelay $0x1  }
.Ltmp9:
0xf6: {  	(pc) =	sbr.rel @p3 .LBB2_9-.Ltmp9, $4  }
0xf7: {  	_ = 	snop  }
0xf8: {  	v6 =	vsel vm0, $0x0, v6  }
0xf9: {  	v5 =	vsel vm0, v5, v7;
	v4 =	vadd.f32 v6, v4  }
0xfa: {  	s21 =	sshra.s32 s22, $0x2;
	[tilespmem:s1+$0x2700] =	vst v5  }
0xfb: {  	v5 =	vld [tilespmem:s21+$0x2700];
	_ =	sdelay $0x4  }
0xfc: {  	vm0 =	vlt.s32 v5, v2;
	v6 =	vsub.s32 v5, v2  }
0xfd: {  	v6 =	vsel vm0, $0x0, v6;
	_ =	sdelay $0x2  }
0xfe: {  	[tilespmem:s1+$0x3400] =	vst v4  }
0xff: {  	v7 =	vld [tilespmem:s21+$0x3400]  }
0x100: {  	v4 =	vld.idx.msk [tilespmem:v6+s28+$0x0], $0xffff  }
0x101: {  	v6 =	vld.idx.msk [tilespmem:v6+s26+$0x0], $0xffff;
	_ =	sdelay $0x3  }
0x102: {  	v4 =	vsel vm0, $0x0, v4  }
0x103: {  	v5 =	vsel vm0, v5, v6;
	v4 =	vadd.f32 v4, v7  }
0x104: {  	[tilespmem:s21+$0x2700] =	vst v5  }
0x105: {  	[tilespmem:s21+$0x3400] =	vst v4  }
0x106: {  	[spmem:s8] =	stream.linear.scatter [tilespmem:s18], [sflag:$0x2], $0xD00, $0x38;
	[tilespmem:$0xC380] =	vst v63  }
0x107: {  	_ =	swait.ge [sflag:s19], $0xD00  }
0x108: {  	[sflag:s19] =	ssyncset.done $0x0  }
0x109: {  	[sflag:s19] =	ssyncadd.s32 $0xFFFFF300  }
0x10a: {  	[spmem:s9] =	stream.linear.scatter [tilespmem:s23], [sflag:$0x2], $0xD00, $0x38;
	[tilespmem:$0xC380] =	vst v63  }
0x10b: {  	_ =	swait.ge [sflag:s19], $0xD00  }
0x10c: {  	[sflag:s19] =	ssyncset.done $0x0  }
0x10d: {  	[sflag:s19] =	ssyncadd.s32 $0xFFFFF300  }
.LBB2_11:
.Ltmp10:
0x10e: {  	(pc) =	sbr.rel @p2 .LBB2_15-.Ltmp10, $2  }
0x10f: {  	_ =	sdelay $0x1  }
0x110: {  	[bflag:$0x0] =	sbarrier.arrive $0xFFFF;
	_ =	sdelay $0x1  }
0x111: {  	[tilespmem:s24], [sflag:$0x2] =	stream.linear.gather [spmem:s13], $0x1A00, $0x38;
	[tilespmem:$0xC380] =	vst v63  }
0x112: {  	_ =	swait.ge [sflag:s19], $0x1A00  }
0x113: {  	[sflag:s19] =	ssyncset.done $0x0  }
0x114: {  	[sflag:s19] =	ssyncadd.s32 $0xFFFFE600  }
0x115: {  	[tilespmem:s25], [sflag:$0x2] =	stream.linear.gather [spmem:s14], $0x1A00, $0x38;
	[tilespmem:$0xC380] =	vst v63  }
0x116: {  	_ =	swait.ge [sflag:s19], $0x1A00  }
0x117: {  	[sflag:s19] =	ssyncset.done $0x0  }
0x118: {  	s1 =	simm.s32 $0x0;
	[sflag:s19] =	ssyncadd.s32 $0xFFFFE600  }
0x119: {  	v4 =	vld [tilespmem:s1+$0x2700];
	_ =	sdelay $0x4  }
0x11a: {  	vm0 =	vlt.s32 v4, v3;
	v5 =	vsub.s32 v4, v3  }
0x11b: {  	v5 =	vsel vm0, $0x0, v5;
	_ =	sdelay $0x3  }
0x11c: {  	v7 =	vld [tilespmem:s1+$0x3400]  }
0x11d: {  	v6 =	vld.idx.msk [tilespmem:v5+s25+$0x0], $0xffff  }
0x11e: {  	v5 =	vld.idx.msk [tilespmem:v5+s24+$0x0], $0xffff;
	_ =	sdelay $0x3  }
0x11f: {  	v6 =	vsel vm0, $0x0, v6  }
0x120: {  	v5 =	vsel vm0, v4, v5;
	v4 =	vadd.f32 v6, v7  }
0x121: {  	s20 =	simm.s32 $0x80;
	s21 =	simm.s32 $0x10;
	[tilespmem:s1+$0x2700] =	vst v5  }
.LBB2_13:
0x122: {  	p3 =	sne.s32 s20, $0x33C0;
	v5 =	vld [tilespmem:s21+$0x2700];
	[tilespmem:s1+$0x3400] =	vst v4;
	s22 =	smov.u32 s20;
	s20 =	sadd.s32 $0x40, s20  }
0x123: {  	s1 =	smov.u32 s21;
	_ =	sdelay $0x3  }
0x124: {  	vm0 =	vlt.s32 v5, v3;
	v4 =	vsub.s32 v5, v3  }
0x125: {  	v4 =	vsel vm0, $0x0, v4;
	_ =	sdelay $0x4  }
0x126: {  	v6 =	vld.idx.msk [tilespmem:v4+s25+$0x0], $0xffff  }
0x127: {  	v7 =	vld.idx.msk [tilespmem:v4+s24+$0x0], $0xffff  }
0x128: {  	v4 =	vld [tilespmem:s1+$0x3400];
	_ =	sdelay $0x1  }
.Ltmp11:
0x129: {  	(pc) =	sbr.rel @p3 .LBB2_13-.Ltmp11, $4  }
0x12a: {  	_ = 	snop  }
0x12b: {  	v6 =	vsel vm0, $0x0, v6  }
0x12c: {  	v5 =	vsel vm0, v5, v7;
	v4 =	vadd.f32 v6, v4  }
0x12d: {  	s21 =	sshra.s32 s22, $0x2;
	[tilespmem:s1+$0x2700] =	vst v5  }
.Ltmp12:
0x12e: {  	_ = 	snop;
	(pc) =	sbr.rel .LBB2_14-.Ltmp12, $1  }
0x12f: {  	_ =	sdelay $0x3  }
.LBB2_16:
0x130: {  	_ =	sfence.sel $0x180000  }
0x131: {  	[bflag:$0x0] =	sbarrier.arrive $0xFFFF  }
0x132: {  	_ =	strace $0x90000047  }
0x133: {  	[bflag:$0x2] =	sbarrier.arrive $0xFFFF  }
0x134: {  	s0 =	rddreg [dreg:$0x5]  }
0x135: {  	s0 =	sadd.s32 @!p0 $0x100000, s0  }
0x136: {  	[sflag:s0] =	ssyncadd.tile.s32 @!p0 $0x1;
	_ =	shalt  }
.Lfunc_end2:
_tile_overlayer_lowered:
.L_overlay_start_2:
0x137: {  	(tag) =	ssettag $0x2  }
0x138: {  	s0 =	rddreg [dreg:$0x0];
	s2 =	stileid.u32  }
0x139: {  	s1 =	rddreg [dreg:$0x1];
	p0 =	sne.s32 s2, $0x0  }
0x13a: {  	s3 =	rddreg [dreg:$0x2];
	[bflag:$0x3] =	sbarrier.arrive $0xFFFF;
	s2 =	simm.s32 @!p0 $0x1C02  }
0x13b: {  	[timem:s3], [sflag:s2] =	dma.local @!p0 [hbm:s0], s1  }
0x13c: {  	s0 =	simm.s32 @!p0 $0x2  }
0x13d: {  	_ =	swait.ge @!p0 [sflag:s0], s1  }
0x13e: {  	s1 =	ssub.s32 @!p0 $0x0, s1;
	[sflag:s0] =	ssyncset.done @!p0 $0x0  }
0x13f: {  	[sflag:s0] =	ssyncadd.s32 @!p0 s1  }
0x140: {  	[bflag:$0x3] =	sbarrier.arrive $0xFFFF  }
0x141: {  	_ =	shalt  }

// kernel: kernel.7.cloned.1.call-start
scs
__scs_entry_jumppad:
0x0: {  	(pc) =	sbr.rel $0x88, $3  }
0x1: {  	(tag) =	ssettag $0x0;
	lr =	simm.s32 $0x1  }
0x2: {  	[smem:$0x3F9C] =	sst lr;
	_ =	strace $0xD0000000  }
0x3: {  	_ = 	snop  }
0x4: {  	_ = 	snop  }
0x5: {  	_ = 	snop  }
0x6: {  	_ = 	snop  }
0x7: {  	_ = 	snop  }
__scs_overlays_trampoline_lowered:
0x8: {  	[smem:$0x3FAB] =	sst s0  }
0x9: {  	[smem:$0x3FAC] =	sst s1  }
0xa: {  	[smem:$0x3FAD] =	sst s2  }
0xb: {  	[smem:$0x3FAE] =	sst s3  }
0xc: {  	[smem:$0x3FAF] =	sst s4  }
0xd: {  	[smem:$0x3FB0] =	sst s5  }
0xe: {  	[smem:$0x3FB1] =	sst s6  }
0xf: {  	[smem:$0x3FB2] =	sst s7  }
0x10: {  	[smem:$0x3FB3] =	sst s8  }
0x11: {  	[smem:$0x3FB4] =	sst s9;
	s0 =	simm.s32 @!p0 $0x0  }
0x12: {  	s1 =	sld [smem:$0x3F9A];
	s0 =	simm.s32 @p0 $0x1  }
0x13: {  	[smem:$0x3FB5] =	sst s0;
	s0 =	simm.s32 @!p1 $0x0  }
0x14: {  	s2 =	sld [smem:$0x3F99];
	s0 =	simm.s32 @p1 $0x1  }
0x15: {  	[smem:$0x3FB6] =	sst s0;
	s0 =	simm.s32 @!p2 $0x0  }
0x16: {  	s3 =	sld [smem:$0x3FDB];
	s0 =	simm.s32 @p2 $0x1  }
0x17: {  	s4 =	simm.s32 $0x1BF5;
	[smem:$0x3FB8] =	sst s0  }
0x18: {  	s0 =	sld [smem:$0x3F9B];
	_ =	swait.ge [sflag:s4], $0x0  }
0x19: {  	s7 =	sld [smem:$0x3F9C]  }
0x1a: {  	s8 =	sadd.s32 $0xFFFFE003, lr  }
0x1b: {  	s9 =	sadd.s32 $0xFFFFFEF7, lr;
	s5 =	simm.s32 $0xFFFFFFFF;
	p2 =	slt.u32 s8, $0xFFFFF086  }
0x1c: {  	p1 =	slt.u32 s9, $0xF7A;
	s5 =	simm.s32 @!p2 $0x0  }
0x1d: {  	s5 =	simm.s32 @p1 $0x1;
	p0 =	seq.s32 s7, s2  }
0x1e: {  	s7 =	smul.u32 @!p0 $0xF7A, s2;
	p2 =	seq.s32 @!p0 s5, $0x0  }
0x1f: {  	s9 =	smul.u32 $0xF7A, s1;
	s8 =	simm.s32 @!p0 $0x1BF5;
	p2 =	por !p2, p0  }
0x20: {  	[sflag:s8] =	ssyncset.s32 @!p0 $0xFFFFF086;
	s6 =	sadd.s32 @!p0 s3, s7;
	s7 =	simm.s32 @!p0 $0x108  }
0x21: {  	s3 =	sadd.s32 s3, s9;
	s6 =	sadd.s32 @!p0 $0x88, s6;
	s7 =	simm.s32 @p2 $0x1082  }
0x22: {  	[simem:s7], [sflag:s8] =	dma.local @!p0 [hbm:s6], $0xF7A  }
0x23: {  	s9 =	sor.u32 $0xD0000000, s2;
	s6 =	simm.s32 $0x108;
	_ =	swait.ge @!p0 [sflag:s8], $0x0  }
0x24: {  	s3 =	sadd.s32 $0x88, s3;
	s6 =	simm.s32 @!p1 $0x1082;
	[sflag:s4] =	ssyncset.s32 $0xFFFFF086  }
0x25: {  	[simem:s6], [sflag:s4] =	dma.local [hbm:s3], $0xF7A  }
0x26: {  	[smem:$0x3F9C] =	sst s1;
	(tag) =	ssettag s2;
	_ =	strace s9  }
0x27: {  	s1 =	sld [smem:$0x3FAC]  }
0x28: {  	s2 =	sld [smem:$0x3FAD]  }
0x29: {  	s4 =	sld [smem:$0x3FAF]  }
0x2a: {  	p0 =	seq.s32 s5, $0x0;
	s5 =	sld [smem:$0x3FB0]  }
0x2b: {  	s6 =	sld [smem:$0x3FB1]  }
0x2c: {  	s7 =	sld [smem:$0x3FB2]  }
0x2d: {  	s3 =	simm.s32 $0x108;
	s8 =	sld [smem:$0x3FB3]  }
0x2e: {  	s3 =	simm.s32 @!p0 $0x1082;
	s9 =	sld [smem:$0x3FB4]  }
0x2f: {  	lr =	sadd.s32 s0, s3;
	s0 =	sld [smem:$0x3FAB]  }
0x30: {  	s3 =	sld [smem:$0x3FAE]  }
0x31: {  	[smem:$0x3FB7] =	sst s10  }
0x32: {  	s10 =	sld [smem:$0x3FB5];
	_ =	sdelay $0x3  }
0x33: {  	p0 =	seq.s32 s10, $0x1;
	s10 =	sld [smem:$0x3FB7];
	_ =	sdelay $0x3  }
0x34: {  	[smem:$0x3FB7] =	sst s10  }
0x35: {  	s10 =	sld [smem:$0x3FB6];
	_ =	sdelay $0x3  }
0x36: {  	p1 =	seq.s32 s10, $0x1;
	s10 =	sld [smem:$0x3FB7];
	_ =	sdelay $0x3  }
0x37: {  	[smem:$0x3FB7] =	sst s10  }
0x38: {  	s10 =	sld [smem:$0x3FB8]  }
0x39: {  	_ = 	snop;
	(pc) =	sbr.ind lr, $3  }
0x3a: {  	_ = 	snop  }
0x3b: {  	_ = 	snop  }
0x3c: {  	p2 =	seq.s32 s10, $0x1;
	s10 =	sld [smem:$0x3FB7]  }
0x3d: {  	_ =	shalt  }
0x3e: {  	_ =	shalt  }
0x3f: {  	_ =	shalt  }
0x40: {  	_ =	shalt  }
0x41: {  	_ =	shalt  }
0x42: {  	_ =	shalt  }
0x43: {  	_ =	shalt  }
0x44: {  	_ =	shalt  }
0x45: {  	_ =	shalt  }
0x46: {  	_ =	shalt  }
0x47: {  	_ =	shalt  }
0x48: {  	_ =	shalt  }
0x49: {  	_ =	shalt  }
0x4a: {  	_ =	shalt  }
0x4b: {  	_ =	shalt  }
0x4c: {  	_ =	shalt  }
0x4d: {  	_ =	shalt  }
0x4e: {  	_ =	shalt  }
0x4f: {  	_ =	shalt  }
0x50: {  	_ =	shalt  }
0x51: {  	_ =	shalt  }
0x52: {  	_ =	shalt  }
0x53: {  	_ =	shalt  }
0x54: {  	_ =	shalt  }
0x55: {  	_ =	shalt  }
0x56: {  	_ =	shalt  }
0x57: {  	_ =	shalt  }
0x58: {  	_ =	shalt  }
0x59: {  	_ =	shalt  }
0x5a: {  	_ =	shalt  }
0x5b: {  	_ =	shalt  }
0x5c: {  	_ =	shalt  }
0x5d: {  	_ =	shalt  }
0x5e: {  	_ =	shalt  }
0x5f: {  	_ =	shalt  }
0x60: {  	_ =	shalt  }
0x61: {  	_ =	shalt  }
0x62: {  	_ =	shalt  }
0x63: {  	_ =	shalt  }
0x64: {  	_ =	shalt  }
0x65: {  	_ =	shalt  }
0x66: {  	_ =	shalt  }
0x67: {  	_ =	shalt  }
0x68: {  	_ =	shalt  }
0x69: {  	_ =	shalt  }
0x6a: {  	_ =	shalt  }
0x6b: {  	_ =	shalt  }
0x6c: {  	_ =	shalt  }
0x6d: {  	_ =	shalt  }
0x6e: {  	_ =	shalt  }
0x6f: {  	_ =	shalt  }
0x70: {  	_ =	shalt  }
0x71: {  	_ =	shalt  }
0x72: {  	_ =	shalt  }
0x73: {  	_ =	shalt  }
0x74: {  	_ =	shalt  }
0x75: {  	_ =	shalt  }
0x76: {  	_ =	shalt  }
0x77: {  	_ =	shalt  }
0x78: {  	_ =	shalt  }
0x79: {  	_ =	shalt  }
0x7a: {  	_ =	shalt  }
0x7b: {  	_ =	shalt  }
0x7c: {  	_ =	shalt  }
0x7d: {  	_ =	shalt  }
0x7e: {  	_ =	shalt  }
0x7f: {  	_ =	shalt  }
0x80: {  	_ =	shalt  }
0x81: {  	_ =	shalt  }
0x82: {  	_ =	shalt  }
0x83: {  	_ =	shalt  }
0x84: {  	_ =	shalt  }
0x85: {  	_ =	shalt  }
0x86: {  	_ =	shalt  }
0x87: {  	_ =	shalt  }
.Lfunc_end0:
.L_simem_size_0:
called_computation.1_lowered:
.L_overlay_start_0:
0x88: {  	s2 =	sld [smem:$0x3FD9]  }
0x89: {  	s3 =	sld [smem:$0x3FFE];
	_ =	sdelay $0x1  }
0x8a: {  	s1 =	srdreg.scid  }
0x8b: {  	s0 =	sand.u32 $0x1, s1  }
0x8c: {  	s17 =	sshll.u32 s0, $0xA;
	s2 =	sadd.s32 s3, s2  }
0x8d: {  	s2 =	sadd.s32 s2, s17  }
0x8e: {  	[smem:$0x3FC3] =	sst s2  }
0x8f: {  	_ = 	snop  }
0x90: {  	s2 =	sld [smem:$0x3FC5]  }
0x91: {  	s18 =	sld [smem:$0x3FD0];
	(tm) =	ssettm $0x1  }
0x92: {  	s4 =	sld [smem:$0x3FFB];
	_ =	sdelay $0x3  }
0x93: {  	_ =	strace s4  }
0x94: {  	s4 =	sld [smem:$0x3FFC];
	_ =	sdelay $0x3  }
0x95: {  	_ =	strace s4  }
0x96: {  	s4 =	sld [smem:$0x3FFD];
	_ =	sdelay $0x3  }
0x97: {  	_ =	strace s4  }
0x98: {  	_ =	strace $0x8FFFFFFF  }
0x99: {  	s19 =	sld [smem:$0x3FDB];
	_ =	sdelay $0x1  }
0x9a: {  	s5 =	simm.s32 $_scs_section_size  }
0x9b: {  	s6 =	simm.s32 $_size__tile_overlayer_lowered;
	s7 =	simm.s32 $_tile_overlayer_lowered  }
0x9c: {  	s22 =	simm.s32 $0x1BFF;
	s21 =	sshll.u32 s7, $0x1;
	s4 =	sadd.s32 s5, s19  }
0x9d: {  	s8 =	simm.s32 $0x0;
	s20 =	sshll.u32 s6, $0x1;
	s6 =	sadd.s32 s21, s4  }
0x9e: {  	[timem:s8], [sflag:s22] =	dma.local [hbm:s6], s20  }
0x9f: {  	_ =	swait.ge [sflag:s22], s20  }
0xa0: {  	s5 =	ssub.s32 $0x0, s20;
	[sflag:s22] =	ssyncset.done $0x0  }
0xa1: {  	[sflag:s22] =	ssyncadd.s32 s5;
	_ =	sdelay $0x1  }
0xa2: {  	s23 =	simm.s32 $0x1B8B  }
0xa3: {  	_ =	swait.ge [sflag:s23], $0x1  }
0xa4: {  	[sflag:s23] =	ssyncset.done $0x0  }
0xa5: {  	s25 =	simm.s32 $0x1B8E;
	s24 =	sld [smem:$0x3FFE];
	[sflag:s23] =	ssyncadd.s32 $0xFFFFFFFF  }
0xa6: {  	s26 =	simm.s32 $execute0_lowered;
	[smem:$0x3FD2] =	sst s25  }
0xa7: {  	s6 =	sshll.u32 s26, $0x1;
	_ =	strace $0x80000049;
	[dreg:$0x1] =	wrdreg $0xFFFFFFFF  }
0xa8: {  	s28 =	simm.s32 $_size_execute0_lowered;
	s4 =	sadd.s32 s4, s6;
	[dreg:$0x0] =	wrdreg $0x0  }
0xa9: {  	s6 =	sshll.u32 s28, $0x1;
	[dreg:$0x2] =	wrdreg s4  }
0xaa: {  	[dreg:$0x3] =	wrdreg s6  }
0xab: {  	[dreg:$0x4] =	wrdreg $0xC0  }
0xac: {  	_ =	task [dreg:s8], $0x5FFFF  }
0xad: {  	[dreg:$0x1] =	wrdreg $0xFFFFFFFF  }
0xae: {  	[dreg:$0x0] =	wrdreg $0x60  }
0xaf: {  	[dreg:$0x2] =	wrdreg s24  }
0xb0: {  	[dreg:$0x3] =	wrdreg s2  }
0xb1: {  	[dreg:$0x4] =	wrdreg s18  }
0xb2: {  	[dreg:$0x5] =	wrdreg $0x88800  }
0xb3: {  	[dreg:$0x6] =	wrdreg $0x9  }
0xb4: {  	_ =	task.clear_ibuf [dreg:s8], $0x7FFFF;
	_ =	strace $0x90000049  }
0xb5: {  	s29 =	simm.s32 $0x9;
	_ =	strace $0x8000004B  }
0xb6: {  	_ =	swait.ge [sflag:s29], $0x1  }
0xb7: {  	[sflag:s29] =	ssyncadd.s32 $0xFFFFFFFF  }
0xb8: {  	_ =	strace $0x9000004B  }
0xb9: {  	_ =	sfence  }
0xba: {  	s30 =	sld [smem:$0x0];
	_ =	sdelay $0x2  }
0xbb: {  	s31 =	sshll.u32 s1, $0xD;
	s1 =	sshrl.u32 s1, $0x2  }
0xbc: {  	s3 =	sand.u32 $0x4000, s31;
	s1 =	sadd.s32 s1, s30  }
0xbd: {  	s0 =	sor.u32 s3, s0;
	s1 =	sshll.u32 s1, $0x11  }
0xbe: {  	s0 =	sor.u32 s1, s0  }
0xbf: {  	s0 =	sadd.s32 $0x8F2B, s0  }
0xc0: {  	[sflag:s0] =	ssyncadd.remote.s32 $0x1  }
0xc1: {  	_ =	sfence.sel $0xFFFF  }
0xc2: {  	[dreg:$0x0] =	wrdreg $0xFFFFFFFF;
	(pc) =	sbr.abs _section_cstart, $3  }
0xc3: {  	[dreg:$0x1] =	wrdreg $0xFFFFFFFF  }
0xc4: {  	_ =	task.clear_ibuf [dreg:s8], $0x2FFFF;
	_ =	strace $0x9FFFFFFF  }
0xc5: {  	(tm) =	ssettm $0x7FFFFFFF  }
tec
execute0_lowered:
.L_overlay_start_1:
0x0: {  	(tag) =	ssettag $0x1  }
0x1: {  	s1 =	rddreg [dreg:$0x0]  }
0x2: {  	s2 =	rddreg [dreg:$0x1]  }
0x3: {  	s3 =	rddreg [dreg:$0x2]  }
0x4: {  	s0 =	simm.s32 $0x0;
	s4 =	srdreg.scid;
	s12 =	stileid.u32  }
0x5: {  	[smem:$0x7FF] =	sst s0;
	s5 =	sadd.s32 $0x7C00, s1;
	s4 =	sand.u32 $0x1, s4  }
0x6: {  	s6 =	sadd.s32 $0xB000, s1;
	s9 =	sshll.u32 s12, $0xA;
	s10 =	sshll.u32 s12, $0x7  }
0x7: {  	s17 =	sshll.u32 s12, $0xB;
	s29 =	sadd.s32 $0x1200, s1;
	p0 =	sne.s32 s12, $0x2  }
0x8: {  	p1 =	sgt.u32 s12, $0xC;
	s1 =	simm.s32 $0x400;
	s12 =	simm.s32 $0x7000  }
0x9: {  	s7 =	ssub.s32 $0x2, s4;
	s18 =	sadd.s32 s5, s10;
	s19 =	sshrl.u32 s9, $0x3  }
0xa: {  	s10 =	sadd.s32 s6, s10;
	s4 =	sshll.u32 s4, $0xA;
	[dreg:$0x5] =	wrdreg s18  }
0xb: {  	s8 =	sshrl.u32 s7, $0x1;
	[dreg:$0x6] =	wrdreg s10;
	s20 =	sadd.s32 $0x680, s19  }
0xc: {  	s11 =	sadd.s32 $0xD00, s19;
	s23 =	sadd.s32 $0x1380, s19;
	s24 =	sadd.s32 $0x1A00, s19  }
0xd: {  	s14 =	sadd.s32 $0x2700, s19;
	s4 =	sor.u32 s4, s17;
	s13 =	sadd.s32 s5, s20  }
0xe: {  	s7 =	ssub.s32 s7, s8;
	s10 =	sadd.s32 s6, s20;
	[dreg:$0x7] =	wrdreg s13  }
0xf: {  	s21 =	sadd.s32 s5, s11;
	s22 =	sadd.s32 s6, s11;
	[dreg:$0x8] =	wrdreg s10  }
0x10: {  	s25 =	sadd.s32 s5, s23;
	s26 =	sadd.s32 s5, s24;
	[dreg:$0x9] =	wrdreg s21  }
0x11: {  	s30 =	sadd.s32 s6, s24;
	s11 =	sadd.s32 $0x2080, s19;
	[dreg:$0xa] =	wrdreg s22  }
0x12: {  	s16 =	sadd.s32 s5, s14;
	s8 =	sadd.s32 $0x2D80, s19;
	[dreg:$0xb] =	wrdreg s25  }
0x13: {  	s19 =	sadd.s32 s2, s4;
	s20 =	sor.u32 $0x100, s4;
	[dreg:$0xd] =	wrdreg s26  }
0x14: {  	s24 =	sadd.s32 s3, s4;
	s10 =	sadd.s32 s6, s23;
	[dreg:$0xe] =	wrdreg s30  }
0x15: {  	s15 =	sadd.s32 s5, s11;
	[dreg:$0x11] =	wrdreg s16;
	s5 =	sadd.s32 s5, s8  }
0x16: {  	s18 =	sadd.s32 s6, s8;
	[dreg:$0x15] =	wrdreg s19;
	s25 =	sadd.s32 s2, s20  }
0x17: {  	s26 =	sor.u32 $0x200, s4;
	s30 =	sor.u32 $0x300, s4;
	s23 =	rddreg [dreg:$0x3]  }
0x18: {  	s31 =	smax.u32 s7, $0x1;
	s4 =	simm.s32 $0x5800;
	[dreg:$0xc] =	wrdreg s10  }
0x19: {  	s7 =	simm.s32 $0x2;
	s8 =	simm.s32 $0x4000;
	[dreg:$0xf] =	wrdreg s15  }
0x1a: {  	s13 =	simm.s32 $0x7800;
	s16 =	simm.s32 $0x0;
	[dreg:$0x13] =	wrdreg s5  }
0x1b: {  	s10 =	sadd.s32 s6, s11;
	s11 =	sadd.s32 s6, s14;
	[dreg:$0x14] =	wrdreg s18  }
0x1c: {  	[dreg:$0x16] =	wrdreg s25;
	s21 =	sadd.s32 s2, s26;
	s22 =	sadd.s32 s2, s30  }
0x1d: {  	s25 =	sadd.s32 s3, s20;
	s26 =	sadd.s32 s3, s26;
	s28 =	sadd.s32 s3, s30  }
.Ltmp0:
0x1e: {  	s17 =	sadd.s32 s9, s23;
	s20 =	simm.s32 $0x800;
	(pc) =	sbr.rel .LBB2_1-.Ltmp0, $4  }
0x1f: {  	s2 =	simm.s32 $0x4800;
	s3 =	simm.s32 $0x5000;
	s5 =	simm.s32 $0x6000  }
0x20: {  	s6 =	simm.s32 $0x4;
	s9 =	simm.s32 $0x4400;
	[dreg:$0x10] =	wrdreg s10  }
0x21: {  	s14 =	simm.s32 $0x8000;
	s15 =	simm.s32 $0x3;
	[dreg:$0x12] =	wrdreg s11  }
0x22: {  	s10 =	simm.s32 $0x1;
	s11 =	simm.s32 $0x6800;
	_ =	strace $0x8000004A  }
.LBB2_5:
0x23: {  	_ =	swait.ge [sflag:s10], $0x800  }
0x24: {  	[sflag:s10] =	ssyncset.done $0x0  }
0x25: {  	[sflag:s10] =	ssyncadd.s32 $0xFFFFF800  }
0x26: {  	[tilespmem:s11], [sflag:$0x2] =	stream.indirect.gather [spmem:s23], $0x1, s2, s20, $0xb8;
	[tilespmem:$0xA280] =	vst v63  }
0x27: {  	_ =	swait.ge [sflag:s10], $0x800  }
0x28: {  	[sflag:s10] =	ssyncset.done $0x0  }
0x29: {  	[sflag:s10] =	ssyncadd.s32 $0xFFFFF800  }
0x2a: {  	[tilespmem:s12], [sflag:$0x2] =	stream.indirect.gather [spmem:s23], $0x1, s3, s20, $0xb8;
	[tilespmem:$0xA280] =	vst v63  }
0x2b: {  	_ =	swait.ge [sflag:s10], $0x800  }
0x2c: {  	[sflag:s10] =	ssyncset.done $0x0  }
0x2d: {  	[sflag:s10] =	ssyncadd.s32 $0xFFFFF800  }
0x2e: {  	[tilespmem:s13], [sflag:$0x2] =	stream.indirect.gather [spmem:s23], $0x1, s4, s20, $0xb8;
	[tilespmem:$0xA280] =	vst v63  }
0x2f: {  	_ =	swait.ge [sflag:s10], $0x800  }
0x30: {  	[sflag:s10] =	ssyncset.done $0x0  }
0x31: {  	[sflag:s10] =	ssyncadd.s32 $0xFFFFF800  }
0x32: {  	[tilespmem:s14], [sflag:$0x2] =	stream.indirect.gather [spmem:s23], $0x1, s5, s20, $0xb8;
	[tilespmem:$0xA280] =	vst v63  }
0x33: {  	_ =	swait.ge [sflag:s7], $0x800  }
0x34: {  	[sflag:s7] =	ssyncset.done $0x0  }
0x35: {  	[sflag:s7] =	ssyncadd.s32 $0xFFFFF800  }
0x36: {  	[hbm4b:s24+s0] =	stream.linear.scatter [tilespmem:s11], [sflag:$0x3], $0x800, $0x38;
	[tilespmem:$0xA280] =	vst v63  }
0x37: {  	_ =	swait.ge [sflag:s7], $0x800  }
0x38: {  	[sflag:s7] =	ssyncset.done $0x0  }
0x39: {  	[sflag:s7] =	ssyncadd.s32 $0xFFFFF800  }
0x3a: {  	[hbm4b:s25+s0] =	stream.linear.scatter [tilespmem:s12], [sflag:$0x3], $0x800, $0x38;
	[tilespmem:$0xA280] =	vst v63  }
0x3b: {  	_ =	swait.ge [sflag:s7], $0x800  }
0x3c: {  	[sflag:s7] =	ssyncset.done $0x0  }
0x3d: {  	[sflag:s7] =	ssyncadd.s32 $0xFFFFF800  }
0x3e: {  	[hbm4b:s26+s0] =	stream.linear.scatter [tilespmem:s13], [sflag:$0x3], $0x800, $0x38;
	[tilespmem:$0xA280] =	vst v63  }
0x3f: {  	_ =	swait.ge [sflag:s7], $0x800  }
0x40: {  	[sflag:s7] =	ssyncset.done $0x0  }
0x41: {  	[sflag:s7] =	ssyncadd.s32 $0xFFFFF800  }
0x42: {  	[hbm4b:s28+s0] =	stream.linear.scatter [tilespmem:s14], [sflag:$0x3], $0x800, $0x38;
	[tilespmem:$0xA280] =	vst v63  }
0x43: {  	_ =	swait.ge [sflag:s15], $0x800  }
0x44: {  	[sflag:s15] =	ssyncset.done $0x0  }
0x45: {  	[sflag:s15] =	ssyncadd.s32 $0xFFFFF800  }
0x46: {  	_ =	swait.ge [sflag:s15], $0x800  }
0x47: {  	[sflag:s15] =	ssyncset.done $0x0  }
0x48: {  	s16 =	sadd.s32 $0x1, s16;
	[sflag:s15] =	ssyncadd.s32 $0xFFFFF800  }
0x49: {  	p2 =	sne.s32 s16, s31;
	_ =	swait.ge [sflag:s15], $0x800  }
.Ltmp1:
0x4a: {  	[sflag:s15] =	ssyncset.done $0x0;
	(pc) =	sbr.rel @!p2 .LBB2_6-.Ltmp1, $4  }
0x4b: {  	[sflag:s15] =	ssyncadd.s32 $0xFFFFF800  }
0x4c: {  	_ =	swait.ge [sflag:s15], $0x800  }
0x4d: {  	[sflag:s15] =	ssyncset.done $0x0  }
0x4e: {  	[sflag:s15] =	ssyncadd.s32 $0xFFFFF800  }
.LBB2_1:
0x4f: {  	s18 =	rddreg [dreg:$0x5]  }
0x50: {  	[tilespmem:s0], [sflag:$0x2] =	stream.linear.gather [hbm4b:s18+s0], $0x400, $0x38;
	[tilespmem:$0xA280] =	vst v63  }
0x51: {  	s19 =	simm.s32 $0x2000;
	s18 =	rddreg [dreg:$0x6]  }
0x52: {  	[tilespmem:s19], [sflag:$0x2] =	stream.linear.gather [hbm4b:s18+s0], $0x400, $0x38;
	[tilespmem:$0xA280] =	vst v63  }
0x53: {  	s19 =	rddreg [dreg:$0x7]  }
0x54: {  	[tilespmem:s1], [sflag:$0x2] =	stream.linear.gather [hbm4b:s19+s0], $0x400, $0x38;
	[tilespmem:$0xA280] =	vst v63  }
0x55: {  	s18 =	rddreg [dreg:$0x8];
	s19 =	simm.s32 $0x2400  }
0x56: {  	[tilespmem:s19], [sflag:$0x2] =	stream.linear.gather [hbm4b:s18+s0], $0x400, $0x38;
	[tilespmem:$0xA280] =	vst v63  }
0x57: {  	s19 =	rddreg [dreg:$0x9]  }
0x58: {  	[tilespmem:s20], [sflag:$0x2] =	stream.linear.gather [hbm4b:s19+s0], $0x400, $0x38;
	[tilespmem:$0xA280] =	vst v63  }
0x59: {  	s18 =	rddreg [dreg:$0xa];
	s19 =	simm.s32 $0x2800  }
0x5a: {  	[tilespmem:s19], [sflag:$0x2] =	stream.linear.gather [hbm4b:s18+s0], $0x400, $0x38;
	[tilespmem:$0xA280] =	vst v63  }
0x5b: {  	s18 =	rddreg [dreg:$0xb];
	s19 =	simm.s32 $0xC00  }
0x5c: {  	[tilespmem:s19], [sflag:$0x2] =	stream.linear.gather [hbm4b:s18+s0], $0x400, $0x38;
	[tilespmem:$0xA280] =	vst v63  }
0x5d: {  	s18 =	rddreg [dreg:$0xc];
	s19 =	simm.s32 $0x2C00  }
0x5e: {  	[tilespmem:s19], [sflag:$0x2] =	stream.linear.gather [hbm4b:s18+s0], $0x400, $0x38;
	[tilespmem:$0xA280] =	vst v63  }
0x5f: {  	s18 =	rddreg [dreg:$0xd];
	s19 =	simm.s32 $0x1000  }
0x60: {  	[tilespmem:s19], [sflag:$0x2] =	stream.linear.gather [hbm4b:s18+s0], $0x400, $0x38;
	[tilespmem:$0xA280] =	vst v63  }
0x61: {  	s18 =	rddreg [dreg:$0xe];
	s19 =	simm.s32 $0x3000  }
0x62: {  	[tilespmem:s19], [sflag:$0x2] =	stream.linear.gather [hbm4b:s18+s0], $0x400, $0x38;
	[tilespmem:$0xA280] =	vst v63  }
0x63: {  	s18 =	rddreg [dreg:$0xf];
	s19 =	simm.s32 $0x1400  }
0x64: {  	[tilespmem:s19], [sflag:$0x2] =	stream.linear.gather [hbm4b:s18+s0], $0x400, $0x38;
	[tilespmem:$0xA280] =	vst v63  }
0x65: {  	s18 =	rddreg [dreg:$0x10];
	s19 =	simm.s32 $0x3400  }
0x66: {  	[tilespmem:s19], [sflag:$0x2] =	stream.linear.gather [hbm4b:s18+s0], $0x400, $0x38;
	[tilespmem:$0xA280] =	vst v63  }
0x67: {  	s18 =	rddreg [dreg:$0x11];
	s19 =	simm.s32 $0x1800  }
0x68: {  	[tilespmem:s19], [sflag:$0x2] =	stream.linear.gather [hbm4b:s18+s0], $0x400, $0x38;
	[tilespmem:$0xA280] =	vst v63  }
0x69: {  	s18 =	rddreg [dreg:$0x12];
	s19 =	simm.s32 $0x3800  }
0x6a: {  	[tilespmem:s19], [sflag:$0x2] =	stream.linear.gather [hbm4b:s18+s0], $0x400, $0x38;
	[tilespmem:$0xA280] =	vst v63  }
0x6b: {  	s18 =	rddreg [dreg:$0x13];
	s19 =	simm.s32 $0x1C00  }
0x6c: {  	[tilespmem:s19], [sflag:$0x2] =	stream.linear.gather [hbm4b:s18+s0], $0x400, $0x38;
	[tilespmem:$0xA280] =	vst v63  }
0x6d: {  	s18 =	rddreg [dreg:$0x14];
	s19 =	simm.s32 $0x3C00  }
0x6e: {  	[tilespmem:s19], [sflag:$0x2] =	stream.linear.gather [hbm4b:s18+s0], $0x400, $0x38;
	[tilespmem:$0xA280] =	vst v63  }
0x6f: {  	s19 =	rddreg [dreg:$0x15]  }
0x70: {  	[tilespmem:s2], [sflag:$0x1] =	stream.linear.gather [hbm4b:s19+s0], $0x800, $0x38;
	[tilespmem:$0xA280] =	vst v63  }
0x71: {  	s19 =	rddreg [dreg:$0x16]  }
0x72: {  	[tilespmem:s3], [sflag:$0x1] =	stream.linear.gather [hbm4b:s19+s0], $0x800, $0x38;
	[tilespmem:$0xA280] =	vst v63  }
0x73: {  	_ = 	snop  }
0x74: {  	[tilespmem:s4], [sflag:$0x1] =	stream.linear.gather [hbm4b:s21+s0], $0x800, $0x38;
	[tilespmem:$0xA280] =	vst v63  }
0x75: {  	_ = 	snop  }
0x76: {  	[tilespmem:s5], [sflag:$0x1] =	stream.linear.gather [hbm4b:s22+s0], $0x800, $0x38;
	[tilespmem:$0xA280] =	vst v63  }
0x77: {  	s19 =	simm.s32 $0x8800  }
0x78: {  	[tilespmem:s19], [sflag:$0x4] =	stream.linear.gather [hbm4b:s29+s0], $0x80, $0x38;
	[tilespmem:$0xA280] =	vst v63  }
0x79: {  	_ =	swait.ge [sflag:s6], $0x80  }
0x7a: {  	[sflag:s6] =	ssyncset.done $0x0  }
0x7b: {  	s18 =	simm.s32 @!p0 $0x8800;
	[sflag:s6] =	ssyncadd.s32 $0xFFFFFF80  }
0x7c: {  	[spmem:s23] =	stream.linear.scatter @!p0 [tilespmem:s18], [sflag:$0x4], $0x80, $0x38;
	[tilespmem:$0xA280] =	vst v63  }
0x7d: {  	s18 =	simm.s32 @!p0 $0x4  }
0x7e: {  	_ =	swait.ge @!p0 [sflag:s18], $0x80  }
0x7f: {  	[sflag:s18] =	ssyncset.done @!p0 $0x0  }
0x80: {  	[sflag:s18] =	ssyncadd.s32 @!p0 $0xFFFFFF80  }
0x81: {  	_ =	swait.ge [sflag:s7], $0x400  }
0x82: {  	[sflag:s7] =	ssyncset.done $0x0  }
0x83: {  	[sflag:s7] =	ssyncadd.s32 $0xFFFFFC00  }
0x84: {  	_ =	swait.ge [sflag:s7], $0x400  }
0x85: {  	[sflag:s7] =	ssyncset.done $0x0  }
0x86: {  	[sflag:s7] =	ssyncadd.s32 $0xFFFFFC00  }
0x87: {  	_ =	swait.ge [sflag:s7], $0x400  }
0x88: {  	[sflag:s7] =	ssyncset.done $0x0  }
0x89: {  	[sflag:s7] =	ssyncadd.s32 $0xFFFFFC00  }
0x8a: {  	_ =	swait.ge [sflag:s7], $0x400  }
0x8b: {  	[sflag:s7] =	ssyncset.done $0x0  }
0x8c: {  	[sflag:s7] =	ssyncadd.s32 $0xFFFFFC00  }
0x8d: {  	_ =	swait.ge [sflag:s7], $0x400  }
0x8e: {  	[sflag:s7] =	ssyncset.done $0x0  }
0x8f: {  	[sflag:s7] =	ssyncadd.s32 $0xFFFFFC00  }
0x90: {  	_ =	swait.ge [sflag:s7], $0x400  }
0x91: {  	[sflag:s7] =	ssyncset.done $0x0  }
0x92: {  	[sflag:s7] =	ssyncadd.s32 $0xFFFFFC00  }
0x93: {  	_ =	swait.ge [sflag:s7], $0x400  }
0x94: {  	[sflag:s7] =	ssyncset.done $0x0  }
0x95: {  	[sflag:s7] =	ssyncadd.s32 $0xFFFFFC00  }
0x96: {  	_ =	swait.ge [sflag:s7], $0x400  }
0x97: {  	[sflag:s7] =	ssyncset.done $0x0  }
0x98: {  	[sflag:s7] =	ssyncadd.s32 $0xFFFFFC00  }
0x99: {  	_ =	swait.ge [sflag:s7], $0x400  }
0x9a: {  	[sflag:s7] =	ssyncset.done $0x0  }
0x9b: {  	[sflag:s7] =	ssyncadd.s32 $0xFFFFFC00  }
0x9c: {  	_ =	swait.ge [sflag:s7], $0x400  }
0x9d: {  	[sflag:s7] =	ssyncset.done $0x0  }
0x9e: {  	[sflag:s7] =	ssyncadd.s32 $0xFFFFFC00  }
0x9f: {  	_ =	swait.ge [sflag:s7], $0x400  }
0xa0: {  	[sflag:s7] =	ssyncset.done $0x0  }
0xa1: {  	[sflag:s7] =	ssyncadd.s32 $0xFFFFFC00  }
0xa2: {  	_ =	swait.ge [sflag:s7], $0x400  }
0xa3: {  	[sflag:s7] =	ssyncset.done $0x0  }
0xa4: {  	[sflag:s7] =	ssyncadd.s32 $0xFFFFFC00  }
0xa5: {  	_ =	swait.ge [sflag:s7], $0x400  }
0xa6: {  	[sflag:s7] =	ssyncset.done $0x0  }
0xa7: {  	[sflag:s7] =	ssyncadd.s32 $0xFFFFFC00  }
0xa8: {  	_ =	swait.ge [sflag:s7], $0x400  }
0xa9: {  	[sflag:s7] =	ssyncset.done $0x0  }
0xaa: {  	[sflag:s7] =	ssyncadd.s32 $0xFFFFFC00  }
0xab: {  	_ =	swait.ge [sflag:s7], $0x400  }
0xac: {  	[sflag:s7] =	ssyncset.done $0x0  }
0xad: {  	[sflag:s7] =	ssyncadd.s32 $0xFFFFFC00  }
.Ltmp2:
0xae: {  	_ =	swait.ge [sflag:s7], $0x400;
	(pc) =	sbr.rel .LBB2_2-.Ltmp2, $4  }
0xaf: {  	[sflag:s7] =	ssyncset.done $0x0  }
0xb0: {  	[sflag:s7] =	ssyncadd.s32 $0xFFFFFC00  }
0xb1: {  	[bflag:$0x0] =	sbarrier.arrive $0xFFFF  }
0xb2: {  	s30 =	smov.u32 s17;
	s18 =	simm.s32 $0x0  }
.LBB2_4:
0xb3: {  	s18 =	sadd.s32 $0x1000, s18  }
0xb4: {  	p2 =	sne.s32 s18, $0x8000  }
.Ltmp3:
0xb5: {  	_ = 	snop;
	(pc) =	sbr.rel @!p2 .LBB2_5-.Ltmp3, $3  }
0xb6: {  	_ =	sdelay $0x1  }
0xb7: {  	[bflag:$0x0] =	sbarrier.arrive $0xFFFF  }
0xb8: {  	s30 =	sadd.s32 $0x3400, s30  }
.LBB2_2:
.Ltmp4:
0xb9: {  	(pc) =	sbr.rel @p1 .LBB2_4-.Ltmp4, $1  }
0xba: {  	_ =	sdelay $0x3  }
0xbb: {  	s19 =	sshra.s32 s18, $0x2  }
0xbc: {  	[tilespmem:s8], [sflag:$0x2] =	stream.indirect.gather [spmem:s23], $0x1, s19, s1, $0xb8;
	[tilespmem:$0xA280] =	vst v63  }
0xbd: {  	_ =	swait.ge [sflag:s7], $0x400  }
0xbe: {  	[sflag:s7] =	ssyncset.done $0x0  }
0xbf: {  	[sflag:s7] =	ssyncadd.s32 $0xFFFFFC00  }
0xc0: {  	v0 =	vld [tilespmem:s19+$0x2000]  }
0xc1: {  	v1 =	vld [tilespmem:$0x4000];
	_ =	sdelay $0x4  }
0xc2: {  	v0 =	vadd.f32 v1, v0;
	_ =	sdelay $0x1  }
0xc3: {  	v61 =	vld [tilespmem:$0x4010];
	[tilespmem:$0x4400] =	vst v0  }
0xc4: {  	v0 =	vld [tilespmem:s19+$0x2010];
	_ =	sdelay $0x4  }
0xc5: {  	v0 =	vadd.f32 v61, v0;
	_ =	sdelay $0x1  }
0xc6: {  	v62 =	vld [tilespmem:$0x4020];
	[tilespmem:$0x4410] =	vst v0  }
0xc7: {  	v0 =	vld [tilespmem:s19+$0x2020];
	_ =	sdelay $0x4  }
0xc8: {  	v0 =	vadd.f32 v62, v0;
	_ =	sdelay $0x1  }
0xc9: {  	v63 =	vld [tilespmem:$0x4030];
	[tilespmem:$0x4420] =	vst v0  }
0xca: {  	v0 =	vld [tilespmem:s19+$0x2030];
	_ =	sdelay $0x4  }
0xcb: {  	v0 =	vadd.f32 v63, v0;
	_ =	sdelay $0x1  }
0xcc: {  	v4 =	vld [tilespmem:$0x4040];
	[tilespmem:$0x4430] =	vst v0  }
0xcd: {  	v0 =	vld [tilespmem:s19+$0x2040];
	_ =	sdelay $0x4  }
0xce: {  	v0 =	vadd.f32 v4, v0;
	_ =	sdelay $0x1  }
0xcf: {  	v5 =	vld [tilespmem:$0x4050];
	[tilespmem:$0x4440] =	vst v0  }
0xd0: {  	v0 =	vld [tilespmem:s19+$0x2050];
	_ =	sdelay $0x4  }
0xd1: {  	v0 =	vadd.f32 v5, v0;
	_ =	sdelay $0x1  }
0xd2: {  	v6 =	vld [tilespmem:$0x4060];
	[tilespmem:$0x4450] =	vst v0  }
0xd3: {  	v0 =	vld [tilespmem:s19+$0x2060];
	_ =	sdelay $0x4  }
0xd4: {  	v0 =	vadd.f32 v6, v0;
	_ =	sdelay $0x1  }
0xd5: {  	v7 =	vld [tilespmem:$0x4070];
	[tilespmem:$0x4460] =	vst v0  }
0xd6: {  	v0 =	vld [tilespmem:s19+$0x2070];
	_ =	sdelay $0x4  }
0xd7: {  	v0 =	vadd.f32 v7, v0;
	_ =	sdelay $0x1  }
0xd8: {  	v8 =	vld [tilespmem:$0x4080];
	[tilespmem:$0x4470] =	vst v0  }
0xd9: {  	v0 =	vld [tilespmem:s19+$0x2080];
	_ =	sdelay $0x4  }
0xda: {  	v0 =	vadd.f32 v8, v0;
	_ =	sdelay $0x1  }
0xdb: {  	v9 =	vld [tilespmem:$0x4090];
	[tilespmem:$0x4480] =	vst v0  }
0xdc: {  	v0 =	vld [tilespmem:s19+$0x2090];
	_ =	sdelay $0x4  }
0xdd: {  	v0 =	vadd.f32 v9, v0;
	_ =	sdelay $0x1  }
0xde: {  	v10 =	vld [tilespmem:$0x40A0];
	[tilespmem:$0x4490] =	vst v0  }
0xdf: {  	v0 =	vld [tilespmem:s19+$0x20A0];
	_ =	sdelay $0x4  }
0xe0: {  	v0 =	vadd.f32 v10, v0;
	_ =	sdelay $0x1  }
0xe1: {  	v11 =	vld [tilespmem:$0x40B0];
	[tilespmem:$0x44A0] =	vst v0  }
0xe2: {  	v0 =	vld [tilespmem:s19+$0x20B0];
	_ =	sdelay $0x4  }
0xe3: {  	v0 =	vadd.f32 v11, v0;
	_ =	sdelay $0x1  }
0xe4: {  	v12 =	vld [tilespmem:$0x40C0];
	[tilespmem:$0x44B0] =	vst v0  }
0xe5: {  	v0 =	vld [tilespmem:s19+$0x20C0];
	_ =	sdelay $0x4  }
0xe6: {  	v0 =	vadd.f32 v12, v0;
	_ =	sdelay $0x1  }
0xe7: {  	v13 =	vld [tilespmem:$0x40D0];
	[tilespmem:$0x44C0] =	vst v0  }
0xe8: {  	v0 =	vld [tilespmem:s19+$0x20D0];
	_ =	sdelay $0x4  }
0xe9: {  	v0 =	vadd.f32 v13, v0;
	_ =	sdelay $0x1  }
0xea: {  	v14 =	vld [tilespmem:$0x40E0];
	[tilespmem:$0x44D0] =	vst v0  }
0xeb: {  	v0 =	vld [tilespmem:s19+$0x20E0];
	_ =	sdelay $0x4  }
0xec: {  	v0 =	vadd.f32 v14, v0;
	_ =	sdelay $0x1  }
0xed: {  	v15 =	vld [tilespmem:$0x40F0];
	[tilespmem:$0x44E0] =	vst v0  }
0xee: {  	v0 =	vld [tilespmem:s19+$0x20F0];
	_ =	sdelay $0x4  }
0xef: {  	v0 =	vadd.f32 v15, v0;
	_ =	sdelay $0x1  }
0xf0: {  	v16 =	vld [tilespmem:$0x4100];
	[tilespmem:$0x44F0] =	vst v0  }
0xf1: {  	v0 =	vld [tilespmem:s19+$0x2100];
	_ =	sdelay $0x4  }
0xf2: {  	v0 =	vadd.f32 v16, v0;
	_ =	sdelay $0x1  }
0xf3: {  	v17 =	vld [tilespmem:$0x4110];
	[tilespmem:$0x4500] =	vst v0  }
0xf4: {  	v0 =	vld [tilespmem:s19+$0x2110];
	_ =	sdelay $0x4  }
0xf5: {  	v0 =	vadd.f32 v17, v0;
	_ =	sdelay $0x1  }
0xf6: {  	v18 =	vld [tilespmem:$0x4120];
	[tilespmem:$0x4510] =	vst v0  }
0xf7: {  	v0 =	vld [tilespmem:s19+$0x2120];
	_ =	sdelay $0x4  }
0xf8: {  	v0 =	vadd.f32 v18, v0;
	_ =	sdelay $0x1  }
0xf9: {  	v19 =	vld [tilespmem:$0x4130];
	[tilespmem:$0x4520] =	vst v0  }
0xfa: {  	v0 =	vld [tilespmem:s19+$0x2130];
	_ =	sdelay $0x4  }
0xfb: {  	v0 =	vadd.f32 v19, v0;
	_ =	sdelay $0x1  }
0xfc: {  	v20 =	vld [tilespmem:$0x4140];
	[tilespmem:$0x4530] =	vst v0  }
0xfd: {  	v0 =	vld [tilespmem:s19+$0x2140];
	_ =	sdelay $0x4  }
0xfe: {  	v0 =	vadd.f32 v20, v0;
	_ =	sdelay $0x1  }
0xff: {  	v21 =	vld [tilespmem:$0x4150];
	[tilespmem:$0x4540] =	vst v0  }
0x100: {  	v0 =	vld [tilespmem:s19+$0x2150];
	_ =	sdelay $0x4  }
0x101: {  	v0 =	vadd.f32 v21, v0;
	_ =	sdelay $0x1  }
0x102: {  	v22 =	vld [tilespmem:$0x4160];
	[tilespmem:$0x4550] =	vst v0  }
0x103: {  	v0 =	vld [tilespmem:s19+$0x2160];
	_ =	sdelay $0x4  }
0x104: {  	v0 =	vadd.f32 v22, v0;
	_ =	sdelay $0x1  }
0x105: {  	v23 =	vld [tilespmem:$0x4170];
	[tilespmem:$0x4560] =	vst v0  }
0x106: {  	v0 =	vld [tilespmem:s19+$0x2170];
	_ =	sdelay $0x4  }
0x107: {  	v0 =	vadd.f32 v23, v0;
	_ =	sdelay $0x1  }
0x108: {  	v24 =	vld [tilespmem:$0x4180];
	[tilespmem:$0x4570] =	vst v0  }
0x109: {  	v0 =	vld [tilespmem:s19+$0x2180];
	_ =	sdelay $0x4  }
0x10a: {  	v0 =	vadd.f32 v24, v0;
	_ =	sdelay $0x1  }
0x10b: {  	v25 =	vld [tilespmem:$0x4190];
	[tilespmem:$0x4580] =	vst v0  }
0x10c: {  	v0 =	vld [tilespmem:s19+$0x2190];
	_ =	sdelay $0x4  }
0x10d: {  	v0 =	vadd.f32 v25, v0;
	_ =	sdelay $0x1  }
0x10e: {  	v26 =	vld [tilespmem:$0x41A0];
	[tilespmem:$0x4590] =	vst v0  }
0x10f: {  	v0 =	vld [tilespmem:s19+$0x21A0];
	_ =	sdelay $0x4  }
0x110: {  	v0 =	vadd.f32 v26, v0;
	_ =	sdelay $0x1  }
0x111: {  	v27 =	vld [tilespmem:$0x41B0];
	[tilespmem:$0x45A0] =	vst v0  }
0x112: {  	v0 =	vld [tilespmem:s19+$0x21B0];
	_ =	sdelay $0x4  }
0x113: {  	v0 =	vadd.f32 v27, v0;
	_ =	sdelay $0x1  }
0x114: {  	v28 =	vld [tilespmem:$0x41C0];
	[tilespmem:$0x45B0] =	vst v0  }
0x115: {  	v0 =	vld [tilespmem:s19+$0x21C0];
	_ =	sdelay $0x4  }
0x116: {  	v0 =	vadd.f32 v28, v0;
	_ =	sdelay $0x1  }
0x117: {  	v29 =	vld [tilespmem:$0x41D0];
	[tilespmem:$0x45C0] =	vst v0  }
0x118: {  	v0 =	vld [tilespmem:s19+$0x21D0];
	_ =	sdelay $0x4  }
0x119: {  	v0 =	vadd.f32 v29, v0;
	_ =	sdelay $0x1  }
0x11a: {  	v30 =	vld [tilespmem:$0x41E0];
	[tilespmem:$0x45D0] =	vst v0  }
0x11b: {  	v0 =	vld [tilespmem:s19+$0x21E0];
	_ =	sdelay $0x4  }
0x11c: {  	v0 =	vadd.f32 v30, v0;
	_ =	sdelay $0x1  }
0x11d: {  	v31 =	vld [tilespmem:$0x41F0];
	[tilespmem:$0x45E0] =	vst v0  }
0x11e: {  	v0 =	vld [tilespmem:s19+$0x21F0];
	_ =	sdelay $0x4  }
0x11f: {  	v0 =	vadd.f32 v31, v0;
	_ =	sdelay $0x1  }
0x120: {  	v32 =	vld [tilespmem:$0x4200];
	[tilespmem:$0x45F0] =	vst v0  }
0x121: {  	v0 =	vld [tilespmem:s19+$0x2200];
	_ =	sdelay $0x4  }
0x122: {  	v0 =	vadd.f32 v32, v0;
	_ =	sdelay $0x1  }
0x123: {  	v33 =	vld [tilespmem:$0x4210];
	[tilespmem:$0x4600] =	vst v0  }
0x124: {  	v0 =	vld [tilespmem:s19+$0x2210];
	_ =	sdelay $0x4  }
0x125: {  	v0 =	vadd.f32 v33, v0;
	_ =	sdelay $0x1  }
0x126: {  	v34 =	vld [tilespmem:$0x4220];
	[tilespmem:$0x4610] =	vst v0  }
0x127: {  	v0 =	vld [tilespmem:s19+$0x2220];
	_ =	sdelay $0x4  }
0x128: {  	v0 =	vadd.f32 v34, v0;
	_ =	sdelay $0x1  }
0x129: {  	v35 =	vld [tilespmem:$0x4230];
	[tilespmem:$0x4620] =	vst v0  }
0x12a: {  	v0 =	vld [tilespmem:s19+$0x2230];
	_ =	sdelay $0x4  }
0x12b: {  	v0 =	vadd.f32 v35, v0;
	_ =	sdelay $0x1  }
0x12c: {  	v36 =	vld [tilespmem:$0x4240];
	[tilespmem:$0x4630] =	vst v0  }
0x12d: {  	v0 =	vld [tilespmem:s19+$0x2240];
	_ =	sdelay $0x4  }
0x12e: {  	v0 =	vadd.f32 v36, v0;
	_ =	sdelay $0x1  }
0x12f: {  	v37 =	vld [tilespmem:$0x4250];
	[tilespmem:$0x4640] =	vst v0  }
0x130: {  	v0 =	vld [tilespmem:s19+$0x2250];
	_ =	sdelay $0x4  }
0x131: {  	v0 =	vadd.f32 v37, v0;
	_ =	sdelay $0x1  }
0x132: {  	v38 =	vld [tilespmem:$0x4260];
	[tilespmem:$0x4650] =	vst v0  }
0x133: {  	v0 =	vld [tilespmem:s19+$0x2260];
	_ =	sdelay $0x4  }
0x134: {  	v0 =	vadd.f32 v38, v0;
	_ =	sdelay $0x1  }
0x135: {  	v39 =	vld [tilespmem:$0x4270];
	[tilespmem:$0x4660] =	vst v0  }
0x136: {  	v0 =	vld [tilespmem:s19+$0x2270];
	_ =	sdelay $0x4  }
0x137: {  	v0 =	vadd.f32 v39, v0;
	_ =	sdelay $0x1  }
0x138: {  	v40 =	vld [tilespmem:$0x4280];
	[tilespmem:$0x4670] =	vst v0  }
0x139: {  	v0 =	vld [tilespmem:s19+$0x2280];
	_ =	sdelay $0x4  }
0x13a: {  	v0 =	vadd.f32 v40, v0;
	_ =	sdelay $0x1  }
0x13b: {  	v41 =	vld [tilespmem:$0x4290];
	[tilespmem:$0x4680] =	vst v0  }
0x13c: {  	v0 =	vld [tilespmem:s19+$0x2290];
	_ =	sdelay $0x4  }
0x13d: {  	v0 =	vadd.f32 v41, v0;
	_ =	sdelay $0x1  }
0x13e: {  	v42 =	vld [tilespmem:$0x42A0];
	[tilespmem:$0x4690] =	vst v0  }
0x13f: {  	v0 =	vld [tilespmem:s19+$0x22A0];
	_ =	sdelay $0x4  }
0x140: {  	v0 =	vadd.f32 v42, v0;
	_ =	sdelay $0x1  }
0x141: {  	v43 =	vld [tilespmem:$0x42B0];
	[tilespmem:$0x46A0] =	vst v0  }
0x142: {  	v0 =	vld [tilespmem:s19+$0x22B0];
	_ =	sdelay $0x4  }
0x143: {  	v0 =	vadd.f32 v43, v0;
	_ =	sdelay $0x1  }
0x144: {  	v44 =	vld [tilespmem:$0x42C0];
	[tilespmem:$0x46B0] =	vst v0  }
0x145: {  	v0 =	vld [tilespmem:s19+$0x22C0];
	_ =	sdelay $0x4  }
0x146: {  	v0 =	vadd.f32 v44, v0;
	_ =	sdelay $0x1  }
0x147: {  	v45 =	vld [tilespmem:$0x42D0];
	[tilespmem:$0x46C0] =	vst v0  }
0x148: {  	v0 =	vld [tilespmem:s19+$0x22D0];
	_ =	sdelay $0x4  }
0x149: {  	v0 =	vadd.f32 v45, v0;
	_ =	sdelay $0x1  }
0x14a: {  	v46 =	vld [tilespmem:$0x42E0];
	[tilespmem:$0x46D0] =	vst v0  }
0x14b: {  	v0 =	vld [tilespmem:s19+$0x22E0];
	_ =	sdelay $0x4  }
0x14c: {  	v0 =	vadd.f32 v46, v0;
	_ =	sdelay $0x1  }
0x14d: {  	v47 =	vld [tilespmem:$0x42F0];
	[tilespmem:$0x46E0] =	vst v0  }
0x14e: {  	v0 =	vld [tilespmem:s19+$0x22F0];
	_ =	sdelay $0x4  }
0x14f: {  	v0 =	vadd.f32 v47, v0;
	_ =	sdelay $0x1  }
0x150: {  	v48 =	vld [tilespmem:$0x4300];
	[tilespmem:$0x46F0] =	vst v0  }
0x151: {  	v0 =	vld [tilespmem:s19+$0x2300];
	_ =	sdelay $0x4  }
0x152: {  	v0 =	vadd.f32 v48, v0;
	_ =	sdelay $0x1  }
0x153: {  	v49 =	vld [tilespmem:$0x4310];
	[tilespmem:$0x4700] =	vst v0  }
0x154: {  	v0 =	vld [tilespmem:s19+$0x2310];
	_ =	sdelay $0x4  }
0x155: {  	v0 =	vadd.f32 v49, v0;
	_ =	sdelay $0x1  }
0x156: {  	v50 =	vld [tilespmem:$0x4320];
	[tilespmem:$0x4710] =	vst v0  }
0x157: {  	v0 =	vld [tilespmem:s19+$0x2320];
	_ =	sdelay $0x4  }
0x158: {  	v0 =	vadd.f32 v50, v0;
	_ =	sdelay $0x1  }
0x159: {  	v51 =	vld [tilespmem:$0x4330];
	[tilespmem:$0x4720] =	vst v0  }
0x15a: {  	v0 =	vld [tilespmem:s19+$0x2330];
	_ =	sdelay $0x4  }
0x15b: {  	v0 =	vadd.f32 v51, v0;
	_ =	sdelay $0x1  }
0x15c: {  	v52 =	vld [tilespmem:$0x4340];
	[tilespmem:$0x4730] =	vst v0  }
0x15d: {  	v0 =	vld [tilespmem:s19+$0x2340];
	_ =	sdelay $0x4  }
0x15e: {  	v0 =	vadd.f32 v52, v0;
	_ =	sdelay $0x1  }
0x15f: {  	v53 =	vld [tilespmem:$0x4350];
	[tilespmem:$0x4740] =	vst v0  }
0x160: {  	v0 =	vld [tilespmem:s19+$0x2350];
	_ =	sdelay $0x4  }
0x161: {  	v0 =	vadd.f32 v53, v0;
	_ =	sdelay $0x1  }
0x162: {  	v54 =	vld [tilespmem:$0x4360];
	[tilespmem:$0x4750] =	vst v0  }
0x163: {  	v0 =	vld [tilespmem:s19+$0x2360];
	_ =	sdelay $0x4  }
0x164: {  	v0 =	vadd.f32 v54, v0;
	_ =	sdelay $0x1  }
0x165: {  	v55 =	vld [tilespmem:$0x4370];
	[tilespmem:$0x4760] =	vst v0  }
0x166: {  	v0 =	vld [tilespmem:s19+$0x2370];
	_ =	sdelay $0x4  }
0x167: {  	v0 =	vadd.f32 v55, v0;
	_ =	sdelay $0x1  }
0x168: {  	v56 =	vld [tilespmem:$0x4380];
	[tilespmem:$0x4770] =	vst v0  }
0x169: {  	v0 =	vld [tilespmem:s19+$0x2380];
	_ =	sdelay $0x4  }
0x16a: {  	v0 =	vadd.f32 v56, v0;
	_ =	sdelay $0x1  }
0x16b: {  	v57 =	vld [tilespmem:$0x4390];
	[tilespmem:$0x4780] =	vst v0  }
0x16c: {  	v0 =	vld [tilespmem:s19+$0x2390];
	_ =	sdelay $0x4  }
0x16d: {  	v0 =	vadd.f32 v57, v0;
	_ =	sdelay $0x1  }
0x16e: {  	v58 =	vld [tilespmem:$0x43A0];
	[tilespmem:$0x4790] =	vst v0  }
0x16f: {  	v0 =	vld [tilespmem:s19+$0x23A0];
	_ =	sdelay $0x4  }
0x170: {  	v0 =	vadd.f32 v58, v0;
	_ =	sdelay $0x1  }
0x171: {  	v59 =	vld [tilespmem:$0x43B0];
	[tilespmem:$0x47A0] =	vst v0  }
0x172: {  	v0 =	vld [tilespmem:s19+$0x23B0];
	_ =	sdelay $0x4  }
0x173: {  	v0 =	vadd.f32 v59, v0;
	_ =	sdelay $0x1  }
0x174: {  	v60 =	vld [tilespmem:$0x43C0];
	[tilespmem:$0x47B0] =	vst v0  }
0x175: {  	v0 =	vld [tilespmem:s19+$0x23C0];
	_ =	sdelay $0x4  }
0x176: {  	v0 =	vadd.f32 v60, v0;
	_ =	sdelay $0x1  }
0x177: {  	v61 =	vld [tilespmem:$0x43D0];
	[tilespmem:$0x47C0] =	vst v0  }
0x178: {  	v0 =	vld [tilespmem:s19+$0x23D0];
	_ =	sdelay $0x4  }
0x179: {  	v0 =	vadd.f32 v61, v0;
	_ =	sdelay $0x1  }
0x17a: {  	v62 =	vld [tilespmem:$0x43E0];
	[tilespmem:$0x47D0] =	vst v0  }
0x17b: {  	v0 =	vld [tilespmem:s19+$0x23E0];
	_ =	sdelay $0x4  }
0x17c: {  	v0 =	vadd.f32 v62, v0;
	_ =	sdelay $0x1  }
0x17d: {  	v63 =	vld [tilespmem:$0x43F0];
	[tilespmem:$0x47E0] =	vst v0  }
0x17e: {  	v0 =	vld [tilespmem:s19+$0x23F0];
	_ =	sdelay $0x4  }
0x17f: {  	v0 =	vadd.f32 v63, v0;
	_ =	sdelay $0x1  }
.Ltmp5:
0x180: {  	[tilespmem:$0x47F0] =	vst v0;
	(pc) =	sbr.rel .LBB2_4-.Ltmp5, $4  }
0x181: {  	[spmem:s30] =	stream.linear.scatter [tilespmem:s9], [sflag:$0x4], $0x400, $0x38;
	[tilespmem:$0xA280] =	vst v63  }
0x182: {  	_ =	swait.ge [sflag:s6], $0x400  }
0x183: {  	[sflag:s6] =	ssyncset.done $0x0  }
0x184: {  	[sflag:s6] =	ssyncadd.s32 $0xFFFFFC00  }
.LBB2_6:
0x185: {  	_ =	sfence.sel $0x180000  }
0x186: {  	[bflag:$0x0] =	sbarrier.arrive $0xFFFF  }
0x187: {  	_ =	strace $0x9000004A  }
0x188: {  	s0 =	stileid.u32;
	[bflag:$0x2] =	sbarrier.arrive $0xFFFF  }
0x189: {  	p0 =	sne.s32 s0, $0x0;
	s0 =	rddreg [dreg:$0x4]  }
0x18a: {  	s0 =	sadd.s32 @!p0 $0x100000, s0  }
0x18b: {  	[sflag:s0] =	ssyncadd.tile.s32 @!p0 $0x1;
	_ =	shalt  }
.Lfunc_end2:
_tile_overlayer_lowered:
.L_overlay_start_2:
0x18c: {  	(tag) =	ssettag $0x2  }
0x18d: {  	s0 =	rddreg [dreg:$0x0];
	s2 =	stileid.u32  }
0x18e: {  	s1 =	rddreg [dreg:$0x1];
	p0 =	sne.s32 s2, $0x0  }
0x18f: {  	s3 =	rddreg [dreg:$0x2];
	[bflag:$0x3] =	sbarrier.arrive $0xFFFF;
	s2 =	simm.s32 @!p0 $0x1C04  }
0x190: {  	[timem:s3], [sflag:s2] =	dma.local @!p0 [hbm:s0], s1  }
0x191: {  	s0 =	simm.s32 @!p0 $0x4  }
0x192: {  	_ =	swait.ge @!p0 [sflag:s0], s1  }
0x193: {  	s1 =	ssub.s32 @!p0 $0x0, s1;
	[sflag:s0] =	ssyncset.done @!p0 $0x0  }
0x194: {  	[sflag:s0] =	ssyncadd.s32 @!p0 s1  }
0x195: {  	[bflag:$0x3] =	sbarrier.arrive $0xFFFF  }
0x196: {  	_ =	shalt  }

</sc_bundles>
